<compile_context>
chip_gen: v7x
topology: tpu7x:2x2x1
jax: 0.10.2.dev20260603
libtpu: 0.0.44.dev20260713+nightly
codegen_flags: <defaults>
</compile_context>

<pallas_src>
import functools

import jax
import jax.numpy as jnp
import numpy as np
from jax import lax
from jax.experimental import pallas as pl
from jax.experimental.pallas import tpu as pltpu
from jax.experimental.pallas import tpu_sc as plsc

N_FIELDS = 26
VOCAB_PER_FIELD = 38462
EMBED_DIM = 16
BATCH = 4096
INPUT_DIMS = N_FIELDS * EMBED_DIM
H1, H2 = 1024, 512

NUM_CORES = 2
NUM_SUBCORES = 16
NUM_WORKERS = NUM_CORES * NUM_SUBCORES
ROWS_PER_WORKER = BATCH * N_FIELDS // NUM_WORKERS
LANES = 16
OFF_PERIOD = 208
_OFF_FLAT = (np.arange(OFF_PERIOD, dtype=np.int32) % N_FIELDS) * VOCAB_PER_FIELD
GATHER_CHUNK = 128
N_CHUNKS = ROWS_PER_WORKER // GATHER_CHUNK


NROWS = 1000012
PADCOL = 1000016
DT_BLOCK = 2048
N_FULL_BLOCKS = NROWS // DT_BLOCK
TAIL = NROWS - N_FULL_BLOCKS * DT_BLOCK
TAILP = 592
TAIL_WORKER = N_FULL_BLOCKS % NUM_WORKERS


def _detile_body(tableT_hbm, tail_hbm, out_hbm, vbuf, sem, semw):
    wid = lax.axis_index("s") * NUM_CORES + lax.axis_index("c")
    nfull = lax.div(N_FULL_BLOCKS - 1 - wid, NUM_WORKERS) + 1

    def block(k, carry):
        b = wid + k * NUM_WORKERS
        c0 = b * DT_BLOCK
        reads = [pltpu.make_async_copy(
            tableT_hbm.at[d, pl.ds(c0, DT_BLOCK)],
            vbuf.at[pl.ds(d * DT_BLOCK, DT_BLOCK)],
            sem,
        ) for d in range(EMBED_DIM)]
        for cp in reads:
            cp.start()
        for cp in reads:
            cp.wait()
        writes = [pltpu.make_async_copy(
            vbuf.at[pl.ds(d * DT_BLOCK, DT_BLOCK)],
            out_hbm.at[pl.ds(d * PADCOL + c0, DT_BLOCK)],
            semw,
        ) for d in range(EMBED_DIM)]
        for cp in writes:
            cp.start()
        for cp in writes:
            cp.wait()
        return carry

    lax.fori_loop(0, nfull, block, 0)

    @pl.when(wid == TAIL_WORKER)
    def _():
        pltpu.sync_copy(tail_hbm, vbuf.at[pl.ds(0, EMBED_DIM * TAILP)])
        for d in range(EMBED_DIM):
            pltpu.make_async_copy(
                vbuf.at[pl.ds(d * TAILP, TAILP)],
                out_hbm.at[pl.ds(d * PADCOL + N_FULL_BLOCKS * DT_BLOCK,
                                 TAILP)],
                semw,
            ).start()
        for d in range(EMBED_DIM):
            pltpu.make_async_copy(
                vbuf.at[pl.ds(d * TAILP, TAILP)],
                out_hbm.at[pl.ds(d * PADCOL + N_FULL_BLOCKS * DT_BLOCK,
                                 TAILP)],
                semw,
            ).wait()


@jax.jit
def _sc_detile(tableT, tail_lin):
    mesh = plsc.VectorSubcoreMesh(core_axis_name="c", subcore_axis_name="s",
                                  num_cores=NUM_CORES,
                                  num_subcores=NUM_SUBCORES)
    fn = pl.kernel(
        _detile_body,
        mesh=mesh,
        out_type=jax.ShapeDtypeStruct((EMBED_DIM * PADCOL,), jnp.float32),
        scratch_types=[
            pltpu.VMEM((EMBED_DIM * DT_BLOCK,), jnp.float32),
            pltpu.SemaphoreType.DMA,
            pltpu.SemaphoreType.DMA,
        ],
        compiler_params=pltpu.CompilerParams(use_tc_tiling_on_sc=True,
                                             needs_layout_passes=False),
    )
    return fn(tableT, tail_lin)


def _gather_body(tabd_hbm, xflat_hbm, off_hbm, out_hbm, xbuf, idx2, offb,
                 dg, rows, sem):
    wid = lax.axis_index("s") * NUM_CORES + lax.axis_index("c")
    base = wid * ROWS_PER_WORKER
    pltpu.sync_copy(xflat_hbm.at[pl.ds(base, ROWS_PER_WORKER)], xbuf)
    pltpu.sync_copy(off_hbm, offb)

    def add_off(v, carry):
        p = v * LANES
        q = (v % (OFF_PERIOD // LANES)) * LANES
        idx2[pl.ds(p, LANES)] = xbuf[pl.ds(p, LANES)] + offb[pl.ds(q, LANES)]
        return carry

    lax.fori_loop(0, ROWS_PER_WORKER // LANES, add_off, 0, unroll=4)

    def chunk(c, carry):
        s = c * GATHER_CHUNK
        cps = [pltpu.make_async_copy(
            tabd_hbm.at[pl.ds(d * PADCOL, PADCOL)].at[idx2.at[
                pl.ds(s, GATHER_CHUNK)]],
            dg.at[pl.ds(d * ROWS_PER_WORKER + s, GATHER_CHUNK)],
            sem,
        ) for d in range(EMBED_DIM)]
        for cp in cps:
            cp.start()
        for cp in cps:
            cp.wait()
        return carry

    lax.fori_loop(0, N_CHUNKS, chunk, 0)

    gidx0 = lax.iota(jnp.int32, LANES) * ROWS_PER_WORKER

    def shuf(p, carry):
        for t in range(4):
            pp = p + t * (ROWS_PER_WORKER // 4)
            v = plsc.load_gather(dg, [gidx0 + pp])
            rows[pl.ds(pp * EMBED_DIM, LANES)] = v
        return carry

    lax.fori_loop(0, ROWS_PER_WORKER // 4, shuf, 0, unroll=4)

    pltpu.sync_copy(rows.at[pl.ds(0, ROWS_PER_WORKER * EMBED_DIM)],
                    out_hbm.at[pl.ds(base * EMBED_DIM,
                                     ROWS_PER_WORKER * EMBED_DIM)])


@jax.jit
def _sc_gather(emb_table, x_flat, off_flat):
    mesh = plsc.VectorSubcoreMesh(core_axis_name="c", subcore_axis_name="s",
                                  num_cores=NUM_CORES,
                                  num_subcores=NUM_SUBCORES)
    fn = pl.kernel(
        _gather_body,
        mesh=mesh,
        out_type=jax.ShapeDtypeStruct((BATCH * N_FIELDS * EMBED_DIM,),
                                      jnp.float32),
        scratch_types=[
            pltpu.VMEM((ROWS_PER_WORKER,), jnp.int32),
            pltpu.VMEM((ROWS_PER_WORKER,), jnp.int32),
            pltpu.VMEM((OFF_PERIOD,), jnp.int32),
            pltpu.VMEM((EMBED_DIM * ROWS_PER_WORKER,), jnp.float32),
            pltpu.VMEM((ROWS_PER_WORKER * EMBED_DIM,), jnp.float32),
            pltpu.SemaphoreType.DMA,
        ],
        compiler_params=pltpu.CompilerParams(use_tc_tiling_on_sc=False,
                                             needs_layout_passes=False),
    )
    return fn(emb_table, x_flat, off_flat)


def _mlp_body(h_ref, w1_ref, b1_ref, w2_ref, b2_ref, w3_ref, b3_ref, o_ref):
    a1 = jnp.dot(h_ref[...], w1_ref[...], preferred_element_type=jnp.float32)
    a1 = jnp.maximum(a1 + b1_ref[...], 0.0)
    a2 = jnp.dot(a1, w2_ref[...], preferred_element_type=jnp.float32)
    a2 = jnp.maximum(a2 + b2_ref[...], 0.0)
    z = jnp.dot(a2, w3_ref[...], preferred_element_type=jnp.float32)
    z = z + b3_ref[...]
    o_ref[...] = 1.0 / (1.0 + jnp.exp(-z))


MLP_BLOCK = 512
N_BLOCKS = BATCH // MLP_BLOCK
W3_PAD = 128


@jax.jit
def _tc_mlp(h, W1, b1, W2, b2, W3p, b3p):
    return pl.pallas_call(
        _mlp_body,
        grid=(N_BLOCKS,),
        in_specs=[
            pl.BlockSpec((MLP_BLOCK, INPUT_DIMS), lambda i: (i, 0)),
            pl.BlockSpec((INPUT_DIMS, H1), lambda i: (0, 0)),
            pl.BlockSpec((1, H1), lambda i: (0, 0)),
            pl.BlockSpec((H1, H2), lambda i: (0, 0)),
            pl.BlockSpec((1, H2), lambda i: (0, 0)),
            pl.BlockSpec((H2, W3_PAD), lambda i: (0, 0)),
            pl.BlockSpec((1, W3_PAD), lambda i: (0, 0)),
        ],
        out_specs=pl.BlockSpec((MLP_BLOCK, W3_PAD), lambda i: (i, 0)),
        out_shape=jax.ShapeDtypeStruct((BATCH, W3_PAD), jnp.float32),
    )(h, W1, b1, W2, b2, W3p, b3p)


def kernel(emb_table, W1, b1, W2, b2, W3, b3, x, current_epoch, current_step):
    x_flat = x.reshape(-1)
    off_flat = jnp.asarray(_OFF_FLAT)
    tableT = jnp.swapaxes(emb_table, 0, 1)
    tail_lin = jnp.pad(tableT[:, N_FULL_BLOCKS * DT_BLOCK:],
                       ((0, 0), (0, TAILP - TAIL))).reshape(-1)
    table_dmaj = _sc_detile(tableT, tail_lin)
    gathered = _sc_gather(table_dmaj, x_flat, off_flat)
    h = gathered.reshape(BATCH, INPUT_DIMS)
    W3p = jnp.pad(W3, ((0, 0), (0, W3_PAD - 1)))
    b3p = jnp.pad(b3, (0, W3_PAD - 1)).reshape(1, W3_PAD)
    out = _tc_mlp(h, W1, b1.reshape(1, H1), W2, b2.reshape(1, H2), W3p, b3p)
    return out[:, :1]

# --- scband reference (transcript-rebuilt; emitter-appended) ---
"""Pipeline reference for scband-base-model-32384053412586 (READ-ONLY COPY).

The authoritative reference and input builder live on the scoring server;
editing this copy changes nothing except your own understanding.
"""

import jax, jax.numpy as jnp
import numpy as np

UNIQUE_VALUES = [38462] * 26
TOTAL_VOCAB = int(np.sum(UNIQUE_VALUES))
OFFSETS = np.concatenate(([0], np.cumsum(UNIQUE_VALUES)[:-1])).astype(np.int32)
EMBED_DIM = 16
BATCH = 4096
N_FIELDS = 26
INPUT_DIMS = EMBED_DIM * N_FIELDS
H1, H2 = 1024, 512


def setup_inputs(seed: int = 0) -> dict:
    key = jax.random.key(seed)
    ks = jax.random.split(key, 8)
    x = jax.random.randint(ks[0], (BATCH, N_FIELDS), 0, 38462, dtype=jnp.int32)
    # nn.Embedding weight init: normal(mean=0, std=0.01)
    emb_table = jax.random.normal(ks[1], (TOTAL_VOCAB, EMBED_DIM), dtype=jnp.float32) * 0.01
    # simple MLP backbone params (stand-in for get_model(backbone)('rec'))
    W1 = jax.random.normal(ks[2], (INPUT_DIMS, H1), dtype=jnp.float32) * (1.0 / np.sqrt(INPUT_DIMS))
    b1 = jnp.zeros((H1,), dtype=jnp.float32)
    W2 = jax.random.normal(ks[3], (H1, H2), dtype=jnp.float32) * (1.0 / np.sqrt(H1))
    b2 = jnp.zeros((H2,), dtype=jnp.float32)
    W3 = jax.random.normal(ks[4], (H2, 1), dtype=jnp.float32) * (1.0 / np.sqrt(H2))
    b3 = jnp.zeros((1,), dtype=jnp.float32)
    return {"emb_table": emb_table, "W1": W1, "b1": b1, "W2": W2, "b2": b2,
            "W3": W3, "b3": b3, "x": x, "current_epoch": 0, "current_step": 0}


def reference(emb_table, W1, b1, W2, b2, W3, b3, x, current_epoch, current_step):
    # x = self.embedding(x + offsets)
    idx = x + jnp.asarray(OFFSETS, dtype=x.dtype)[None, :]
    e = jnp.take(emb_table, idx, axis=0)  # [B, 26, 16] gather from ~1M-row table
    # es / fs are pass-through (no_search / no_selection)
    h = e.reshape(e.shape[0], -1)  # [B, input_dims]
    # backbone MLP
    h = jax.nn.relu(h @ W1 + b1)
    h = jax.nn.relu(h @ W2 + b2)
    out = jax.nn.sigmoid(h @ W3 + b3)  # [B, 1]
    return out

if __name__ == "__main__":
    import jax
    _d = setup_inputs()
    print(jax.jit(kernel)(*tuple(_d.values())))

</pallas_src>

<mosaic_0001>
#map = affine_map<(d0, d1) -> (0, 0)>
#map1 = affine_map<(d0, d1) -> (0)>
module attributes {stable_mosaic.version = 14 : i64} {
  func.func @_detile_body(%arg0: i32, %arg1: i32, %arg2: memref<16x1000012xf32, #tpu.memory_space<hbm>>, %arg3: memref<9472xf32, #tpu.memory_space<hbm>>, %arg4: memref<16000256xf32, #tpu.memory_space<hbm>>, %arg5: memref<32768xf32, #tpu.memory_space<vmem>>, %arg6: memref<!tpu.dma_semaphore, #tpu.memory_space<semaphore_mem>>, %arg7: memref<!tpu.dma_semaphore, #tpu.memory_space<semaphore_mem>>) attributes {dimension_semantics = [#tpu.dimension_semantics<core_parallel>, #tpu.dimension_semantics<subcore_parallel>], iteration_bounds = array<i64: 2, 16>, scalar_prefetch = 0 : i64, scratch_operands = 3 : i64, tpu.core_type = #tpu.core_type<sc_vector_subcore>, window_params = [{transform_indices = #map}, {transform_indices = #map1}, {transform_indices = #map1}]} {
    %mul3A = arith.constant 2 : i32
    %mul3A_0 = arith.muli %arg1, %mul3A : i32
    %add3A = arith.addi %mul3A_0, %arg0 : i32
    %sub3A = arith.constant 487 : i32
    %sub3A_1 = arith.subi %sub3A, %add3A : i32
    %div3A = arith.constant 32 : i32
    %div3A_2 = arith.divsi %sub3A_1, %div3A : i32
    %add3A_3 = arith.constant 1 : i32
    %add3A_4 = arith.addi %div3A_2, %add3A_3 : i32
    %while3A = arith.constant 0 : i32
    %while3A_5 = arith.constant 0 : i32
    %while3A_6 = arith.subi %add3A_4, %while3A_5 : i32
    %while3A_7 = arith.addi %while3A_5, %while3A_6 : i32
    %while3A_8 = arith.constant 1 : i32
    %while3A_9 = arith.divsi %while3A_6, %while3A_8 : i32
    %while3A_10 = arith.muli %while3A_9, %while3A_8 : i32
    %while3A_11 = arith.addi %while3A_5, %while3A_10 : i32
    %while3A_12 = arith.constant 1 : i32
    scf.for %while3A_16 = %while3A_5 to %while3A_11 step %while3A_12  : i32 {
      %mul3A_17 = arith.constant 32 : i32
      %mul3A_18 = arith.muli %while3A_16, %mul3A_17 : i32
      %add3A_19 = arith.addi %add3A, %mul3A_18 : i32
      %mul3A_20 = arith.constant 2048 : i32
      %mul3A_21 = arith.muli %add3A_19, %mul3A_20 : i32
      %dma_start3A = arith.constant 0 : i32
      %dma_start3A_22 = arith.constant 0 : i32
      %dma_start3A_23 = tpu.memref_slice %arg5[%dma_start3A_22] : memref<32768xf32, #tpu.memory_space<vmem>> -> memref<2048xf32, #tpu.memory_space<vmem>>
      %dma_start3A_24 = tpu.memref_slice %arg2[%dma_start3A, %mul3A_21] : memref<16x1000012xf32, #tpu.memory_space<hbm>> -> memref<1x2048xf32, #tpu.memory_space<hbm>>
      %dma_start3A_25 = tpu.memref_squeeze %dma_start3A_24 : memref<1x2048xf32, #tpu.memory_space<hbm>> -> memref<2048xf32, #tpu.memory_space<hbm>>
      %dma_start3A_26 = arith.constant 0 : i32
      %dma_start3A_27 = tpu.memref_slice %arg5[%dma_start3A_26] : memref<32768xf32, #tpu.memory_space<vmem>> -> memref<2048xf32, #tpu.memory_space<vmem>>
      %dma_start3A_28 = tpu.memref_slice %arg2[%dma_start3A, %mul3A_21] : memref<16x1000012xf32, #tpu.memory_space<hbm>> -> memref<1x2048xf32, #tpu.memory_space<hbm>>
      %dma_start3A_29 = tpu.memref_squeeze %dma_start3A_28 : memref<1x2048xf32, #tpu.memory_space<hbm>> -> memref<2048xf32, #tpu.memory_space<hbm>>
      tpu.enqueue_dma source(%dma_start3A_29 : memref<2048xf32, #tpu.memory_space<hbm>>) target(%dma_start3A_27 : memref<2048xf32, #tpu.memory_space<vmem>>) target_semaphore(%arg6 : memref<!tpu.dma_semaphore, #tpu.memory_space<semaphore_mem>>)
      %dma_start3A_30 = arith.constant 1 : i32
      %dma_start3A_31 = arith.constant 2048 : i32
      %dma_start3A_32 = tpu.memref_slice %arg5[%dma_start3A_31] : memref<32768xf32, #tpu.memory_space<vmem>> -> memref<2048xf32, #tpu.memory_space<vmem>>
      %dma_start3A_33 = tpu.memref_slice %arg2[%dma_start3A_30, %mul3A_21] : memref<16x1000012xf32, #tpu.memory_space<hbm>> -> memref<1x2048xf32, #tpu.memory_space<hbm>>
      %dma_start3A_34 = tpu.memref_squeeze %dma_start3A_33 : memref<1x2048xf32, #tpu.memory_space<hbm>> -> memref<2048xf32, #tpu.memory_space<hbm>>
      %dma_start3A_35 = arith.constant 2048 : i32
      %dma_start3A_36 = tpu.memref_slice %arg5[%dma_start3A_35] : memref<32768xf32, #tpu.memory_space<vmem>> -> memref<2048xf32, #tpu.memory_space<vmem>>
      %dma_start3A_37 = tpu.memref_slice %arg2[%dma_start3A_30, %mul3A_21] : memref<16x1000012xf32, #tpu.memory_space<hbm>> -> memref<1x2048xf32, #tpu.memory_space<hbm>>
      %dma_start3A_38 = tpu.memref_squeeze %dma_start3A_37 : memref<1x2048xf32, #tpu.memory_space<hbm>> -> memref<2048xf32, #tpu.memory_space<hbm>>
      tpu.enqueue_dma source(%dma_start3A_38 : memref<2048xf32, #tpu.memory_space<hbm>>) target(%dma_start3A_36 : memref<2048xf32, #tpu.memory_space<vmem>>) target_semaphore(%arg6 : memref<!tpu.dma_semaphore, #tpu.memory_space<semaphore_mem>>)
      %dma_start3A_39 = arith.constant 2 : i32
      %dma_start3A_40 = arith.constant 4096 : i32
      %dma_start3A_41 = tpu.memref_slice %arg5[%dma_start3A_40] : memref<32768xf32, #tpu.memory_space<vmem>> -> memref<2048xf32, #tpu.memory_space<vmem>>
      %dma_start3A_42 = tpu.memref_slice %arg2[%dma_start3A_39, %mul3A_21] : memref<16x1000012xf32, #tpu.memory_space<hbm>> -> memref<1x2048xf32, #tpu.memory_space<hbm>>
      %dma_start3A_43 = tpu.memref_squeeze %dma_start3A_42 : memref<1x2048xf32, #tpu.memory_space<hbm>> -> memref<2048xf32, #tpu.memory_space<hbm>>
      %dma_start3A_44 = arith.constant 4096 : i32
      %dma_start3A_45 = tpu.memref_slice %arg5[%dma_start3A_44] : memref<32768xf32, #tpu.memory_space<vmem>> -> memref<2048xf32, #tpu.memory_space<vmem>>
      %dma_start3A_46 = tpu.memref_slice %arg2[%dma_start3A_39, %mul3A_21] : memref<16x1000012xf32, #tpu.memory_space<hbm>> -> memref<1x2048xf32, #tpu.memory_space<hbm>>
      %dma_start3A_47 = tpu.memref_squeeze %dma_start3A_46 : memref<1x2048xf32, #tpu.memory_space<hbm>> -> memref<2048xf32, #tpu.memory_space<hbm>>
      tpu.enqueue_dma source(%dma_start3A_47 : memref<2048xf32, #tpu.memory_space<hbm>>) target(%dma_start3A_45 : memref<2048xf32, #tpu.memory_space<vmem>>) target_semaphore(%arg6 : memref<!tpu.dma_semaphore, #tpu.memory_space<semaphore_mem>>)
      %dma_start3A_48 = arith.constant 3 : i32
      %dma_start3A_49 = arith.constant 6144 : i32
      %dma_start3A_50 = tpu.memref_slice %arg5[%dma_start3A_49] : memref<32768xf32, #tpu.memory_space<vmem>> -> memref<2048xf32, #tpu.memory_space<vmem>>
      %dma_start3A_51 = tpu.memref_slice %arg2[%dma_start3A_48, %mul3A_21] : memref<16x1000012xf32, #tpu.memory_space<hbm>> -> memref<1x2048xf32, #tpu.memory_space<hbm>>
      %dma_start3A_52 = tpu.memref_squeeze %dma_start3A_51 : memref<1x2048xf32, #tpu.memory_space<hbm>> -> memref<2048xf32, #tpu.memory_space<hbm>>
      %dma_start3A_53 = arith.constant 6144 : i32
      %dma_start3A_54 = tpu.memref_slice %arg5[%dma_start3A_53] : memref<32768xf32, #tpu.memory_space<vmem>> -> memref<2048xf32, #tpu.memory_space<vmem>>
      %dma_start3A_55 = tpu.memref_slice %arg2[%dma_start3A_48, %mul3A_21] : memref<16x1000012xf32, #tpu.memory_space<hbm>> -> memref<1x2048xf32, #tpu.memory_space<hbm>>
      %dma_start3A_56 = tpu.memref_squeeze %dma_start3A_55 : memref<1x2048xf32, #tpu.memory_space<hbm>> -> memref<2048xf32, #tpu.memory_space<hbm>>
      tpu.enqueue_dma source(%dma_start3A_56 : memref<2048xf32, #tpu.memory_space<hbm>>) target(%dma_start3A_54 : memref<2048xf32, #tpu.memory_space<vmem>>) target_semaphore(%arg6 : memref<!tpu.dma_semaphore, #tpu.memory_space<semaphore_mem>>)
      %dma_start3A_57 = arith.constant 4 : i32
      %dma_start3A_58 = arith.constant 8192 : i32
      %dma_start3A_59 = tpu.memref_slice %arg5[%dma_start3A_58] : memref<32768xf32, #tpu.memory_space<vmem>> -> memref<2048xf32, #tpu.memory_space<vmem>>
      %dma_start3A_60 = tpu.memref_slice %arg2[%dma_start3A_57, %mul3A_21] : memref<16x1000012xf32, #tpu.memory_space<hbm>> -> memref<1x2048xf32, #tpu.memory_space<hbm>>
      %dma_start3A_61 = tpu.memref_squeeze %dma_start3A_60 : memref<1x2048xf32, #tpu.memory_space<hbm>> -> memref<2048xf32, #tpu.memory_space<hbm>>
      %dma_start3A_62 = arith.constant 8192 : i32
      %dma_start3A_63 = tpu.memref_slice %arg5[%dma_start3A_62] : memref<32768xf32, #tpu.memory_space<vmem>> -> memref<2048xf32, #tpu.memory_space<vmem>>
      %dma_start3A_64 = tpu.memref_slice %arg2[%dma_start3A_57, %mul3A_21] : memref<16x1000012xf32, #tpu.memory_space<hbm>> -> memref<1x2048xf32, #tpu.memory_space<hbm>>
      %dma_start3A_65 = tpu.memref_squeeze %dma_start3A_64 : memref<1x2048xf32, #tpu.memory_space<hbm>> -> memref<2048xf32, #tpu.memory_space<hbm>>
      tpu.enqueue_dma source(%dma_start3A_65 : memref<2048xf32, #tpu.memory_space<hbm>>) target(%dma_start3A_63 : memref<2048xf32, #tpu.memory_space<vmem>>) target_semaphore(%arg6 : memref<!tpu.dma_semaphore, #tpu.memory_space<semaphore_mem>>)
      %dma_start3A_66 = arith.constant 5 : i32
      %dma_start3A_67 = arith.constant 10240 : i32
      %dma_start3A_68 = tpu.memref_slice %arg5[%dma_start3A_67] : memref<32768xf32, #tpu.memory_space<vmem>> -> memref<2048xf32, #tpu.memory_space<vmem>>
      %dma_start3A_69 = tpu.memref_slice %arg2[%dma_start3A_66, %mul3A_21] : memref<16x1000012xf32, #tpu.memory_space<hbm>> -> memref<1x2048xf32, #tpu.memory_space<hbm>>
      %dma_start3A_70 = tpu.memref_squeeze %dma_start3A_69 : memref<1x2048xf32, #tpu.memory_space<hbm>> -> memref<2048xf32, #tpu.memory_space<hbm>>
      %dma_start3A_71 = arith.constant 10240 : i32
      %dma_start3A_72 = tpu.memref_slice %arg5[%dma_start3A_71] : memref<32768xf32, #tpu.memory_space<vmem>> -> memref<2048xf32, #tpu.memory_space<vmem>>
      %dma_start3A_73 = tpu.memref_slice %arg2[%dma_start3A_66, %mul3A_21] : memref<16x1000012xf32, #tpu.memory_space<hbm>> -> memref<1x2048xf32, #tpu.memory_space<hbm>>
      %dma_start3A_74 = tpu.memref_squeeze %dma_start3A_73 : memref<1x2048xf32, #tpu.memory_space<hbm>> -> memref<2048xf32, #tpu.memory_space<hbm>>
      tpu.enqueue_dma source(%dma_start3A_74 : memref<2048xf32, #tpu.memory_space<hbm>>) target(%dma_start3A_72 : memref<2048xf32, #tpu.memory_space<vmem>>) target_semaphore(%arg6 : memref<!tpu.dma_semaphore, #tpu.memory_space<semaphore_mem>>)
      %dma_start3A_75 = arith.constant 6 : i32
      %dma_start3A_76 = arith.constant 12288 : i32
      %dma_start3A_77 = tpu.memref_slice %arg5[%dma_start3A_76] : memref<32768xf32, #tpu.memory_space<vmem>> -> memref<2048xf32, #tpu.memory_space<vmem>>
      %dma_start3A_78 = tpu.memref_slice %arg2[%dma_start3A_75, %mul3A_21] : memref<16x1000012xf32, #tpu.memory_space<hbm>> -> memref<1x2048xf32, #tpu.memory_space<hbm>>
      %dma_start3A_79 = tpu.memref_squeeze %dma_start3A_78 : memref<1x2048xf32, #tpu.memory_space<hbm>> -> memref<2048xf32, #tpu.memory_space<hbm>>
      %dma_start3A_80 = arith.constant 12288 : i32
      %dma_start3A_81 = tpu.memref_slice %arg5[%dma_start3A_80] : memref<32768xf32, #tpu.memory_space<vmem>> -> memref<2048xf32, #tpu.memory_space<vmem>>
      %dma_start3A_82 = tpu.memref_slice %arg2[%dma_start3A_75, %mul3A_21] : memref<16x1000012xf32, #tpu.memory_space<hbm>> -> memref<1x2048xf32, #tpu.memory_space<hbm>>
      %dma_start3A_83 = tpu.memref_squeeze %dma_start3A_82 : memref<1x2048xf32, #tpu.memory_space<hbm>> -> memref<2048xf32, #tpu.memory_space<hbm>>
      tpu.enqueue_dma source(%dma_start3A_83 : memref<2048xf32, #tpu.memory_space<hbm>>) target(%dma_start3A_81 : memref<2048xf32, #tpu.memory_space<vmem>>) target_semaphore(%arg6 : memref<!tpu.dma_semaphore, #tpu.memory_space<semaphore_mem>>)
      %dma_start3A_84 = arith.constant 7 : i32
      %dma_start3A_85 = arith.constant 14336 : i32
      %dma_start3A_86 = tpu.memref_slice %arg5[%dma_start3A_85] : memref<32768xf32, #tpu.memory_space<vmem>> -> memref<2048xf32, #tpu.memory_space<vmem>>
      %dma_start3A_87 = tpu.memref_slice %arg2[%dma_start3A_84, %mul3A_21] : memref<16x1000012xf32, #tpu.memory_space<hbm>> -> memref<1x2048xf32, #tpu.memory_space<hbm>>
      %dma_start3A_88 = tpu.memref_squeeze %dma_start3A_87 : memref<1x2048xf32, #tpu.memory_space<hbm>> -> memref<2048xf32, #tpu.memory_space<hbm>>
      %dma_start3A_89 = arith.constant 14336 : i32
      %dma_start3A_90 = tpu.memref_slice %arg5[%dma_start3A_89] : memref<32768xf32, #tpu.memory_space<vmem>> -> memref<2048xf32, #tpu.memory_space<vmem>>
      %dma_start3A_91 = tpu.memref_slice %arg2[%dma_start3A_84, %mul3A_21] : memref<16x1000012xf32, #tpu.memory_space<hbm>> -> memref<1x2048xf32, #tpu.memory_space<hbm>>
      %dma_start3A_92 = tpu.memref_squeeze %dma_start3A_91 : memref<1x2048xf32, #tpu.memory_space<hbm>> -> memref<2048xf32, #tpu.memory_space<hbm>>
      tpu.enqueue_dma source(%dma_start3A_92 : memref<2048xf32, #tpu.memory_space<hbm>>) target(%dma_start3A_90 : memref<2048xf32, #tpu.memory_space<vmem>>) target_semaphore(%arg6 : memref<!tpu.dma_semaphore, #tpu.memory_space<semaphore_mem>>)
      %dma_start3A_93 = arith.constant 8 : i32
      %dma_start3A_94 = arith.constant 16384 : i32
      %dma_start3A_95 = tpu.memref_slice %arg5[%dma_start3A_94] : memref<32768xf32, #tpu.memory_space<vmem>> -> memref<2048xf32, #tpu.memory_space<vmem>>
      %dma_start3A_96 = tpu.memref_slice %arg2[%dma_start3A_93, %mul3A_21] : memref<16x1000012xf32, #tpu.memory_space<hbm>> -> memref<1x2048xf32, #tpu.memory_space<hbm>>
      %dma_start3A_97 = tpu.memref_squeeze %dma_start3A_96 : memref<1x2048xf32, #tpu.memory_space<hbm>> -> memref<2048xf32, #tpu.memory_space<hbm>>
      %dma_start3A_98 = arith.constant 16384 : i32
      %dma_start3A_99 = tpu.memref_slice %arg5[%dma_start3A_98] : memref<32768xf32, #tpu.memory_space<vmem>> -> memref<2048xf32, #tpu.memory_space<vmem>>
      %dma_start3A_100 = tpu.memref_slice %arg2[%dma_start3A_93, %mul3A_21] : memref<16x1000012xf32, #tpu.memory_space<hbm>> -> memref<1x2048xf32, #tpu.memory_space<hbm>>
      %dma_start3A_101 = tpu.memref_squeeze %dma_start3A_100 : memref<1x2048xf32, #tpu.memory_space<hbm>> -> memref<2048xf32, #tpu.memory_space<hbm>>
      tpu.enqueue_dma source(%dma_start3A_101 : memref<2048xf32, #tpu.memory_space<hbm>>) target(%dma_start3A_99 : memref<2048xf32, #tpu.memory_space<vmem>>) target_semaphore(%arg6 : memref<!tpu.dma_semaphore, #tpu.memory_space<semaphore_mem>>)
      %dma_start3A_102 = arith.constant 9 : i32
      %dma_start3A_103 = arith.constant 18432 : i32
      %dma_start3A_104 = tpu.memref_slice %arg5[%dma_start3A_103] : memref<32768xf32, #tpu.memory_space<vmem>> -> memref<2048xf32, #tpu.memory_space<vmem>>
      %dma_start3A_105 = tpu.memref_slice %arg2[%dma_start3A_102, %mul3A_21] : memref<16x1000012xf32, #tpu.memory_space<hbm>> -> memref<1x2048xf32, #tpu.memory_space<hbm>>
      %dma_start3A_106 = tpu.memref_squeeze %dma_start3A_105 : memref<1x2048xf32, #tpu.memory_space<hbm>> -> memref<2048xf32, #tpu.memory_space<hbm>>
      %dma_start3A_107 = arith.constant 18432 : i32
      %dma_start3A_108 = tpu.memref_slice %arg5[%dma_start3A_107] : memref<32768xf32, #tpu.memory_space<vmem>> -> memref<2048xf32, #tpu.memory_space<vmem>>
      %dma_start3A_109 = tpu.memref_slice %arg2[%dma_start3A_102, %mul3A_21] : memref<16x1000012xf32, #tpu.memory_space<hbm>> -> memref<1x2048xf32, #tpu.memory_space<hbm>>
      %dma_start3A_110 = tpu.memref_squeeze %dma_start3A_109 : memref<1x2048xf32, #tpu.memory_space<hbm>> -> memref<2048xf32, #tpu.memory_space<hbm>>
      tpu.enqueue_dma source(%dma_start3A_110 : memref<2048xf32, #tpu.memory_space<hbm>>) target(%dma_start3A_108 : memref<2048xf32, #tpu.memory_space<vmem>>) target_semaphore(%arg6 : memref<!tpu.dma_semaphore, #tpu.memory_space<semaphore_mem>>)
      %dma_start3A_111 = arith.constant 10 : i32
      %dma_start3A_112 = arith.constant 20480 : i32
      %dma_start3A_113 = tpu.memref_slice %arg5[%dma_start3A_112] : memref<32768xf32, #tpu.memory_space<vmem>> -> memref<2048xf32, #tpu.memory_space<vmem>>
      %dma_start3A_114 = tpu.memref_slice %arg2[%dma_start3A_111, %mul3A_21] : memref<16x1000012xf32, #tpu.memory_space<hbm>> -> memref<1x2048xf32, #tpu.memory_space<hbm>>
      %dma_start3A_115 = tpu.memref_squeeze %dma_start3A_114 : memref<1x2048xf32, #tpu.memory_space<hbm>> -> memref<2048xf32, #tpu.memory_space<hbm>>
      %dma_start3A_116 = arith.constant 20480 : i32
      %dma_start3A_117 = tpu.memref_slice %arg5[%dma_start3A_116] : memref<32768xf32, #tpu.memory_space<vmem>> -> memref<2048xf32, #tpu.memory_space<vmem>>
      %dma_start3A_118 = tpu.memref_slice %arg2[%dma_start3A_111, %mul3A_21] : memref<16x1000012xf32, #tpu.memory_space<hbm>> -> memref<1x2048xf32, #tpu.memory_space<hbm>>
      %dma_start3A_119 = tpu.memref_squeeze %dma_start3A_118 : memref<1x2048xf32, #tpu.memory_space<hbm>> -> memref<2048xf32, #tpu.memory_space<hbm>>
      tpu.enqueue_dma source(%dma_start3A_119 : memref<2048xf32, #tpu.memory_space<hbm>>) target(%dma_start3A_117 : memref<2048xf32, #tpu.memory_space<vmem>>) target_semaphore(%arg6 : memref<!tpu.dma_semaphore, #tpu.memory_space<semaphore_mem>>)
      %dma_start3A_120 = arith.constant 11 : i32
      %dma_start3A_121 = arith.constant 22528 : i32
      %dma_start3A_122 = tpu.memref_slice %arg5[%dma_start3A_121] : memref<32768xf32, #tpu.memory_space<vmem>> -> memref<2048xf32, #tpu.memory_space<vmem>>
      %dma_start3A_123 = tpu.memref_slice %arg2[%dma_start3A_120, %mul3A_21] : memref<16x1000012xf32, #tpu.memory_space<hbm>> -> memref<1x2048xf32, #tpu.memory_space<hbm>>
      %dma_start3A_124 = tpu.memref_squeeze %dma_start3A_123 : memref<1x2048xf32, #tpu.memory_space<hbm>> -> memref<2048xf32, #tpu.memory_space<hbm>>
      %dma_start3A_125 = arith.constant 22528 : i32
      %dma_start3A_126 = tpu.memref_slice %arg5[%dma_start3A_125] : memref<32768xf32, #tpu.memory_space<vmem>> -> memref<2048xf32, #tpu.memory_space<vmem>>
      %dma_start3A_127 = tpu.memref_slice %arg2[%dma_start3A_120, %mul3A_21] : memref<16x1000012xf32, #tpu.memory_space<hbm>> -> memref<1x2048xf32, #tpu.memory_space<hbm>>
      %dma_start3A_128 = tpu.memref_squeeze %dma_start3A_127 : memref<1x2048xf32, #tpu.memory_space<hbm>> -> memref<2048xf32, #tpu.memory_space<hbm>>
      tpu.enqueue_dma source(%dma_start3A_128 : memref<2048xf32, #tpu.memory_space<hbm>>) target(%dma_start3A_126 : memref<2048xf32, #tpu.memory_space<vmem>>) target_semaphore(%arg6 : memref<!tpu.dma_semaphore, #tpu.memory_space<semaphore_mem>>)
      %dma_start3A_129 = arith.constant 12 : i32
      %dma_start3A_130 = arith.constant 24576 : i32
      %dma_start3A_131 = tpu.memref_slice %arg5[%dma_start3A_130] : memref<32768xf32, #tpu.memory_space<vmem>> -> memref<2048xf32, #tpu.memory_space<vmem>>
      %dma_start3A_132 = tpu.memref_slice %arg2[%dma_start3A_129, %mul3A_21] : memref<16x1000012xf32, #tpu.memory_space<hbm>> -> memref<1x2048xf32, #tpu.memory_space<hbm>>
      %dma_start3A_133 = tpu.memref_squeeze %dma_start3A_132 : memref<1x2048xf32, #tpu.memory_space<hbm>> -> memref<2048xf32, #tpu.memory_space<hbm>>
      %dma_start3A_134 = arith.constant 24576 : i32
      %dma_start3A_135 = tpu.memref_slice %arg5[%dma_start3A_134] : memref<32768xf32, #tpu.memory_space<vmem>> -> memref<2048xf32, #tpu.memory_space<vmem>>
      %dma_start3A_136 = tpu.memref_slice %arg2[%dma_start3A_129, %mul3A_21] : memref<16x1000012xf32, #tpu.memory_space<hbm>> -> memref<1x2048xf32, #tpu.memory_space<hbm>>
      %dma_start3A_137 = tpu.memref_squeeze %dma_start3A_136 : memref<1x2048xf32, #tpu.memory_space<hbm>> -> memref<2048xf32, #tpu.memory_space<hbm>>
      tpu.enqueue_dma source(%dma_start3A_137 : memref<2048xf32, #tpu.memory_space<hbm>>) target(%dma_start3A_135 : memref<2048xf32, #tpu.memory_space<vmem>>) target_semaphore(%arg6 : memref<!tpu.dma_semaphore, #tpu.memory_space<semaphore_mem>>)
      %dma_start3A_138 = arith.constant 13 : i32
      %dma_start3A_139 = arith.constant 26624 : i32
      %dma_start3A_140 = tpu.memref_slice %arg5[%dma_start3A_139] : memref<32768xf32, #tpu.memory_space<vmem>> -> memref<2048xf32, #tpu.memory_space<vmem>>
      %dma_start3A_141 = tpu.memref_slice %arg2[%dma_start3A_138, %mul3A_21] : memref<16x1000012xf32, #tpu.memory_space<hbm>> -> memref<1x2048xf32, #tpu.memory_space<hbm>>
      %dma_start3A_142 = tpu.memref_squeeze %dma_start3A_141 : memref<1x2048xf32, #tpu.memory_space<hbm>> -> memref<2048xf32, #tpu.memory_space<hbm>>
      %dma_start3A_143 = arith.constant 26624 : i32
      %dma_start3A_144 = tpu.memref_slice %arg5[%dma_start3A_143] : memref<32768xf32, #tpu.memory_space<vmem>> -> memref<2048xf32, #tpu.memory_space<vmem>>
      %dma_start3A_145 = tpu.memref_slice %arg2[%dma_start3A_138, %mul3A_21] : memref<16x1000012xf32, #tpu.memory_space<hbm>> -> memref<1x2048xf32, #tpu.memory_space<hbm>>
      %dma_start3A_146 = tpu.memref_squeeze %dma_start3A_145 : memref<1x2048xf32, #tpu.memory_space<hbm>> -> memref<2048xf32, #tpu.memory_space<hbm>>
      tpu.enqueue_dma source(%dma_start3A_146 : memref<2048xf32, #tpu.memory_space<hbm>>) target(%dma_start3A_144 : memref<2048xf32, #tpu.memory_space<vmem>>) target_semaphore(%arg6 : memref<!tpu.dma_semaphore, #tpu.memory_space<semaphore_mem>>)
      %dma_start3A_147 = arith.constant 14 : i32
      %dma_start3A_148 = arith.constant 28672 : i32
      %dma_start3A_149 = tpu.memref_slice %arg5[%dma_start3A_148] : memref<32768xf32, #tpu.memory_space<vmem>> -> memref<2048xf32, #tpu.memory_space<vmem>>
      %dma_start3A_150 = tpu.memref_slice %arg2[%dma_start3A_147, %mul3A_21] : memref<16x1000012xf32, #tpu.memory_space<hbm>> -> memref<1x2048xf32, #tpu.memory_space<hbm>>
      %dma_start3A_151 = tpu.memref_squeeze %dma_start3A_150 : memref<1x2048xf32, #tpu.memory_space<hbm>> -> memref<2048xf32, #tpu.memory_space<hbm>>
      %dma_start3A_152 = arith.constant 28672 : i32
      %dma_start3A_153 = tpu.memref_slice %arg5[%dma_start3A_152] : memref<32768xf32, #tpu.memory_space<vmem>> -> memref<2048xf32, #tpu.memory_space<vmem>>
      %dma_start3A_154 = tpu.memref_slice %arg2[%dma_start3A_147, %mul3A_21] : memref<16x1000012xf32, #tpu.memory_space<hbm>> -> memref<1x2048xf32, #tpu.memory_space<hbm>>
      %dma_start3A_155 = tpu.memref_squeeze %dma_start3A_154 : memref<1x2048xf32, #tpu.memory_space<hbm>> -> memref<2048xf32, #tpu.memory_space<hbm>>
      tpu.enqueue_dma source(%dma_start3A_155 : memref<2048xf32, #tpu.memory_space<hbm>>) target(%dma_start3A_153 : memref<2048xf32, #tpu.memory_space<vmem>>) target_semaphore(%arg6 : memref<!tpu.dma_semaphore, #tpu.memory_space<semaphore_mem>>)
      %dma_start3A_156 = arith.constant 15 : i32
      %dma_start3A_157 = arith.constant 30720 : i32
      %dma_start3A_158 = tpu.memref_slice %arg5[%dma_start3A_157] : memref<32768xf32, #tpu.memory_space<vmem>> -> memref<2048xf32, #tpu.memory_space<vmem>>
      %dma_start3A_159 = tpu.memref_slice %arg2[%dma_start3A_156, %mul3A_21] : memref<16x1000012xf32, #tpu.memory_space<hbm>> -> memref<1x2048xf32, #tpu.memory_space<hbm>>
      %dma_start3A_160 = tpu.memref_squeeze %dma_start3A_159 : memref<1x2048xf32, #tpu.memory_space<hbm>> -> memref<2048xf32, #tpu.memory_space<hbm>>
      %dma_start3A_161 = arith.constant 30720 : i32
      %dma_start3A_162 = tpu.memref_slice %arg5[%dma_start3A_161] : memref<32768xf32, #tpu.memory_space<vmem>> -> memref<2048xf32, #tpu.memory_space<vmem>>
      %dma_start3A_163 = tpu.memref_slice %arg2[%dma_start3A_156, %mul3A_21] : memref<16x1000012xf32, #tpu.memory_space<hbm>> -> memref<1x2048xf32, #tpu.memory_space<hbm>>
      %dma_start3A_164 = tpu.memref_squeeze %dma_start3A_163 : memref<1x2048xf32, #tpu.memory_space<hbm>> -> memref<2048xf32, #tpu.memory_space<hbm>>
      tpu.enqueue_dma source(%dma_start3A_164 : memref<2048xf32, #tpu.memory_space<hbm>>) target(%dma_start3A_162 : memref<2048xf32, #tpu.memory_space<vmem>>) target_semaphore(%arg6 : memref<!tpu.dma_semaphore, #tpu.memory_space<semaphore_mem>>)
      %dma_wait3A = arith.constant 0 : i32
      %dma_wait3A_165 = arith.constant 0 : i32
      %dma_wait3A_166 = tpu.memref_slice %arg5[%dma_wait3A_165] : memref<32768xf32, #tpu.memory_space<vmem>> -> memref<2048xf32, #tpu.memory_space<vmem>>
      %dma_wait3A_167 = tpu.memref_slice %arg2[%dma_wait3A, %mul3A_21] : memref<16x1000012xf32, #tpu.memory_space<hbm>> -> memref<1x2048xf32, #tpu.memory_space<hbm>>
      %dma_wait3A_168 = tpu.memref_squeeze %dma_wait3A_167 : memref<1x2048xf32, #tpu.memory_space<hbm>> -> memref<2048xf32, #tpu.memory_space<hbm>>
      %dma_wait3A_169 = arith.constant 0 : i32
      %dma_wait3A_170 = tpu.memref_slice %arg5[%dma_wait3A_169] : memref<32768xf32, #tpu.memory_space<vmem>> -> memref<2048xf32, #tpu.memory_space<vmem>>
      %dma_wait3A_171 = tpu.memref_slice %arg2[%dma_wait3A, %mul3A_21] : memref<16x1000012xf32, #tpu.memory_space<hbm>> -> memref<1x2048xf32, #tpu.memory_space<hbm>>
      %dma_wait3A_172 = tpu.memref_squeeze %dma_wait3A_171 : memref<1x2048xf32, #tpu.memory_space<hbm>> -> memref<2048xf32, #tpu.memory_space<hbm>>
      tpu.wait_dma2 semaphore(%arg6 : memref<!tpu.dma_semaphore, #tpu.memory_space<semaphore_mem>>) src(%dma_wait3A_172 : memref<2048xf32, #tpu.memory_space<hbm>>) dst(%dma_wait3A_170 : memref<2048xf32, #tpu.memory_space<vmem>>)
      %dma_wait3A_173 = arith.constant 1 : i32
      %dma_wait3A_174 = arith.constant 2048 : i32
      %dma_wait3A_175 = tpu.memref_slice %arg5[%dma_wait3A_174] : memref<32768xf32, #tpu.memory_space<vmem>> -> memref<2048xf32, #tpu.memory_space<vmem>>
      %dma_wait3A_176 = tpu.memref_slice %arg2[%dma_wait3A_173, %mul3A_21] : memref<16x1000012xf32, #tpu.memory_space<hbm>> -> memref<1x2048xf32, #tpu.memory_space<hbm>>
      %dma_wait3A_177 = tpu.memref_squeeze %dma_wait3A_176 : memref<1x2048xf32, #tpu.memory_space<hbm>> -> memref<2048xf32, #tpu.memory_space<hbm>>
      %dma_wait3A_178 = arith.constant 2048 : i32
      %dma_wait3A_179 = tpu.memref_slice %arg5[%dma_wait3A_178] : memref<32768xf32, #tpu.memory_space<vmem>> -> memref<2048xf32, #tpu.memory_space<vmem>>
      %dma_wait3A_180 = tpu.memref_slice %arg2[%dma_wait3A_173, %mul3A_21] : memref<16x1000012xf32, #tpu.memory_space<hbm>> -> memref<1x2048xf32, #tpu.memory_space<hbm>>
      %dma_wait3A_181 = tpu.memref_squeeze %dma_wait3A_180 : memref<1x2048xf32, #tpu.memory_space<hbm>> -> memref<2048xf32, #tpu.memory_space<hbm>>
      tpu.wait_dma2 semaphore(%arg6 : memref<!tpu.dma_semaphore, #tpu.memory_space<semaphore_mem>>) src(%dma_wait3A_181 : memref<2048xf32, #tpu.memory_space<hbm>>) dst(%dma_wait3A_179 : memref<2048xf32, #tpu.memory_space<vmem>>)
      %dma_wait3A_182 = arith.constant 2 : i32
      %dma_wait3A_183 = arith.constant 4096 : i32
      %dma_wait3A_184 = tpu.memref_slice %arg5[%dma_wait3A_183] : memref<32768xf32, #tpu.memory_space<vmem>> -> memref<2048xf32, #tpu.memory_space<vmem>>
      %dma_wait3A_185 = tpu.memref_slice %arg2[%dma_wait3A_182, %mul3A_21] : memref<16x1000012xf32, #tpu.memory_space<hbm>> -> memref<1x2048xf32, #tpu.memory_space<hbm>>
      %dma_wait3A_186 = tpu.memref_squeeze %dma_wait3A_185 : memref<1x2048xf32, #tpu.memory_space<hbm>> -> memref<2048xf32, #tpu.memory_space<hbm>>
      %dma_wait3A_187 = arith.constant 4096 : i32
      %dma_wait3A_188 = tpu.memref_slice %arg5[%dma_wait3A_187] : memref<32768xf32, #tpu.memory_space<vmem>> -> memref<2048xf32, #tpu.memory_space<vmem>>
      %dma_wait3A_189 = tpu.memref_slice %arg2[%dma_wait3A_182, %mul3A_21] : memref<16x1000012xf32, #tpu.memory_space<hbm>> -> memref<1x2048xf32, #tpu.memory_space<hbm>>
      %dma_wait3A_190 = tpu.memref_squeeze %dma_wait3A_189 : memref<1x2048xf32, #tpu.memory_space<hbm>> -> memref<2048xf32, #tpu.memory_space<hbm>>
      tpu.wait_dma2 semaphore(%arg6 : memref<!tpu.dma_semaphore, #tpu.memory_space<semaphore_mem>>) src(%dma_wait3A_190 : memref<2048xf32, #tpu.memory_space<hbm>>) dst(%dma_wait3A_188 : memref<2048xf32, #tpu.memory_space<vmem>>)
      %dma_wait3A_191 = arith.constant 3 : i32
      %dma_wait3A_192 = arith.constant 6144 : i32
      %dma_wait3A_193 = tpu.memref_slice %arg5[%dma_wait3A_192] : memref<32768xf32, #tpu.memory_space<vmem>> -> memref<2048xf32, #tpu.memory_space<vmem>>
      %dma_wait3A_194 = tpu.memref_slice %arg2[%dma_wait3A_191, %mul3A_21] : memref<16x1000012xf32, #tpu.memory_space<hbm>> -> memref<1x2048xf32, #tpu.memory_space<hbm>>
      %dma_wait3A_195 = tpu.memref_squeeze %dma_wait3A_194 : memref<1x2048xf32, #tpu.memory_space<hbm>> -> memref<2048xf32, #tpu.memory_space<hbm>>
      %dma_wait3A_196 = arith.constant 6144 : i32
      %dma_wait3A_197 = tpu.memref_slice %arg5[%dma_wait3A_196] : memref<32768xf32, #tpu.memory_space<vmem>> -> memref<2048xf32, #tpu.memory_space<vmem>>
      %dma_wait3A_198 = tpu.memref_slice %arg2[%dma_wait3A_191, %mul3A_21] : memref<16x1000012xf32, #tpu.memory_space<hbm>> -> memref<1x2048xf32, #tpu.memory_space<hbm>>
      %dma_wait3A_199 = tpu.memref_squeeze %dma_wait3A_198 : memref<1x2048xf32, #tpu.memory_space<hbm>> -> memref<2048xf32, #tpu.memory_space<hbm>>
      tpu.wait_dma2 semaphore(%arg6 : memref<!tpu.dma_semaphore, #tpu.memory_space<semaphore_mem>>) src(%dma_wait3A_199 : memref<2048xf32, #tpu.memory_space<hbm>>) dst(%dma_wait3A_197 : memref<2048xf32, #tpu.memory_space<vmem>>)
      %dma_wait3A_200 = arith.constant 4 : i32
      %dma_wait3A_201 = arith.constant 8192 : i32
      %dma_wait3A_202 = tpu.memref_slice %arg5[%dma_wait3A_201] : memref<32768xf32, #tpu.memory_space<vmem>> -> memref<2048xf32, #tpu.memory_space<vmem>>
      %dma_wait3A_203 = tpu.memref_slice %arg2[%dma_wait3A_200, %mul3A_21] : memref<16x1000012xf32, #tpu.memory_space<hbm>> -> memref<1x2048xf32, #tpu.memory_space<hbm>>
      %dma_wait3A_204 = tpu.memref_squeeze %dma_wait3A_203 : memref<1x2048xf32, #tpu.memory_space<hbm>> -> memref<2048xf32, #tpu.memory_space<hbm>>
      %dma_wait3A_205 = arith.constant 8192 : i32
      %dma_wait3A_206 = tpu.memref_slice %arg5[%dma_wait3A_205] : memref<32768xf32, #tpu.memory_space<vmem>> -> memref<2048xf32, #tpu.memory_space<vmem>>
      %dma_wait3A_207 = tpu.memref_slice %arg2[%dma_wait3A_200, %mul3A_21] : memref<16x1000012xf32, #tpu.memory_space<hbm>> -> memref<1x2048xf32, #tpu.memory_space<hbm>>
      %dma_wait3A_208 = tpu.memref_squeeze %dma_wait3A_207 : memref<1x2048xf32, #tpu.memory_space<hbm>> -> memref<2048xf32, #tpu.memory_space<hbm>>
      tpu.wait_dma2 semaphore(%arg6 : memref<!tpu.dma_semaphore, #tpu.memory_space<semaphore_mem>>) src(%dma_wait3A_208 : memref<2048xf32, #tpu.memory_space<hbm>>) dst(%dma_wait3A_206 : memref<2048xf32, #tpu.memory_space<vmem>>)
      %dma_wait3A_209 = arith.constant 5 : i32
      %dma_wait3A_210 = arith.constant 10240 : i32
      %dma_wait3A_211 = tpu.memref_slice %arg5[%dma_wait3A_210] : memref<32768xf32, #tpu.memory_space<vmem>> -> memref<2048xf32, #tpu.memory_space<vmem>>
      %dma_wait3A_212 = tpu.memref_slice %arg2[%dma_wait3A_209, %mul3A_21] : memref<16x1000012xf32, #tpu.memory_space<hbm>> -> memref<1x2048xf32, #tpu.memory_space<hbm>>
      %dma_wait3A_213 = tpu.memref_squeeze %dma_wait3A_212 : memref<1x2048xf32, #tpu.memory_space<hbm>> -> memref<2048xf32, #tpu.memory_space<hbm>>
      %dma_wait3A_214 = arith.constant 10240 : i32
      %dma_wait3A_215 = tpu.memref_slice %arg5[%dma_wait3A_214] : memref<32768xf32, #tpu.memory_space<vmem>> -> memref<2048xf32, #tpu.memory_space<vmem>>
      %dma_wait3A_216 = tpu.memref_slice %arg2[%dma_wait3A_209, %mul3A_21] : memref<16x1000012xf32, #tpu.memory_space<hbm>> -> memref<1x2048xf32, #tpu.memory_space<hbm>>
      %dma_wait3A_217 = tpu.memref_squeeze %dma_wait3A_216 : memref<1x2048xf32, #tpu.memory_space<hbm>> -> memref<2048xf32, #tpu.memory_space<hbm>>
      tpu.wait_dma2 semaphore(%arg6 : memref<!tpu.dma_semaphore, #tpu.memory_space<semaphore_mem>>) src(%dma_wait3A_217 : memref<2048xf32, #tpu.memory_space<hbm>>) dst(%dma_wait3A_215 : memref<2048xf32, #tpu.memory_space<vmem>>)
      %dma_wait3A_218 = arith.constant 6 : i32
      %dma_wait3A_219 = arith.constant 12288 : i32
      %dma_wait3A_220 = tpu.memref_slice %arg5[%dma_wait3A_219] : memref<32768xf32, #tpu.memory_space<vmem>> -> memref<2048xf32, #tpu.memory_space<vmem>>
      %dma_wait3A_221 = tpu.memref_slice %arg2[%dma_wait3A_218, %mul3A_21] : memref<16x1000012xf32, #tpu.memory_space<hbm>> -> memref<1x2048xf32, #tpu.memory_space<hbm>>
      %dma_wait3A_222 = tpu.memref_squeeze %dma_wait3A_221 : memref<1x2048xf32, #tpu.memory_space<hbm>> -> memref<2048xf32, #tpu.memory_space<hbm>>
      %dma_wait3A_223 = arith.constant 12288 : i32
      %dma_wait3A_224 = tpu.memref_slice %arg5[%dma_wait3A_223] : memref<32768xf32, #tpu.memory_space<vmem>> -> memref<2048xf32, #tpu.memory_space<vmem>>
      %dma_wait3A_225 = tpu.memref_slice %arg2[%dma_wait3A_218, %mul3A_21] : memref<16x1000012xf32, #tpu.memory_space<hbm>> -> memref<1x2048xf32, #tpu.memory_space<hbm>>
      %dma_wait3A_226 = tpu.memref_squeeze %dma_wait3A_225 : memref<1x2048xf32, #tpu.memory_space<hbm>> -> memref<2048xf32, #tpu.memory_space<hbm>>
      tpu.wait_dma2 semaphore(%arg6 : memref<!tpu.dma_semaphore, #tpu.memory_space<semaphore_mem>>) src(%dma_wait3A_226 : memref<2048xf32, #tpu.memory_space<hbm>>) dst(%dma_wait3A_224 : memref<2048xf32, #tpu.memory_space<vmem>>)
      %dma_wait3A_227 = arith.constant 7 : i32
      %dma_wait3A_228 = arith.constant 14336 : i32
      %dma_wait3A_229 = tpu.memref_slice %arg5[%dma_wait3A_228] : memref<32768xf32, #tpu.memory_space<vmem>> -> memref<2048xf32, #tpu.memory_space<vmem>>
      %dma_wait3A_230 = tpu.memref_slice %arg2[%dma_wait3A_227, %mul3A_21] : memref<16x1000012xf32, #tpu.memory_space<hbm>> -> memref<1x2048xf32, #tpu.memory_space<hbm>>
      %dma_wait3A_231 = tpu.memref_squeeze %dma_wait3A_230 : memref<1x2048xf32, #tpu.memory_space<hbm>> -> memref<2048xf32, #tpu.memory_space<hbm>>
      %dma_wait3A_232 = arith.constant 14336 : i32
      %dma_wait3A_233 = tpu.memref_slice %arg5[%dma_wait3A_232] : memref<32768xf32, #tpu.memory_space<vmem>> -> memref<2048xf32, #tpu.memory_space<vmem>>
      %dma_wait3A_234 = tpu.memref_slice %arg2[%dma_wait3A_227, %mul3A_21] : memref<16x1000012xf32, #tpu.memory_space<hbm>> -> memref<1x2048xf32, #tpu.memory_space<hbm>>
      %dma_wait3A_235 = tpu.memref_squeeze %dma_wait3A_234 : memref<1x2048xf32, #tpu.memory_space<hbm>> -> memref<2048xf32, #tpu.memory_space<hbm>>
      tpu.wait_dma2 semaphore(%arg6 : memref<!tpu.dma_semaphore, #tpu.memory_space<semaphore_mem>>) src(%dma_wait3A_235 : memref<2048xf32, #tpu.memory_space<hbm>>) dst(%dma_wait3A_233 : memref<2048xf32, #tpu.memory_space<vmem>>)
      %dma_wait3A_236 = arith.constant 8 : i32
      %dma_wait3A_237 = arith.constant 16384 : i32
      %dma_wait3A_238 = tpu.memref_slice %arg5[%dma_wait3A_237] : memref<32768xf32, #tpu.memory_space<vmem>> -> memref<2048xf32, #tpu.memory_space<vmem>>
      %dma_wait3A_239 = tpu.memref_slice %arg2[%dma_wait3A_236, %mul3A_21] : memref<16x1000012xf32, #tpu.memory_space<hbm>> -> memref<1x2048xf32, #tpu.memory_space<hbm>>
      %dma_wait3A_240 = tpu.memref_squeeze %dma_wait3A_239 : memref<1x2048xf32, #tpu.memory_space<hbm>> -> memref<2048xf32, #tpu.memory_space<hbm>>
      %dma_wait3A_241 = arith.constant 16384 : i32
      %dma_wait3A_242 = tpu.memref_slice %arg5[%dma_wait3A_241] : memref<32768xf32, #tpu.memory_space<vmem>> -> memref<2048xf32, #tpu.memory_space<vmem>>
      %dma_wait3A_243 = tpu.memref_slice %arg2[%dma_wait3A_236, %mul3A_21] : memref<16x1000012xf32, #tpu.memory_space<hbm>> -> memref<1x2048xf32, #tpu.memory_space<hbm>>
      %dma_wait3A_244 = tpu.memref_squeeze %dma_wait3A_243 : memref<1x2048xf32, #tpu.memory_space<hbm>> -> memref<2048xf32, #tpu.memory_space<hbm>>
      tpu.wait_dma2 semaphore(%arg6 : memref<!tpu.dma_semaphore, #tpu.memory_space<semaphore_mem>>) src(%dma_wait3A_244 : memref<2048xf32, #tpu.memory_space<hbm>>) dst(%dma_wait3A_242 : memref<2048xf32, #tpu.memory_space<vmem>>)
      %dma_wait3A_245 = arith.constant 9 : i32
      %dma_wait3A_246 = arith.constant 18432 : i32
      %dma_wait3A_247 = tpu.memref_slice %arg5[%dma_wait3A_246] : memref<32768xf32, #tpu.memory_space<vmem>> -> memref<2048xf32, #tpu.memory_space<vmem>>
      %dma_wait3A_248 = tpu.memref_slice %arg2[%dma_wait3A_245, %mul3A_21] : memref<16x1000012xf32, #tpu.memory_space<hbm>> -> memref<1x2048xf32, #tpu.memory_space<hbm>>
      %dma_wait3A_249 = tpu.memref_squeeze %dma_wait3A_248 : memref<1x2048xf32, #tpu.memory_space<hbm>> -> memref<2048xf32, #tpu.memory_space<hbm>>
      %dma_wait3A_250 = arith.constant 18432 : i32
      %dma_wait3A_251 = tpu.memref_slice %arg5[%dma_wait3A_250] : memref<32768xf32, #tpu.memory_space<vmem>> -> memref<2048xf32, #tpu.memory_space<vmem>>
      %dma_wait3A_252 = tpu.memref_slice %arg2[%dma_wait3A_245, %mul3A_21] : memref<16x1000012xf32, #tpu.memory_space<hbm>> -> memref<1x2048xf32, #tpu.memory_space<hbm>>
      %dma_wait3A_253 = tpu.memref_squeeze %dma_wait3A_252 : memref<1x2048xf32, #tpu.memory_space<hbm>> -> memref<2048xf32, #tpu.memory_space<hbm>>
      tpu.wait_dma2 semaphore(%arg6 : memref<!tpu.dma_semaphore, #tpu.memory_space<semaphore_mem>>) src(%dma_wait3A_253 : memref<2048xf32, #tpu.memory_space<hbm>>) dst(%dma_wait3A_251 : memref<2048xf32, #tpu.memory_space<vmem>>)
      %dma_wait3A_254 = arith.constant 10 : i32
      %dma_wait3A_255 = arith.constant 20480 : i32
      %dma_wait3A_256 = tpu.memref_slice %arg5[%dma_wait3A_255] : memref<32768xf32, #tpu.memory_space<vmem>> -> memref<2048xf32, #tpu.memory_space<vmem>>
      %dma_wait3A_257 = tpu.memref_slice %arg2[%dma_wait3A_254, %mul3A_21] : memref<16x1000012xf32, #tpu.memory_space<hbm>> -> memref<1x2048xf32, #tpu.memory_space<hbm>>
      %dma_wait3A_258 = tpu.memref_squeeze %dma_wait3A_257 : memref<1x2048xf32, #tpu.memory_space<hbm>> -> memref<2048xf32, #tpu.memory_space<hbm>>
      %dma_wait3A_259 = arith.constant 20480 : i32
      %dma_wait3A_260 = tpu.memref_slice %arg5[%dma_wait3A_259] : memref<32768xf32, #tpu.memory_space<vmem>> -> memref<2048xf32, #tpu.memory_space<vmem>>
      %dma_wait3A_261 = tpu.memref_slice %arg2[%dma_wait3A_254, %mul3A_21] : memref<16x1000012xf32, #tpu.memory_space<hbm>> -> memref<1x2048xf32, #tpu.memory_space<hbm>>
      %dma_wait3A_262 = tpu.memref_squeeze %dma_wait3A_261 : memref<1x2048xf32, #tpu.memory_space<hbm>> -> memref<2048xf32, #tpu.memory_space<hbm>>
      tpu.wait_dma2 semaphore(%arg6 : memref<!tpu.dma_semaphore, #tpu.memory_space<semaphore_mem>>) src(%dma_wait3A_262 : memref<2048xf32, #tpu.memory_space<hbm>>) dst(%dma_wait3A_260 : memref<2048xf32, #tpu.memory_space<vmem>>)
      %dma_wait3A_263 = arith.constant 11 : i32
      %dma_wait3A_264 = arith.constant 22528 : i32
      %dma_wait3A_265 = tpu.memref_slice %arg5[%dma_wait3A_264] : memref<32768xf32, #tpu.memory_space<vmem>> -> memref<2048xf32, #tpu.memory_space<vmem>>
      %dma_wait3A_266 = tpu.memref_slice %arg2[%dma_wait3A_263, %mul3A_21] : memref<16x1000012xf32, #tpu.memory_space<hbm>> -> memref<1x2048xf32, #tpu.memory_space<hbm>>
      %dma_wait3A_267 = tpu.memref_squeeze %dma_wait3A_266 : memref<1x2048xf32, #tpu.memory_space<hbm>> -> memref<2048xf32, #tpu.memory_space<hbm>>
      %dma_wait3A_268 = arith.constant 22528 : i32
      %dma_wait3A_269 = tpu.memref_slice %arg5[%dma_wait3A_268] : memref<32768xf32, #tpu.memory_space<vmem>> -> memref<2048xf32, #tpu.memory_space<vmem>>
      %dma_wait3A_270 = tpu.memref_slice %arg2[%dma_wait3A_263, %mul3A_21] : memref<16x1000012xf32, #tpu.memory_space<hbm>> -> memref<1x2048xf32, #tpu.memory_space<hbm>>
      %dma_wait3A_271 = tpu.memref_squeeze %dma_wait3A_270 : memref<1x2048xf32, #tpu.memory_space<hbm>> -> memref<2048xf32, #tpu.memory_space<hbm>>
      tpu.wait_dma2 semaphore(%arg6 : memref<!tpu.dma_semaphore, #tpu.memory_space<semaphore_mem>>) src(%dma_wait3A_271 : memref<2048xf32, #tpu.memory_space<hbm>>) dst(%dma_wait3A_269 : memref<2048xf32, #tpu.memory_space<vmem>>)
      %dma_wait3A_272 = arith.constant 12 : i32
      %dma_wait3A_273 = arith.constant 24576 : i32
      %dma_wait3A_274 = tpu.memref_slice %arg5[%dma_wait3A_273] : memref<32768xf32, #tpu.memory_space<vmem>> -> memref<2048xf32, #tpu.memory_space<vmem>>
      %dma_wait3A_275 = tpu.memref_slice %arg2[%dma_wait3A_272, %mul3A_21] : memref<16x1000012xf32, #tpu.memory_space<hbm>> -> memref<1x2048xf32, #tpu.memory_space<hbm>>
      %dma_wait3A_276 = tpu.memref_squeeze %dma_wait3A_275 : memref<1x2048xf32, #tpu.memory_space<hbm>> -> memref<2048xf32, #tpu.memory_space<hbm>>
      %dma_wait3A_277 = arith.constant 24576 : i32
      %dma_wait3A_278 = tpu.memref_slice %arg5[%dma_wait3A_277] : memref<32768xf32, #tpu.memory_space<vmem>> -> memref<2048xf32, #tpu.memory_space<vmem>>
      %dma_wait3A_279 = tpu.memref_slice %arg2[%dma_wait3A_272, %mul3A_21] : memref<16x1000012xf32, #tpu.memory_space<hbm>> -> memref<1x2048xf32, #tpu.memory_space<hbm>>
      %dma_wait3A_280 = tpu.memref_squeeze %dma_wait3A_279 : memref<1x2048xf32, #tpu.memory_space<hbm>> -> memref<2048xf32, #tpu.memory_space<hbm>>
      tpu.wait_dma2 semaphore(%arg6 : memref<!tpu.dma_semaphore, #tpu.memory_space<semaphore_mem>>) src(%dma_wait3A_280 : memref<2048xf32, #tpu.memory_space<hbm>>) dst(%dma_wait3A_278 : memref<2048xf32, #tpu.memory_space<vmem>>)
      %dma_wait3A_281 = arith.constant 13 : i32
      %dma_wait3A_282 = arith.constant 26624 : i32
      %dma_wait3A_283 = tpu.memref_slice %arg5[%dma_wait3A_282] : memref<32768xf32, #tpu.memory_space<vmem>> -> memref<2048xf32, #tpu.memory_space<vmem>>
      %dma_wait3A_284 = tpu.memref_slice %arg2[%dma_wait3A_281, %mul3A_21] : memref<16x1000012xf32, #tpu.memory_space<hbm>> -> memref<1x2048xf32, #tpu.memory_space<hbm>>
      %dma_wait3A_285 = tpu.memref_squeeze %dma_wait3A_284 : memref<1x2048xf32, #tpu.memory_space<hbm>> -> memref<2048xf32, #tpu.memory_space<hbm>>
      %dma_wait3A_286 = arith.constant 26624 : i32
      %dma_wait3A_287 = tpu.memref_slice %arg5[%dma_wait3A_286] : memref<32768xf32, #tpu.memory_space<vmem>> -> memref<2048xf32, #tpu.memory_space<vmem>>
      %dma_wait3A_288 = tpu.memref_slice %arg2[%dma_wait3A_281, %mul3A_21] : memref<16x1000012xf32, #tpu.memory_space<hbm>> -> memref<1x2048xf32, #tpu.memory_space<hbm>>
      %dma_wait3A_289 = tpu.memref_squeeze %dma_wait3A_288 : memref<1x2048xf32, #tpu.memory_space<hbm>> -> memref<2048xf32, #tpu.memory_space<hbm>>
      tpu.wait_dma2 semaphore(%arg6 : memref<!tpu.dma_semaphore, #tpu.memory_space<semaphore_mem>>) src(%dma_wait3A_289 : memref<2048xf32, #tpu.memory_space<hbm>>) dst(%dma_wait3A_287 : memref<2048xf32, #tpu.memory_space<vmem>>)
      %dma_wait3A_290 = arith.constant 14 : i32
      %dma_wait3A_291 = arith.constant 28672 : i32
      %dma_wait3A_292 = tpu.memref_slice %arg5[%dma_wait3A_291] : memref<32768xf32, #tpu.memory_space<vmem>> -> memref<2048xf32, #tpu.memory_space<vmem>>
      %dma_wait3A_293 = tpu.memref_slice %arg2[%dma_wait3A_290, %mul3A_21] : memref<16x1000012xf32, #tpu.memory_space<hbm>> -> memref<1x2048xf32, #tpu.memory_space<hbm>>
      %dma_wait3A_294 = tpu.memref_squeeze %dma_wait3A_293 : memref<1x2048xf32, #tpu.memory_space<hbm>> -> memref<2048xf32, #tpu.memory_space<hbm>>
      %dma_wait3A_295 = arith.constant 28672 : i32
      %dma_wait3A_296 = tpu.memref_slice %arg5[%dma_wait3A_295] : memref<32768xf32, #tpu.memory_space<vmem>> -> memref<2048xf32, #tpu.memory_space<vmem>>
      %dma_wait3A_297 = tpu.memref_slice %arg2[%dma_wait3A_290, %mul3A_21] : memref<16x1000012xf32, #tpu.memory_space<hbm>> -> memref<1x2048xf32, #tpu.memory_space<hbm>>
      %dma_wait3A_298 = tpu.memref_squeeze %dma_wait3A_297 : memref<1x2048xf32, #tpu.memory_space<hbm>> -> memref<2048xf32, #tpu.memory_space<hbm>>
      tpu.wait_dma2 semaphore(%arg6 : memref<!tpu.dma_semaphore, #tpu.memory_space<semaphore_mem>>) src(%dma_wait3A_298 : memref<2048xf32, #tpu.memory_space<hbm>>) dst(%dma_wait3A_296 : memref<2048xf32, #tpu.memory_space<vmem>>)
      %dma_wait3A_299 = arith.constant 15 : i32
      %dma_wait3A_300 = arith.constant 30720 : i32
      %dma_wait3A_301 = tpu.memref_slice %arg5[%dma_wait3A_300] : memref<32768xf32, #tpu.memory_space<vmem>> -> memref<2048xf32, #tpu.memory_space<vmem>>
      %dma_wait3A_302 = tpu.memref_slice %arg2[%dma_wait3A_299, %mul3A_21] : memref<16x1000012xf32, #tpu.memory_space<hbm>> -> memref<1x2048xf32, #tpu.memory_space<hbm>>
      %dma_wait3A_303 = tpu.memref_squeeze %dma_wait3A_302 : memref<1x2048xf32, #tpu.memory_space<hbm>> -> memref<2048xf32, #tpu.memory_space<hbm>>
      %dma_wait3A_304 = arith.constant 30720 : i32
      %dma_wait3A_305 = tpu.memref_slice %arg5[%dma_wait3A_304] : memref<32768xf32, #tpu.memory_space<vmem>> -> memref<2048xf32, #tpu.memory_space<vmem>>
      %dma_wait3A_306 = tpu.memref_slice %arg2[%dma_wait3A_299, %mul3A_21] : memref<16x1000012xf32, #tpu.memory_space<hbm>> -> memref<1x2048xf32, #tpu.memory_space<hbm>>
      %dma_wait3A_307 = tpu.memref_squeeze %dma_wait3A_306 : memref<1x2048xf32, #tpu.memory_space<hbm>> -> memref<2048xf32, #tpu.memory_space<hbm>>
      tpu.wait_dma2 semaphore(%arg6 : memref<!tpu.dma_semaphore, #tpu.memory_space<semaphore_mem>>) src(%dma_wait3A_307 : memref<2048xf32, #tpu.memory_space<hbm>>) dst(%dma_wait3A_305 : memref<2048xf32, #tpu.memory_space<vmem>>)
      %add3A_308 = arith.constant 0 : i32
      %add3A_309 = arith.addi %add3A_308, %mul3A_21 : i32
      %add3A_310 = arith.constant 1000016 : i32
      %add3A_311 = arith.addi %add3A_310, %mul3A_21 : i32
      %add3A_312 = arith.constant 2000032 : i32
      %add3A_313 = arith.addi %add3A_312, %mul3A_21 : i32
      %add3A_314 = arith.constant 3000048 : i32
      %add3A_315 = arith.addi %add3A_314, %mul3A_21 : i32
      %add3A_316 = arith.constant 4000064 : i32
      %add3A_317 = arith.addi %add3A_316, %mul3A_21 : i32
      %add3A_318 = arith.constant 5000080 : i32
      %add3A_319 = arith.addi %add3A_318, %mul3A_21 : i32
      %add3A_320 = arith.constant 6000096 : i32
      %add3A_321 = arith.addi %add3A_320, %mul3A_21 : i32
      %add3A_322 = arith.constant 7000112 : i32
      %add3A_323 = arith.addi %add3A_322, %mul3A_21 : i32
      %add3A_324 = arith.constant 8000128 : i32
      %add3A_325 = arith.addi %add3A_324, %mul3A_21 : i32
      %add3A_326 = arith.constant 9000144 : i32
      %add3A_327 = arith.addi %add3A_326, %mul3A_21 : i32
      %add3A_328 = arith.constant 10000160 : i32
      %add3A_329 = arith.addi %add3A_328, %mul3A_21 : i32
      %add3A_330 = arith.constant 11000176 : i32
      %add3A_331 = arith.addi %add3A_330, %mul3A_21 : i32
      %add3A_332 = arith.constant 12000192 : i32
      %add3A_333 = arith.addi %add3A_332, %mul3A_21 : i32
      %add3A_334 = arith.constant 13000208 : i32
      %add3A_335 = arith.addi %add3A_334, %mul3A_21 : i32
      %add3A_336 = arith.constant 14000224 : i32
      %add3A_337 = arith.addi %add3A_336, %mul3A_21 : i32
      %add3A_338 = arith.constant 15000240 : i32
      %add3A_339 = arith.addi %add3A_338, %mul3A_21 : i32
      %dma_start3A_340 = arith.constant 0 : i32
      %dma_start3A_341 = tpu.memref_slice %arg5[%dma_start3A_340] : memref<32768xf32, #tpu.memory_space<vmem>> -> memref<2048xf32, #tpu.memory_space<vmem>>
      %dma_start3A_342 = tpu.memref_slice %arg4[%add3A_309] : memref<16000256xf32, #tpu.memory_space<hbm>> -> memref<2048xf32, #tpu.memory_space<hbm>>
      %dma_start3A_343 = tpu.memref_slice %arg4[%add3A_309] : memref<16000256xf32, #tpu.memory_space<hbm>> -> memref<2048xf32, #tpu.memory_space<hbm>>
      %dma_start3A_344 = arith.constant 0 : i32
      %dma_start3A_345 = tpu.memref_slice %arg5[%dma_start3A_344] : memref<32768xf32, #tpu.memory_space<vmem>> -> memref<2048xf32, #tpu.memory_space<vmem>>
      tpu.enqueue_dma source(%dma_start3A_345 : memref<2048xf32, #tpu.memory_space<vmem>>) target(%dma_start3A_343 : memref<2048xf32, #tpu.memory_space<hbm>>) target_semaphore(%arg7 : memref<!tpu.dma_semaphore, #tpu.memory_space<semaphore_mem>>)
      %dma_start3A_346 = arith.constant 2048 : i32
      %dma_start3A_347 = tpu.memref_slice %arg5[%dma_start3A_346] : memref<32768xf32, #tpu.memory_space<vmem>> -> memref<2048xf32, #tpu.memory_space<vmem>>
      %dma_start3A_348 = tpu.memref_slice %arg4[%add3A_311] : memref<16000256xf32, #tpu.memory_space<hbm>> -> memref<2048xf32, #tpu.memory_space<hbm>>
      %dma_start3A_349 = tpu.memref_slice %arg4[%add3A_311] : memref<16000256xf32, #tpu.memory_space<hbm>> -> memref<2048xf32, #tpu.memory_space<hbm>>
      %dma_start3A_350 = arith.constant 2048 : i32
      %dma_start3A_351 = tpu.memref_slice %arg5[%dma_start3A_350] : memref<32768xf32, #tpu.memory_space<vmem>> -> memref<2048xf32, #tpu.memory_space<vmem>>
      tpu.enqueue_dma source(%dma_start3A_351 : memref<2048xf32, #tpu.memory_space<vmem>>) target(%dma_start3A_349 : memref<2048xf32, #tpu.memory_space<hbm>>) target_semaphore(%arg7 : memref<!tpu.dma_semaphore, #tpu.memory_space<semaphore_mem>>)
      %dma_start3A_352 = arith.constant 4096 : i32
      %dma_start3A_353 = tpu.memref_slice %arg5[%dma_start3A_352] : memref<32768xf32, #tpu.memory_space<vmem>> -> memref<2048xf32, #tpu.memory_space<vmem>>
      %dma_start3A_354 = tpu.memref_slice %arg4[%add3A_313] : memref<16000256xf32, #tpu.memory_space<hbm>> -> memref<2048xf32, #tpu.memory_space<hbm>>
      %dma_start3A_355 = tpu.memref_slice %arg4[%add3A_313] : memref<16000256xf32, #tpu.memory_space<hbm>> -> memref<2048xf32, #tpu.memory_space<hbm>>
      %dma_start3A_356 = arith.constant 4096 : i32
      %dma_start3A_357 = tpu.memref_slice %arg5[%dma_start3A_356] : memref<32768xf32, #tpu.memory_space<vmem>> -> memref<2048xf32, #tpu.memory_space<vmem>>
      tpu.enqueue_dma source(%dma_start3A_357 : memref<2048xf32, #tpu.memory_space<vmem>>) target(%dma_start3A_355 : memref<2048xf32, #tpu.memory_space<hbm>>) target_semaphore(%arg7 : memref<!tpu.dma_semaphore, #tpu.memory_space<semaphore_mem>>)
      %dma_start3A_358 = arith.constant 6144 : i32
      %dma_start3A_359 = tpu.memref_slice %arg5[%dma_start3A_358] : memref<32768xf32, #tpu.memory_space<vmem>> -> memref<2048xf32, #tpu.memory_space<vmem>>
      %dma_start3A_360 = tpu.memref_slice %arg4[%add3A_315] : memref<16000256xf32, #tpu.memory_space<hbm>> -> memref<2048xf32, #tpu.memory_space<hbm>>
      %dma_start3A_361 = tpu.memref_slice %arg4[%add3A_315] : memref<16000256xf32, #tpu.memory_space<hbm>> -> memref<2048xf32, #tpu.memory_space<hbm>>
      %dma_start3A_362 = arith.constant 6144 : i32
      %dma_start3A_363 = tpu.memref_slice %arg5[%dma_start3A_362] : memref<32768xf32, #tpu.memory_space<vmem>> -> memref<2048xf32, #tpu.memory_space<vmem>>
      tpu.enqueue_dma source(%dma_start3A_363 : memref<2048xf32, #tpu.memory_space<vmem>>) target(%dma_start3A_361 : memref<2048xf32, #tpu.memory_space<hbm>>) target_semaphore(%arg7 : memref<!tpu.dma_semaphore, #tpu.memory_space<semaphore_mem>>)
      %dma_start3A_364 = arith.constant 8192 : i32
      %dma_start3A_365 = tpu.memref_slice %arg5[%dma_start3A_364] : memref<32768xf32, #tpu.memory_space<vmem>> -> memref<2048xf32, #tpu.memory_space<vmem>>
      %dma_start3A_366 = tpu.memref_slice %arg4[%add3A_317] : memref<16000256xf32, #tpu.memory_space<hbm>> -> memref<2048xf32, #tpu.memory_space<hbm>>
      %dma_start3A_367 = tpu.memref_slice %arg4[%add3A_317] : memref<16000256xf32, #tpu.memory_space<hbm>> -> memref<2048xf32, #tpu.memory_space<hbm>>
      %dma_start3A_368 = arith.constant 8192 : i32
      %dma_start3A_369 = tpu.memref_slice %arg5[%dma_start3A_368] : memref<32768xf32, #tpu.memory_space<vmem>> -> memref<2048xf32, #tpu.memory_space<vmem>>
      tpu.enqueue_dma source(%dma_start3A_369 : memref<2048xf32, #tpu.memory_space<vmem>>) target(%dma_start3A_367 : memref<2048xf32, #tpu.memory_space<hbm>>) target_semaphore(%arg7 : memref<!tpu.dma_semaphore, #tpu.memory_space<semaphore_mem>>)
      %dma_start3A_370 = arith.constant 10240 : i32
      %dma_start3A_371 = tpu.memref_slice %arg5[%dma_start3A_370] : memref<32768xf32, #tpu.memory_space<vmem>> -> memref<2048xf32, #tpu.memory_space<vmem>>
      %dma_start3A_372 = tpu.memref_slice %arg4[%add3A_319] : memref<16000256xf32, #tpu.memory_space<hbm>> -> memref<2048xf32, #tpu.memory_space<hbm>>
      %dma_start3A_373 = tpu.memref_slice %arg4[%add3A_319] : memref<16000256xf32, #tpu.memory_space<hbm>> -> memref<2048xf32, #tpu.memory_space<hbm>>
      %dma_start3A_374 = arith.constant 10240 : i32
      %dma_start3A_375 = tpu.memref_slice %arg5[%dma_start3A_374] : memref<32768xf32, #tpu.memory_space<vmem>> -> memref<2048xf32, #tpu.memory_space<vmem>>
      tpu.enqueue_dma source(%dma_start3A_375 : memref<2048xf32, #tpu.memory_space<vmem>>) target(%dma_start3A_373 : memref<2048xf32, #tpu.memory_space<hbm>>) target_semaphore(%arg7 : memref<!tpu.dma_semaphore, #tpu.memory_space<semaphore_mem>>)
      %dma_start3A_376 = arith.constant 12288 : i32
      %dma_start3A_377 = tpu.memref_slice %arg5[%dma_start3A_376] : memref<32768xf32, #tpu.memory_space<vmem>> -> memref<2048xf32, #tpu.memory_space<vmem>>
      %dma_start3A_378 = tpu.memref_slice %arg4[%add3A_321] : memref<16000256xf32, #tpu.memory_space<hbm>> -> memref<2048xf32, #tpu.memory_space<hbm>>
      %dma_start3A_379 = tpu.memref_slice %arg4[%add3A_321] : memref<16000256xf32, #tpu.memory_space<hbm>> -> memref<2048xf32, #tpu.memory_space<hbm>>
      %dma_start3A_380 = arith.constant 12288 : i32
      %dma_start3A_381 = tpu.memref_slice %arg5[%dma_start3A_380] : memref<32768xf32, #tpu.memory_space<vmem>> -> memref<2048xf32, #tpu.memory_space<vmem>>
      tpu.enqueue_dma source(%dma_start3A_381 : memref<2048xf32, #tpu.memory_space<vmem>>) target(%dma_start3A_379 : memref<2048xf32, #tpu.memory_space<hbm>>) target_semaphore(%arg7 : memref<!tpu.dma_semaphore, #tpu.memory_space<semaphore_mem>>)
      %dma_start3A_382 = arith.constant 14336 : i32
      %dma_start3A_383 = tpu.memref_slice %arg5[%dma_start3A_382] : memref<32768xf32, #tpu.memory_space<vmem>> -> memref<2048xf32, #tpu.memory_space<vmem>>
      %dma_start3A_384 = tpu.memref_slice %arg4[%add3A_323] : memref<16000256xf32, #tpu.memory_space<hbm>> -> memref<2048xf32, #tpu.memory_space<hbm>>
      %dma_start3A_385 = tpu.memref_slice %arg4[%add3A_323] : memref<16000256xf32, #tpu.memory_space<hbm>> -> memref<2048xf32, #tpu.memory_space<hbm>>
      %dma_start3A_386 = arith.constant 14336 : i32
      %dma_start3A_387 = tpu.memref_slice %arg5[%dma_start3A_386] : memref<32768xf32, #tpu.memory_space<vmem>> -> memref<2048xf32, #tpu.memory_space<vmem>>
      tpu.enqueue_dma source(%dma_start3A_387 : memref<2048xf32, #tpu.memory_space<vmem>>) target(%dma_start3A_385 : memref<2048xf32, #tpu.memory_space<hbm>>) target_semaphore(%arg7 : memref<!tpu.dma_semaphore, #tpu.memory_space<semaphore_mem>>)
      %dma_start3A_388 = arith.constant 16384 : i32
      %dma_start3A_389 = tpu.memref_slice %arg5[%dma_start3A_388] : memref<32768xf32, #tpu.memory_space<vmem>> -> memref<2048xf32, #tpu.memory_space<vmem>>
      %dma_start3A_390 = tpu.memref_slice %arg4[%add3A_325] : memref<16000256xf32, #tpu.memory_space<hbm>> -> memref<2048xf32, #tpu.memory_space<hbm>>
      %dma_start3A_391 = tpu.memref_slice %arg4[%add3A_325] : memref<16000256xf32, #tpu.memory_space<hbm>> -> memref<2048xf32, #tpu.memory_space<hbm>>
      %dma_start3A_392 = arith.constant 16384 : i32
      %dma_start3A_393 = tpu.memref_slice %arg5[%dma_start3A_392] : memref<32768xf32, #tpu.memory_space<vmem>> -> memref<2048xf32, #tpu.memory_space<vmem>>
      tpu.enqueue_dma source(%dma_start3A_393 : memref<2048xf32, #tpu.memory_space<vmem>>) target(%dma_start3A_391 : memref<2048xf32, #tpu.memory_space<hbm>>) target_semaphore(%arg7 : memref<!tpu.dma_semaphore, #tpu.memory_space<semaphore_mem>>)
      %dma_start3A_394 = arith.constant 18432 : i32
      %dma_start3A_395 = tpu.memref_slice %arg5[%dma_start3A_394] : memref<32768xf32, #tpu.memory_space<vmem>> -> memref<2048xf32, #tpu.memory_space<vmem>>
      %dma_start3A_396 = tpu.memref_slice %arg4[%add3A_327] : memref<16000256xf32, #tpu.memory_space<hbm>> -> memref<2048xf32, #tpu.memory_space<hbm>>
      %dma_start3A_397 = tpu.memref_slice %arg4[%add3A_327] : memref<16000256xf32, #tpu.memory_space<hbm>> -> memref<2048xf32, #tpu.memory_space<hbm>>
      %dma_start3A_398 = arith.constant 18432 : i32
      %dma_start3A_399 = tpu.memref_slice %arg5[%dma_start3A_398] : memref<32768xf32, #tpu.memory_space<vmem>> -> memref<2048xf32, #tpu.memory_space<vmem>>
      tpu.enqueue_dma source(%dma_start3A_399 : memref<2048xf32, #tpu.memory_space<vmem>>) target(%dma_start3A_397 : memref<2048xf32, #tpu.memory_space<hbm>>) target_semaphore(%arg7 : memref<!tpu.dma_semaphore, #tpu.memory_space<semaphore_mem>>)
      %dma_start3A_400 = arith.constant 20480 : i32
      %dma_start3A_401 = tpu.memref_slice %arg5[%dma_start3A_400] : memref<32768xf32, #tpu.memory_space<vmem>> -> memref<2048xf32, #tpu.memory_space<vmem>>
      %dma_start3A_402 = tpu.memref_slice %arg4[%add3A_329] : memref<16000256xf32, #tpu.memory_space<hbm>> -> memref<2048xf32, #tpu.memory_space<hbm>>
      %dma_start3A_403 = tpu.memref_slice %arg4[%add3A_329] : memref<16000256xf32, #tpu.memory_space<hbm>> -> memref<2048xf32, #tpu.memory_space<hbm>>
      %dma_start3A_404 = arith.constant 20480 : i32
      %dma_start3A_405 = tpu.memref_slice %arg5[%dma_start3A_404] : memref<32768xf32, #tpu.memory_space<vmem>> -> memref<2048xf32, #tpu.memory_space<vmem>>
      tpu.enqueue_dma source(%dma_start3A_405 : memref<2048xf32, #tpu.memory_space<vmem>>) target(%dma_start3A_403 : memref<2048xf32, #tpu.memory_space<hbm>>) target_semaphore(%arg7 : memref<!tpu.dma_semaphore, #tpu.memory_space<semaphore_mem>>)
      %dma_start3A_406 = arith.constant 22528 : i32
      %dma_start3A_407 = tpu.memref_slice %arg5[%dma_start3A_406] : memref<32768xf32, #tpu.memory_space<vmem>> -> memref<2048xf32, #tpu.memory_space<vmem>>
      %dma_start3A_408 = tpu.memref_slice %arg4[%add3A_331] : memref<16000256xf32, #tpu.memory_space<hbm>> -> memref<2048xf32, #tpu.memory_space<hbm>>
      %dma_start3A_409 = tpu.memref_slice %arg4[%add3A_331] : memref<16000256xf32, #tpu.memory_space<hbm>> -> memref<2048xf32, #tpu.memory_space<hbm>>
      %dma_start3A_410 = arith.constant 22528 : i32
      %dma_start3A_411 = tpu.memref_slice %arg5[%dma_start3A_410] : memref<32768xf32, #tpu.memory_space<vmem>> -> memref<2048xf32, #tpu.memory_space<vmem>>
      tpu.enqueue_dma source(%dma_start3A_411 : memref<2048xf32, #tpu.memory_space<vmem>>) target(%dma_start3A_409 : memref<2048xf32, #tpu.memory_space<hbm>>) target_semaphore(%arg7 : memref<!tpu.dma_semaphore, #tpu.memory_space<semaphore_mem>>)
      %dma_start3A_412 = arith.constant 24576 : i32
      %dma_start3A_413 = tpu.memref_slice %arg5[%dma_start3A_412] : memref<32768xf32, #tpu.memory_space<vmem>> -> memref<2048xf32, #tpu.memory_space<vmem>>
      %dma_start3A_414 = tpu.memref_slice %arg4[%add3A_333] : memref<16000256xf32, #tpu.memory_space<hbm>> -> memref<2048xf32, #tpu.memory_space<hbm>>
      %dma_start3A_415 = tpu.memref_slice %arg4[%add3A_333] : memref<16000256xf32, #tpu.memory_space<hbm>> -> memref<2048xf32, #tpu.memory_space<hbm>>
      %dma_start3A_416 = arith.constant 24576 : i32
      %dma_start3A_417 = tpu.memref_slice %arg5[%dma_start3A_416] : memref<32768xf32, #tpu.memory_space<vmem>> -> memref<2048xf32, #tpu.memory_space<vmem>>
      tpu.enqueue_dma source(%dma_start3A_417 : memref<2048xf32, #tpu.memory_space<vmem>>) target(%dma_start3A_415 : memref<2048xf32, #tpu.memory_space<hbm>>) target_semaphore(%arg7 : memref<!tpu.dma_semaphore, #tpu.memory_space<semaphore_mem>>)
      %dma_start3A_418 = arith.constant 26624 : i32
      %dma_start3A_419 = tpu.memref_slice %arg5[%dma_start3A_418] : memref<32768xf32, #tpu.memory_space<vmem>> -> memref<2048xf32, #tpu.memory_space<vmem>>
      %dma_start3A_420 = tpu.memref_slice %arg4[%add3A_335] : memref<16000256xf32, #tpu.memory_space<hbm>> -> memref<2048xf32, #tpu.memory_space<hbm>>
      %dma_start3A_421 = tpu.memref_slice %arg4[%add3A_335] : memref<16000256xf32, #tpu.memory_space<hbm>> -> memref<2048xf32, #tpu.memory_space<hbm>>
      %dma_start3A_422 = arith.constant 26624 : i32
      %dma_start3A_423 = tpu.memref_slice %arg5[%dma_start3A_422] : memref<32768xf32, #tpu.memory_space<vmem>> -> memref<2048xf32, #tpu.memory_space<vmem>>
      tpu.enqueue_dma source(%dma_start3A_423 : memref<2048xf32, #tpu.memory_space<vmem>>) target(%dma_start3A_421 : memref<2048xf32, #tpu.memory_space<hbm>>) target_semaphore(%arg7 : memref<!tpu.dma_semaphore, #tpu.memory_space<semaphore_mem>>)
      %dma_start3A_424 = arith.constant 28672 : i32
      %dma_start3A_425 = tpu.memref_slice %arg5[%dma_start3A_424] : memref<32768xf32, #tpu.memory_space<vmem>> -> memref<2048xf32, #tpu.memory_space<vmem>>
      %dma_start3A_426 = tpu.memref_slice %arg4[%add3A_337] : memref<16000256xf32, #tpu.memory_space<hbm>> -> memref<2048xf32, #tpu.memory_space<hbm>>
      %dma_start3A_427 = tpu.memref_slice %arg4[%add3A_337] : memref<16000256xf32, #tpu.memory_space<hbm>> -> memref<2048xf32, #tpu.memory_space<hbm>>
      %dma_start3A_428 = arith.constant 28672 : i32
      %dma_start3A_429 = tpu.memref_slice %arg5[%dma_start3A_428] : memref<32768xf32, #tpu.memory_space<vmem>> -> memref<2048xf32, #tpu.memory_space<vmem>>
      tpu.enqueue_dma source(%dma_start3A_429 : memref<2048xf32, #tpu.memory_space<vmem>>) target(%dma_start3A_427 : memref<2048xf32, #tpu.memory_space<hbm>>) target_semaphore(%arg7 : memref<!tpu.dma_semaphore, #tpu.memory_space<semaphore_mem>>)
      %dma_start3A_430 = arith.constant 30720 : i32
      %dma_start3A_431 = tpu.memref_slice %arg5[%dma_start3A_430] : memref<32768xf32, #tpu.memory_space<vmem>> -> memref<2048xf32, #tpu.memory_space<vmem>>
      %dma_start3A_432 = tpu.memref_slice %arg4[%add3A_339] : memref<16000256xf32, #tpu.memory_space<hbm>> -> memref<2048xf32, #tpu.memory_space<hbm>>
      %dma_start3A_433 = tpu.memref_slice %arg4[%add3A_339] : memref<16000256xf32, #tpu.memory_space<hbm>> -> memref<2048xf32, #tpu.memory_space<hbm>>
      %dma_start3A_434 = arith.constant 30720 : i32
      %dma_start3A_435 = tpu.memref_slice %arg5[%dma_start3A_434] : memref<32768xf32, #tpu.memory_space<vmem>> -> memref<2048xf32, #tpu.memory_space<vmem>>
      tpu.enqueue_dma source(%dma_start3A_435 : memref<2048xf32, #tpu.memory_space<vmem>>) target(%dma_start3A_433 : memref<2048xf32, #tpu.memory_space<hbm>>) target_semaphore(%arg7 : memref<!tpu.dma_semaphore, #tpu.memory_space<semaphore_mem>>)
      %dma_wait3A_436 = arith.constant 0 : i32
      %dma_wait3A_437 = tpu.memref_slice %arg5[%dma_wait3A_436] : memref<32768xf32, #tpu.memory_space<vmem>> -> memref<2048xf32, #tpu.memory_space<vmem>>
      %dma_wait3A_438 = tpu.memref_slice %arg4[%add3A_309] : memref<16000256xf32, #tpu.memory_space<hbm>> -> memref<2048xf32, #tpu.memory_space<hbm>>
      %dma_wait3A_439 = tpu.memref_slice %arg4[%add3A_309] : memref<16000256xf32, #tpu.memory_space<hbm>> -> memref<2048xf32, #tpu.memory_space<hbm>>
      %dma_wait3A_440 = arith.constant 0 : i32
      %dma_wait3A_441 = tpu.memref_slice %arg5[%dma_wait3A_440] : memref<32768xf32, #tpu.memory_space<vmem>> -> memref<2048xf32, #tpu.memory_space<vmem>>
      tpu.wait_dma2 semaphore(%arg7 : memref<!tpu.dma_semaphore, #tpu.memory_space<semaphore_mem>>) src(%dma_wait3A_441 : memref<2048xf32, #tpu.memory_space<vmem>>) dst(%dma_wait3A_439 : memref<2048xf32, #tpu.memory_space<hbm>>)
      %dma_wait3A_442 = arith.constant 2048 : i32
      %dma_wait3A_443 = tpu.memref_slice %arg5[%dma_wait3A_442] : memref<32768xf32, #tpu.memory_space<vmem>> -> memref<2048xf32, #tpu.memory_space<vmem>>
      %dma_wait3A_444 = tpu.memref_slice %arg4[%add3A_311] : memref<16000256xf32, #tpu.memory_space<hbm>> -> memref<2048xf32, #tpu.memory_space<hbm>>
      %dma_wait3A_445 = tpu.memref_slice %arg4[%add3A_311] : memref<16000256xf32, #tpu.memory_space<hbm>> -> memref<2048xf32, #tpu.memory_space<hbm>>
      %dma_wait3A_446 = arith.constant 2048 : i32
      %dma_wait3A_447 = tpu.memref_slice %arg5[%dma_wait3A_446] : memref<32768xf32, #tpu.memory_space<vmem>> -> memref<2048xf32, #tpu.memory_space<vmem>>
      tpu.wait_dma2 semaphore(%arg7 : memref<!tpu.dma_semaphore, #tpu.memory_space<semaphore_mem>>) src(%dma_wait3A_447 : memref<2048xf32, #tpu.memory_space<vmem>>) dst(%dma_wait3A_445 : memref<2048xf32, #tpu.memory_space<hbm>>)
      %dma_wait3A_448 = arith.constant 4096 : i32
      %dma_wait3A_449 = tpu.memref_slice %arg5[%dma_wait3A_448] : memref<32768xf32, #tpu.memory_space<vmem>> -> memref<2048xf32, #tpu.memory_space<vmem>>
      %dma_wait3A_450 = tpu.memref_slice %arg4[%add3A_313] : memref<16000256xf32, #tpu.memory_space<hbm>> -> memref<2048xf32, #tpu.memory_space<hbm>>
      %dma_wait3A_451 = tpu.memref_slice %arg4[%add3A_313] : memref<16000256xf32, #tpu.memory_space<hbm>> -> memref<2048xf32, #tpu.memory_space<hbm>>
      %dma_wait3A_452 = arith.constant 4096 : i32
      %dma_wait3A_453 = tpu.memref_slice %arg5[%dma_wait3A_452] : memref<32768xf32, #tpu.memory_space<vmem>> -> memref<2048xf32, #tpu.memory_space<vmem>>
      tpu.wait_dma2 semaphore(%arg7 : memref<!tpu.dma_semaphore, #tpu.memory_space<semaphore_mem>>) src(%dma_wait3A_453 : memref<2048xf32, #tpu.memory_space<vmem>>) dst(%dma_wait3A_451 : memref<2048xf32, #tpu.memory_space<hbm>>)
      %dma_wait3A_454 = arith.constant 6144 : i32
      %dma_wait3A_455 = tpu.memref_slice %arg5[%dma_wait3A_454] : memref<32768xf32, #tpu.memory_space<vmem>> -> memref<2048xf32, #tpu.memory_space<vmem>>
      %dma_wait3A_456 = tpu.memref_slice %arg4[%add3A_315] : memref<16000256xf32, #tpu.memory_space<hbm>> -> memref<2048xf32, #tpu.memory_space<hbm>>
      %dma_wait3A_457 = tpu.memref_slice %arg4[%add3A_315] : memref<16000256xf32, #tpu.memory_space<hbm>> -> memref<2048xf32, #tpu.memory_space<hbm>>
      %dma_wait3A_458 = arith.constant 6144 : i32
      %dma_wait3A_459 = tpu.memref_slice %arg5[%dma_wait3A_458] : memref<32768xf32, #tpu.memory_space<vmem>> -> memref<2048xf32, #tpu.memory_space<vmem>>
      tpu.wait_dma2 semaphore(%arg7 : memref<!tpu.dma_semaphore, #tpu.memory_space<semaphore_mem>>) src(%dma_wait3A_459 : memref<2048xf32, #tpu.memory_space<vmem>>) dst(%dma_wait3A_457 : memref<2048xf32, #tpu.memory_space<hbm>>)
      %dma_wait3A_460 = arith.constant 8192 : i32
      %dma_wait3A_461 = tpu.memref_slice %arg5[%dma_wait3A_460] : memref<32768xf32, #tpu.memory_space<vmem>> -> memref<2048xf32, #tpu.memory_space<vmem>>
      %dma_wait3A_462 = tpu.memref_slice %arg4[%add3A_317] : memref<16000256xf32, #tpu.memory_space<hbm>> -> memref<2048xf32, #tpu.memory_space<hbm>>
      %dma_wait3A_463 = tpu.memref_slice %arg4[%add3A_317] : memref<16000256xf32, #tpu.memory_space<hbm>> -> memref<2048xf32, #tpu.memory_space<hbm>>
      %dma_wait3A_464 = arith.constant 8192 : i32
      %dma_wait3A_465 = tpu.memref_slice %arg5[%dma_wait3A_464] : memref<32768xf32, #tpu.memory_space<vmem>> -> memref<2048xf32, #tpu.memory_space<vmem>>
      tpu.wait_dma2 semaphore(%arg7 : memref<!tpu.dma_semaphore, #tpu.memory_space<semaphore_mem>>) src(%dma_wait3A_465 : memref<2048xf32, #tpu.memory_space<vmem>>) dst(%dma_wait3A_463 : memref<2048xf32, #tpu.memory_space<hbm>>)
      %dma_wait3A_466 = arith.constant 10240 : i32
      %dma_wait3A_467 = tpu.memref_slice %arg5[%dma_wait3A_466] : memref<32768xf32, #tpu.memory_space<vmem>> -> memref<2048xf32, #tpu.memory_space<vmem>>
      %dma_wait3A_468 = tpu.memref_slice %arg4[%add3A_319] : memref<16000256xf32, #tpu.memory_space<hbm>> -> memref<2048xf32, #tpu.memory_space<hbm>>
      %dma_wait3A_469 = tpu.memref_slice %arg4[%add3A_319] : memref<16000256xf32, #tpu.memory_space<hbm>> -> memref<2048xf32, #tpu.memory_space<hbm>>
      %dma_wait3A_470 = arith.constant 10240 : i32
      %dma_wait3A_471 = tpu.memref_slice %arg5[%dma_wait3A_470] : memref<32768xf32, #tpu.memory_space<vmem>> -> memref<2048xf32, #tpu.memory_space<vmem>>
      tpu.wait_dma2 semaphore(%arg7 : memref<!tpu.dma_semaphore, #tpu.memory_space<semaphore_mem>>) src(%dma_wait3A_471 : memref<2048xf32, #tpu.memory_space<vmem>>) dst(%dma_wait3A_469 : memref<2048xf32, #tpu.memory_space<hbm>>)
      %dma_wait3A_472 = arith.constant 12288 : i32
      %dma_wait3A_473 = tpu.memref_slice %arg5[%dma_wait3A_472] : memref<32768xf32, #tpu.memory_space<vmem>> -> memref<2048xf32, #tpu.memory_space<vmem>>
      %dma_wait3A_474 = tpu.memref_slice %arg4[%add3A_321] : memref<16000256xf32, #tpu.memory_space<hbm>> -> memref<2048xf32, #tpu.memory_space<hbm>>
      %dma_wait3A_475 = tpu.memref_slice %arg4[%add3A_321] : memref<16000256xf32, #tpu.memory_space<hbm>> -> memref<2048xf32, #tpu.memory_space<hbm>>
      %dma_wait3A_476 = arith.constant 12288 : i32
      %dma_wait3A_477 = tpu.memref_slice %arg5[%dma_wait3A_476] : memref<32768xf32, #tpu.memory_space<vmem>> -> memref<2048xf32, #tpu.memory_space<vmem>>
      tpu.wait_dma2 semaphore(%arg7 : memref<!tpu.dma_semaphore, #tpu.memory_space<semaphore_mem>>) src(%dma_wait3A_477 : memref<2048xf32, #tpu.memory_space<vmem>>) dst(%dma_wait3A_475 : memref<2048xf32, #tpu.memory_space<hbm>>)
      %dma_wait3A_478 = arith.constant 14336 : i32
      %dma_wait3A_479 = tpu.memref_slice %arg5[%dma_wait3A_478] : memref<32768xf32, #tpu.memory_space<vmem>> -> memref<2048xf32, #tpu.memory_space<vmem>>
      %dma_wait3A_480 = tpu.memref_slice %arg4[%add3A_323] : memref<16000256xf32, #tpu.memory_space<hbm>> -> memref<2048xf32, #tpu.memory_space<hbm>>
      %dma_wait3A_481 = tpu.memref_slice %arg4[%add3A_323] : memref<16000256xf32, #tpu.memory_space<hbm>> -> memref<2048xf32, #tpu.memory_space<hbm>>
      %dma_wait3A_482 = arith.constant 14336 : i32
      %dma_wait3A_483 = tpu.memref_slice %arg5[%dma_wait3A_482] : memref<32768xf32, #tpu.memory_space<vmem>> -> memref<2048xf32, #tpu.memory_space<vmem>>
      tpu.wait_dma2 semaphore(%arg7 : memref<!tpu.dma_semaphore, #tpu.memory_space<semaphore_mem>>) src(%dma_wait3A_483 : memref<2048xf32, #tpu.memory_space<vmem>>) dst(%dma_wait3A_481 : memref<2048xf32, #tpu.memory_space<hbm>>)
      %dma_wait3A_484 = arith.constant 16384 : i32
      %dma_wait3A_485 = tpu.memref_slice %arg5[%dma_wait3A_484] : memref<32768xf32, #tpu.memory_space<vmem>> -> memref<2048xf32, #tpu.memory_space<vmem>>
      %dma_wait3A_486 = tpu.memref_slice %arg4[%add3A_325] : memref<16000256xf32, #tpu.memory_space<hbm>> -> memref<2048xf32, #tpu.memory_space<hbm>>
      %dma_wait3A_487 = tpu.memref_slice %arg4[%add3A_325] : memref<16000256xf32, #tpu.memory_space<hbm>> -> memref<2048xf32, #tpu.memory_space<hbm>>
      %dma_wait3A_488 = arith.constant 16384 : i32
      %dma_wait3A_489 = tpu.memref_slice %arg5[%dma_wait3A_488] : memref<32768xf32, #tpu.memory_space<vmem>> -> memref<2048xf32, #tpu.memory_space<vmem>>
      tpu.wait_dma2 semaphore(%arg7 : memref<!tpu.dma_semaphore, #tpu.memory_space<semaphore_mem>>) src(%dma_wait3A_489 : memref<2048xf32, #tpu.memory_space<vmem>>) dst(%dma_wait3A_487 : memref<2048xf32, #tpu.memory_space<hbm>>)
      %dma_wait3A_490 = arith.constant 18432 : i32
      %dma_wait3A_491 = tpu.memref_slice %arg5[%dma_wait3A_490] : memref<32768xf32, #tpu.memory_space<vmem>> -> memref<2048xf32, #tpu.memory_space<vmem>>
      %dma_wait3A_492 = tpu.memref_slice %arg4[%add3A_327] : memref<16000256xf32, #tpu.memory_space<hbm>> -> memref<2048xf32, #tpu.memory_space<hbm>>
      %dma_wait3A_493 = tpu.memref_slice %arg4[%add3A_327] : memref<16000256xf32, #tpu.memory_space<hbm>> -> memref<2048xf32, #tpu.memory_space<hbm>>
      %dma_wait3A_494 = arith.constant 18432 : i32
      %dma_wait3A_495 = tpu.memref_slice %arg5[%dma_wait3A_494] : memref<32768xf32, #tpu.memory_space<vmem>> -> memref<2048xf32, #tpu.memory_space<vmem>>
      tpu.wait_dma2 semaphore(%arg7 : memref<!tpu.dma_semaphore, #tpu.memory_space<semaphore_mem>>) src(%dma_wait3A_495 : memref<2048xf32, #tpu.memory_space<vmem>>) dst(%dma_wait3A_493 : memref<2048xf32, #tpu.memory_space<hbm>>)
      %dma_wait3A_496 = arith.constant 20480 : i32
      %dma_wait3A_497 = tpu.memref_slice %arg5[%dma_wait3A_496] : memref<32768xf32, #tpu.memory_space<vmem>> -> memref<2048xf32, #tpu.memory_space<vmem>>
      %dma_wait3A_498 = tpu.memref_slice %arg4[%add3A_329] : memref<16000256xf32, #tpu.memory_space<hbm>> -> memref<2048xf32, #tpu.memory_space<hbm>>
      %dma_wait3A_499 = tpu.memref_slice %arg4[%add3A_329] : memref<16000256xf32, #tpu.memory_space<hbm>> -> memref<2048xf32, #tpu.memory_space<hbm>>
      %dma_wait3A_500 = arith.constant 20480 : i32
      %dma_wait3A_501 = tpu.memref_slice %arg5[%dma_wait3A_500] : memref<32768xf32, #tpu.memory_space<vmem>> -> memref<2048xf32, #tpu.memory_space<vmem>>
      tpu.wait_dma2 semaphore(%arg7 : memref<!tpu.dma_semaphore, #tpu.memory_space<semaphore_mem>>) src(%dma_wait3A_501 : memref<2048xf32, #tpu.memory_space<vmem>>) dst(%dma_wait3A_499 : memref<2048xf32, #tpu.memory_space<hbm>>)
      %dma_wait3A_502 = arith.constant 22528 : i32
      %dma_wait3A_503 = tpu.memref_slice %arg5[%dma_wait3A_502] : memref<32768xf32, #tpu.memory_space<vmem>> -> memref<2048xf32, #tpu.memory_space<vmem>>
      %dma_wait3A_504 = tpu.memref_slice %arg4[%add3A_331] : memref<16000256xf32, #tpu.memory_space<hbm>> -> memref<2048xf32, #tpu.memory_space<hbm>>
      %dma_wait3A_505 = tpu.memref_slice %arg4[%add3A_331] : memref<16000256xf32, #tpu.memory_space<hbm>> -> memref<2048xf32, #tpu.memory_space<hbm>>
      %dma_wait3A_506 = arith.constant 22528 : i32
      %dma_wait3A_507 = tpu.memref_slice %arg5[%dma_wait3A_506] : memref<32768xf32, #tpu.memory_space<vmem>> -> memref<2048xf32, #tpu.memory_space<vmem>>
      tpu.wait_dma2 semaphore(%arg7 : memref<!tpu.dma_semaphore, #tpu.memory_space<semaphore_mem>>) src(%dma_wait3A_507 : memref<2048xf32, #tpu.memory_space<vmem>>) dst(%dma_wait3A_505 : memref<2048xf32, #tpu.memory_space<hbm>>)
      %dma_wait3A_508 = arith.constant 24576 : i32
      %dma_wait3A_509 = tpu.memref_slice %arg5[%dma_wait3A_508] : memref<32768xf32, #tpu.memory_space<vmem>> -> memref<2048xf32, #tpu.memory_space<vmem>>
      %dma_wait3A_510 = tpu.memref_slice %arg4[%add3A_333] : memref<16000256xf32, #tpu.memory_space<hbm>> -> memref<2048xf32, #tpu.memory_space<hbm>>
      %dma_wait3A_511 = tpu.memref_slice %arg4[%add3A_333] : memref<16000256xf32, #tpu.memory_space<hbm>> -> memref<2048xf32, #tpu.memory_space<hbm>>
      %dma_wait3A_512 = arith.constant 24576 : i32
      %dma_wait3A_513 = tpu.memref_slice %arg5[%dma_wait3A_512] : memref<32768xf32, #tpu.memory_space<vmem>> -> memref<2048xf32, #tpu.memory_space<vmem>>
      tpu.wait_dma2 semaphore(%arg7 : memref<!tpu.dma_semaphore, #tpu.memory_space<semaphore_mem>>) src(%dma_wait3A_513 : memref<2048xf32, #tpu.memory_space<vmem>>) dst(%dma_wait3A_511 : memref<2048xf32, #tpu.memory_space<hbm>>)
      %dma_wait3A_514 = arith.constant 26624 : i32
      %dma_wait3A_515 = tpu.memref_slice %arg5[%dma_wait3A_514] : memref<32768xf32, #tpu.memory_space<vmem>> -> memref<2048xf32, #tpu.memory_space<vmem>>
      %dma_wait3A_516 = tpu.memref_slice %arg4[%add3A_335] : memref<16000256xf32, #tpu.memory_space<hbm>> -> memref<2048xf32, #tpu.memory_space<hbm>>
      %dma_wait3A_517 = tpu.memref_slice %arg4[%add3A_335] : memref<16000256xf32, #tpu.memory_space<hbm>> -> memref<2048xf32, #tpu.memory_space<hbm>>
      %dma_wait3A_518 = arith.constant 26624 : i32
      %dma_wait3A_519 = tpu.memref_slice %arg5[%dma_wait3A_518] : memref<32768xf32, #tpu.memory_space<vmem>> -> memref<2048xf32, #tpu.memory_space<vmem>>
      tpu.wait_dma2 semaphore(%arg7 : memref<!tpu.dma_semaphore, #tpu.memory_space<semaphore_mem>>) src(%dma_wait3A_519 : memref<2048xf32, #tpu.memory_space<vmem>>) dst(%dma_wait3A_517 : memref<2048xf32, #tpu.memory_space<hbm>>)
      %dma_wait3A_520 = arith.constant 28672 : i32
      %dma_wait3A_521 = tpu.memref_slice %arg5[%dma_wait3A_520] : memref<32768xf32, #tpu.memory_space<vmem>> -> memref<2048xf32, #tpu.memory_space<vmem>>
      %dma_wait3A_522 = tpu.memref_slice %arg4[%add3A_337] : memref<16000256xf32, #tpu.memory_space<hbm>> -> memref<2048xf32, #tpu.memory_space<hbm>>
      %dma_wait3A_523 = tpu.memref_slice %arg4[%add3A_337] : memref<16000256xf32, #tpu.memory_space<hbm>> -> memref<2048xf32, #tpu.memory_space<hbm>>
      %dma_wait3A_524 = arith.constant 28672 : i32
      %dma_wait3A_525 = tpu.memref_slice %arg5[%dma_wait3A_524] : memref<32768xf32, #tpu.memory_space<vmem>> -> memref<2048xf32, #tpu.memory_space<vmem>>
      tpu.wait_dma2 semaphore(%arg7 : memref<!tpu.dma_semaphore, #tpu.memory_space<semaphore_mem>>) src(%dma_wait3A_525 : memref<2048xf32, #tpu.memory_space<vmem>>) dst(%dma_wait3A_523 : memref<2048xf32, #tpu.memory_space<hbm>>)
      %dma_wait3A_526 = arith.constant 30720 : i32
      %dma_wait3A_527 = tpu.memref_slice %arg5[%dma_wait3A_526] : memref<32768xf32, #tpu.memory_space<vmem>> -> memref<2048xf32, #tpu.memory_space<vmem>>
      %dma_wait3A_528 = tpu.memref_slice %arg4[%add3A_339] : memref<16000256xf32, #tpu.memory_space<hbm>> -> memref<2048xf32, #tpu.memory_space<hbm>>
      %dma_wait3A_529 = tpu.memref_slice %arg4[%add3A_339] : memref<16000256xf32, #tpu.memory_space<hbm>> -> memref<2048xf32, #tpu.memory_space<hbm>>
      %dma_wait3A_530 = arith.constant 30720 : i32
      %dma_wait3A_531 = tpu.memref_slice %arg5[%dma_wait3A_530] : memref<32768xf32, #tpu.memory_space<vmem>> -> memref<2048xf32, #tpu.memory_space<vmem>>
      tpu.wait_dma2 semaphore(%arg7 : memref<!tpu.dma_semaphore, #tpu.memory_space<semaphore_mem>>) src(%dma_wait3A_531 : memref<2048xf32, #tpu.memory_space<vmem>>) dst(%dma_wait3A_529 : memref<2048xf32, #tpu.memory_space<hbm>>)
    }
    %while3A_13 = arith.constant 1 : i32
    scf.for %while3A_16 = %while3A_11 to %while3A_7 step %while3A_13  : i32 {
      %mul3A_17 = arith.constant 32 : i32
      %mul3A_18 = arith.muli %while3A_16, %mul3A_17 : i32
      %add3A_19 = arith.addi %add3A, %mul3A_18 : i32
      %mul3A_20 = arith.constant 2048 : i32
      %mul3A_21 = arith.muli %add3A_19, %mul3A_20 : i32
      %dma_start3A = arith.constant 0 : i32
      %dma_start3A_22 = arith.constant 0 : i32
      %dma_start3A_23 = tpu.memref_slice %arg5[%dma_start3A_22] : memref<32768xf32, #tpu.memory_space<vmem>> -> memref<2048xf32, #tpu.memory_space<vmem>>
      %dma_start3A_24 = tpu.memref_slice %arg2[%dma_start3A, %mul3A_21] : memref<16x1000012xf32, #tpu.memory_space<hbm>> -> memref<1x2048xf32, #tpu.memory_space<hbm>>
      %dma_start3A_25 = tpu.memref_squeeze %dma_start3A_24 : memref<1x2048xf32, #tpu.memory_space<hbm>> -> memref<2048xf32, #tpu.memory_space<hbm>>
      %dma_start3A_26 = arith.constant 0 : i32
      %dma_start3A_27 = tpu.memref_slice %arg5[%dma_start3A_26] : memref<32768xf32, #tpu.memory_space<vmem>> -> memref<2048xf32, #tpu.memory_space<vmem>>
      %dma_start3A_28 = tpu.memref_slice %arg2[%dma_start3A, %mul3A_21] : memref<16x1000012xf32, #tpu.memory_space<hbm>> -> memref<1x2048xf32, #tpu.memory_space<hbm>>
      %dma_start3A_29 = tpu.memref_squeeze %dma_start3A_28 : memref<1x2048xf32, #tpu.memory_space<hbm>> -> memref<2048xf32, #tpu.memory_space<hbm>>
      tpu.enqueue_dma source(%dma_start3A_29 : memref<2048xf32, #tpu.memory_space<hbm>>) target(%dma_start3A_27 : memref<2048xf32, #tpu.memory_space<vmem>>) target_semaphore(%arg6 : memref<!tpu.dma_semaphore, #tpu.memory_space<semaphore_mem>>)
      %dma_start3A_30 = arith.constant 1 : i32
      %dma_start3A_31 = arith.constant 2048 : i32
      %dma_start3A_32 = tpu.memref_slice %arg5[%dma_start3A_31] : memref<32768xf32, #tpu.memory_space<vmem>> -> memref<2048xf32, #tpu.memory_space<vmem>>
      %dma_start3A_33 = tpu.memref_slice %arg2[%dma_start3A_30, %mul3A_21] : memref<16x1000012xf32, #tpu.memory_space<hbm>> -> memref<1x2048xf32, #tpu.memory_space<hbm>>
      %dma_start3A_34 = tpu.memref_squeeze %dma_start3A_33 : memref<1x2048xf32, #tpu.memory_space<hbm>> -> memref<2048xf32, #tpu.memory_space<hbm>>
      %dma_start3A_35 = arith.constant 2048 : i32
      %dma_start3A_36 = tpu.memref_slice %arg5[%dma_start3A_35] : memref<32768xf32, #tpu.memory_space<vmem>> -> memref<2048xf32, #tpu.memory_space<vmem>>
      %dma_start3A_37 = tpu.memref_slice %arg2[%dma_start3A_30, %mul3A_21] : memref<16x1000012xf32, #tpu.memory_space<hbm>> -> memref<1x2048xf32, #tpu.memory_space<hbm>>
      %dma_start3A_38 = tpu.memref_squeeze %dma_start3A_37 : memref<1x2048xf32, #tpu.memory_space<hbm>> -> memref<2048xf32, #tpu.memory_space<hbm>>
      tpu.enqueue_dma source(%dma_start3A_38 : memref<2048xf32, #tpu.memory_space<hbm>>) target(%dma_start3A_36 : memref<2048xf32, #tpu.memory_space<vmem>>) target_semaphore(%arg6 : memref<!tpu.dma_semaphore, #tpu.memory_space<semaphore_mem>>)
      %dma_start3A_39 = arith.constant 2 : i32
      %dma_start3A_40 = arith.constant 4096 : i32
      %dma_start3A_41 = tpu.memref_slice %arg5[%dma_start3A_40] : memref<32768xf32, #tpu.memory_space<vmem>> -> memref<2048xf32, #tpu.memory_space<vmem>>
      %dma_start3A_42 = tpu.memref_slice %arg2[%dma_start3A_39, %mul3A_21] : memref<16x1000012xf32, #tpu.memory_space<hbm>> -> memref<1x2048xf32, #tpu.memory_space<hbm>>
      %dma_start3A_43 = tpu.memref_squeeze %dma_start3A_42 : memref<1x2048xf32, #tpu.memory_space<hbm>> -> memref<2048xf32, #tpu.memory_space<hbm>>
      %dma_start3A_44 = arith.constant 4096 : i32
      %dma_start3A_45 = tpu.memref_slice %arg5[%dma_start3A_44] : memref<32768xf32, #tpu.memory_space<vmem>> -> memref<2048xf32, #tpu.memory_space<vmem>>
      %dma_start3A_46 = tpu.memref_slice %arg2[%dma_start3A_39, %mul3A_21] : memref<16x1000012xf32, #tpu.memory_space<hbm>> -> memref<1x2048xf32, #tpu.memory_space<hbm>>
      %dma_start3A_47 = tpu.memref_squeeze %dma_start3A_46 : memref<1x2048xf32, #tpu.memory_space<hbm>> -> memref<2048xf32, #tpu.memory_space<hbm>>
      tpu.enqueue_dma source(%dma_start3A_47 : memref<2048xf32, #tpu.memory_space<hbm>>) target(%dma_start3A_45 : memref<2048xf32, #tpu.memory_space<vmem>>) target_semaphore(%arg6 : memref<!tpu.dma_semaphore, #tpu.memory_space<semaphore_mem>>)
      %dma_start3A_48 = arith.constant 3 : i32
      %dma_start3A_49 = arith.constant 6144 : i32
      %dma_start3A_50 = tpu.memref_slice %arg5[%dma_start3A_49] : memref<32768xf32, #tpu.memory_space<vmem>> -> memref<2048xf32, #tpu.memory_space<vmem>>
      %dma_start3A_51 = tpu.memref_slice %arg2[%dma_start3A_48, %mul3A_21] : memref<16x1000012xf32, #tpu.memory_space<hbm>> -> memref<1x2048xf32, #tpu.memory_space<hbm>>
      %dma_start3A_52 = tpu.memref_squeeze %dma_start3A_51 : memref<1x2048xf32, #tpu.memory_space<hbm>> -> memref<2048xf32, #tpu.memory_space<hbm>>
      %dma_start3A_53 = arith.constant 6144 : i32
      %dma_start3A_54 = tpu.memref_slice %arg5[%dma_start3A_53] : memref<32768xf32, #tpu.memory_space<vmem>> -> memref<2048xf32, #tpu.memory_space<vmem>>
      %dma_start3A_55 = tpu.memref_slice %arg2[%dma_start3A_48, %mul3A_21] : memref<16x1000012xf32, #tpu.memory_space<hbm>> -> memref<1x2048xf32, #tpu.memory_space<hbm>>
      %dma_start3A_56 = tpu.memref_squeeze %dma_start3A_55 : memref<1x2048xf32, #tpu.memory_space<hbm>> -> memref<2048xf32, #tpu.memory_space<hbm>>
      tpu.enqueue_dma source(%dma_start3A_56 : memref<2048xf32, #tpu.memory_space<hbm>>) target(%dma_start3A_54 : memref<2048xf32, #tpu.memory_space<vmem>>) target_semaphore(%arg6 : memref<!tpu.dma_semaphore, #tpu.memory_space<semaphore_mem>>)
      %dma_start3A_57 = arith.constant 4 : i32
      %dma_start3A_58 = arith.constant 8192 : i32
      %dma_start3A_59 = tpu.memref_slice %arg5[%dma_start3A_58] : memref<32768xf32, #tpu.memory_space<vmem>> -> memref<2048xf32, #tpu.memory_space<vmem>>
      %dma_start3A_60 = tpu.memref_slice %arg2[%dma_start3A_57, %mul3A_21] : memref<16x1000012xf32, #tpu.memory_space<hbm>> -> memref<1x2048xf32, #tpu.memory_space<hbm>>
      %dma_start3A_61 = tpu.memref_squeeze %dma_start3A_60 : memref<1x2048xf32, #tpu.memory_space<hbm>> -> memref<2048xf32, #tpu.memory_space<hbm>>
      %dma_start3A_62 = arith.constant 8192 : i32
      %dma_start3A_63 = tpu.memref_slice %arg5[%dma_start3A_62] : memref<32768xf32, #tpu.memory_space<vmem>> -> memref<2048xf32, #tpu.memory_space<vmem>>
      %dma_start3A_64 = tpu.memref_slice %arg2[%dma_start3A_57, %mul3A_21] : memref<16x1000012xf32, #tpu.memory_space<hbm>> -> memref<1x2048xf32, #tpu.memory_space<hbm>>
      %dma_start3A_65 = tpu.memref_squeeze %dma_start3A_64 : memref<1x2048xf32, #tpu.memory_space<hbm>> -> memref<2048xf32, #tpu.memory_space<hbm>>
      tpu.enqueue_dma source(%dma_start3A_65 : memref<2048xf32, #tpu.memory_space<hbm>>) target(%dma_start3A_63 : memref<2048xf32, #tpu.memory_space<vmem>>) target_semaphore(%arg6 : memref<!tpu.dma_semaphore, #tpu.memory_space<semaphore_mem>>)
      %dma_start3A_66 = arith.constant 5 : i32
      %dma_start3A_67 = arith.constant 10240 : i32
      %dma_start3A_68 = tpu.memref_slice %arg5[%dma_start3A_67] : memref<32768xf32, #tpu.memory_space<vmem>> -> memref<2048xf32, #tpu.memory_space<vmem>>
      %dma_start3A_69 = tpu.memref_slice %arg2[%dma_start3A_66, %mul3A_21] : memref<16x1000012xf32, #tpu.memory_space<hbm>> -> memref<1x2048xf32, #tpu.memory_space<hbm>>
      %dma_start3A_70 = tpu.memref_squeeze %dma_start3A_69 : memref<1x2048xf32, #tpu.memory_space<hbm>> -> memref<2048xf32, #tpu.memory_space<hbm>>
      %dma_start3A_71 = arith.constant 10240 : i32
      %dma_start3A_72 = tpu.memref_slice %arg5[%dma_start3A_71] : memref<32768xf32, #tpu.memory_space<vmem>> -> memref<2048xf32, #tpu.memory_space<vmem>>
      %dma_start3A_73 = tpu.memref_slice %arg2[%dma_start3A_66, %mul3A_21] : memref<16x1000012xf32, #tpu.memory_space<hbm>> -> memref<1x2048xf32, #tpu.memory_space<hbm>>
      %dma_start3A_74 = tpu.memref_squeeze %dma_start3A_73 : memref<1x2048xf32, #tpu.memory_space<hbm>> -> memref<2048xf32, #tpu.memory_space<hbm>>
      tpu.enqueue_dma source(%dma_start3A_74 : memref<2048xf32, #tpu.memory_space<hbm>>) target(%dma_start3A_72 : memref<2048xf32, #tpu.memory_space<vmem>>) target_semaphore(%arg6 : memref<!tpu.dma_semaphore, #tpu.memory_space<semaphore_mem>>)
      %dma_start3A_75 = arith.constant 6 : i32
      %dma_start3A_76 = arith.constant 12288 : i32
      %dma_start3A_77 = tpu.memref_slice %arg5[%dma_start3A_76] : memref<32768xf32, #tpu.memory_space<vmem>> -> memref<2048xf32, #tpu.memory_space<vmem>>
      %dma_start3A_78 = tpu.memref_slice %arg2[%dma_start3A_75, %mul3A_21] : memref<16x1000012xf32, #tpu.memory_space<hbm>> -> memref<1x2048xf32, #tpu.memory_space<hbm>>
      %dma_start3A_79 = tpu.memref_squeeze %dma_start3A_78 : memref<1x2048xf32, #tpu.memory_space<hbm>> -> memref<2048xf32, #tpu.memory_space<hbm>>
      %dma_start3A_80 = arith.constant 12288 : i32
      %dma_start3A_81 = tpu.memref_slice %arg5[%dma_start3A_80] : memref<32768xf32, #tpu.memory_space<vmem>> -> memref<2048xf32, #tpu.memory_space<vmem>>
      %dma_start3A_82 = tpu.memref_slice %arg2[%dma_start3A_75, %mul3A_21] : memref<16x1000012xf32, #tpu.memory_space<hbm>> -> memref<1x2048xf32, #tpu.memory_space<hbm>>
      %dma_start3A_83 = tpu.memref_squeeze %dma_start3A_82 : memref<1x2048xf32, #tpu.memory_space<hbm>> -> memref<2048xf32, #tpu.memory_space<hbm>>
      tpu.enqueue_dma source(%dma_start3A_83 : memref<2048xf32, #tpu.memory_space<hbm>>) target(%dma_start3A_81 : memref<2048xf32, #tpu.memory_space<vmem>>) target_semaphore(%arg6 : memref<!tpu.dma_semaphore, #tpu.memory_space<semaphore_mem>>)
      %dma_start3A_84 = arith.constant 7 : i32
      %dma_start3A_85 = arith.constant 14336 : i32
      %dma_start3A_86 = tpu.memref_slice %arg5[%dma_start3A_85] : memref<32768xf32, #tpu.memory_space<vmem>> -> memref<2048xf32, #tpu.memory_space<vmem>>
      %dma_start3A_87 = tpu.memref_slice %arg2[%dma_start3A_84, %mul3A_21] : memref<16x1000012xf32, #tpu.memory_space<hbm>> -> memref<1x2048xf32, #tpu.memory_space<hbm>>
      %dma_start3A_88 = tpu.memref_squeeze %dma_start3A_87 : memref<1x2048xf32, #tpu.memory_space<hbm>> -> memref<2048xf32, #tpu.memory_space<hbm>>
      %dma_start3A_89 = arith.constant 14336 : i32
      %dma_start3A_90 = tpu.memref_slice %arg5[%dma_start3A_89] : memref<32768xf32, #tpu.memory_space<vmem>> -> memref<2048xf32, #tpu.memory_space<vmem>>
      %dma_start3A_91 = tpu.memref_slice %arg2[%dma_start3A_84, %mul3A_21] : memref<16x1000012xf32, #tpu.memory_space<hbm>> -> memref<1x2048xf32, #tpu.memory_space<hbm>>
      %dma_start3A_92 = tpu.memref_squeeze %dma_start3A_91 : memref<1x2048xf32, #tpu.memory_space<hbm>> -> memref<2048xf32, #tpu.memory_space<hbm>>
      tpu.enqueue_dma source(%dma_start3A_92 : memref<2048xf32, #tpu.memory_space<hbm>>) target(%dma_start3A_90 : memref<2048xf32, #tpu.memory_space<vmem>>) target_semaphore(%arg6 : memref<!tpu.dma_semaphore, #tpu.memory_space<semaphore_mem>>)
      %dma_start3A_93 = arith.constant 8 : i32
      %dma_start3A_94 = arith.constant 16384 : i32
      %dma_start3A_95 = tpu.memref_slice %arg5[%dma_start3A_94] : memref<32768xf32, #tpu.memory_space<vmem>> -> memref<2048xf32, #tpu.memory_space<vmem>>
      %dma_start3A_96 = tpu.memref_slice %arg2[%dma_start3A_93, %mul3A_21] : memref<16x1000012xf32, #tpu.memory_space<hbm>> -> memref<1x2048xf32, #tpu.memory_space<hbm>>
      %dma_start3A_97 = tpu.memref_squeeze %dma_start3A_96 : memref<1x2048xf32, #tpu.memory_space<hbm>> -> memref<2048xf32, #tpu.memory_space<hbm>>
      %dma_start3A_98 = arith.constant 16384 : i32
      %dma_start3A_99 = tpu.memref_slice %arg5[%dma_start3A_98] : memref<32768xf32, #tpu.memory_space<vmem>> -> memref<2048xf32, #tpu.memory_space<vmem>>
      %dma_start3A_100 = tpu.memref_slice %arg2[%dma_start3A_93, %mul3A_21] : memref<16x1000012xf32, #tpu.memory_space<hbm>> -> memref<1x2048xf32, #tpu.memory_space<hbm>>
      %dma_start3A_101 = tpu.memref_squeeze %dma_start3A_100 : memref<1x2048xf32, #tpu.memory_space<hbm>> -> memref<2048xf32, #tpu.memory_space<hbm>>
      tpu.enqueue_dma source(%dma_start3A_101 : memref<2048xf32, #tpu.memory_space<hbm>>) target(%dma_start3A_99 : memref<2048xf32, #tpu.memory_space<vmem>>) target_semaphore(%arg6 : memref<!tpu.dma_semaphore, #tpu.memory_space<semaphore_mem>>)
      %dma_start3A_102 = arith.constant 9 : i32
      %dma_start3A_103 = arith.constant 18432 : i32
      %dma_start3A_104 = tpu.memref_slice %arg5[%dma_start3A_103] : memref<32768xf32, #tpu.memory_space<vmem>> -> memref<2048xf32, #tpu.memory_space<vmem>>
      %dma_start3A_105 = tpu.memref_slice %arg2[%dma_start3A_102, %mul3A_21] : memref<16x1000012xf32, #tpu.memory_space<hbm>> -> memref<1x2048xf32, #tpu.memory_space<hbm>>
      %dma_start3A_106 = tpu.memref_squeeze %dma_start3A_105 : memref<1x2048xf32, #tpu.memory_space<hbm>> -> memref<2048xf32, #tpu.memory_space<hbm>>
      %dma_start3A_107 = arith.constant 18432 : i32
      %dma_start3A_108 = tpu.memref_slice %arg5[%dma_start3A_107] : memref<32768xf32, #tpu.memory_space<vmem>> -> memref<2048xf32, #tpu.memory_space<vmem>>
      %dma_start3A_109 = tpu.memref_slice %arg2[%dma_start3A_102, %mul3A_21] : memref<16x1000012xf32, #tpu.memory_space<hbm>> -> memref<1x2048xf32, #tpu.memory_space<hbm>>
      %dma_start3A_110 = tpu.memref_squeeze %dma_start3A_109 : memref<1x2048xf32, #tpu.memory_space<hbm>> -> memref<2048xf32, #tpu.memory_space<hbm>>
      tpu.enqueue_dma source(%dma_start3A_110 : memref<2048xf32, #tpu.memory_space<hbm>>) target(%dma_start3A_108 : memref<2048xf32, #tpu.memory_space<vmem>>) target_semaphore(%arg6 : memref<!tpu.dma_semaphore, #tpu.memory_space<semaphore_mem>>)
      %dma_start3A_111 = arith.constant 10 : i32
      %dma_start3A_112 = arith.constant 20480 : i32
      %dma_start3A_113 = tpu.memref_slice %arg5[%dma_start3A_112] : memref<32768xf32, #tpu.memory_space<vmem>> -> memref<2048xf32, #tpu.memory_space<vmem>>
      %dma_start3A_114 = tpu.memref_slice %arg2[%dma_start3A_111, %mul3A_21] : memref<16x1000012xf32, #tpu.memory_space<hbm>> -> memref<1x2048xf32, #tpu.memory_space<hbm>>
      %dma_start3A_115 = tpu.memref_squeeze %dma_start3A_114 : memref<1x2048xf32, #tpu.memory_space<hbm>> -> memref<2048xf32, #tpu.memory_space<hbm>>
      %dma_start3A_116 = arith.constant 20480 : i32
      %dma_start3A_117 = tpu.memref_slice %arg5[%dma_start3A_116] : memref<32768xf32, #tpu.memory_space<vmem>> -> memref<2048xf32, #tpu.memory_space<vmem>>
      %dma_start3A_118 = tpu.memref_slice %arg2[%dma_start3A_111, %mul3A_21] : memref<16x1000012xf32, #tpu.memory_space<hbm>> -> memref<1x2048xf32, #tpu.memory_space<hbm>>
      %dma_start3A_119 = tpu.memref_squeeze %dma_start3A_118 : memref<1x2048xf32, #tpu.memory_space<hbm>> -> memref<2048xf32, #tpu.memory_space<hbm>>
      tpu.enqueue_dma source(%dma_start3A_119 : memref<2048xf32, #tpu.memory_space<hbm>>) target(%dma_start3A_117 : memref<2048xf32, #tpu.memory_space<vmem>>) target_semaphore(%arg6 : memref<!tpu.dma_semaphore, #tpu.memory_space<semaphore_mem>>)
      %dma_start3A_120 = arith.constant 11 : i32
      %dma_start3A_121 = arith.constant 22528 : i32
      %dma_start3A_122 = tpu.memref_slice %arg5[%dma_start3A_121] : memref<32768xf32, #tpu.memory_space<vmem>> -> memref<2048xf32, #tpu.memory_space<vmem>>
      %dma_start3A_123 = tpu.memref_slice %arg2[%dma_start3A_120, %mul3A_21] : memref<16x1000012xf32, #tpu.memory_space<hbm>> -> memref<1x2048xf32, #tpu.memory_space<hbm>>
      %dma_start3A_124 = tpu.memref_squeeze %dma_start3A_123 : memref<1x2048xf32, #tpu.memory_space<hbm>> -> memref<2048xf32, #tpu.memory_space<hbm>>
      %dma_start3A_125 = arith.constant 22528 : i32
      %dma_start3A_126 = tpu.memref_slice %arg5[%dma_start3A_125] : memref<32768xf32, #tpu.memory_space<vmem>> -> memref<2048xf32, #tpu.memory_space<vmem>>
      %dma_start3A_127 = tpu.memref_slice %arg2[%dma_start3A_120, %mul3A_21] : memref<16x1000012xf32, #tpu.memory_space<hbm>> -> memref<1x2048xf32, #tpu.memory_space<hbm>>
      %dma_start3A_128 = tpu.memref_squeeze %dma_start3A_127 : memref<1x2048xf32, #tpu.memory_space<hbm>> -> memref<2048xf32, #tpu.memory_space<hbm>>
      tpu.enqueue_dma source(%dma_start3A_128 : memref<2048xf32, #tpu.memory_space<hbm>>) target(%dma_start3A_126 : memref<2048xf32, #tpu.memory_space<vmem>>) target_semaphore(%arg6 : memref<!tpu.dma_semaphore, #tpu.memory_space<semaphore_mem>>)
      %dma_start3A_129 = arith.constant 12 : i32
      %dma_start3A_130 = arith.constant 24576 : i32
      %dma_start3A_131 = tpu.memref_slice %arg5[%dma_start3A_130] : memref<32768xf32, #tpu.memory_space<vmem>> -> memref<2048xf32, #tpu.memory_space<vmem>>
      %dma_start3A_132 = tpu.memref_slice %arg2[%dma_start3A_129, %mul3A_21] : memref<16x1000012xf32, #tpu.memory_space<hbm>> -> memref<1x2048xf32, #tpu.memory_space<hbm>>
      %dma_start3A_133 = tpu.memref_squeeze %dma_start3A_132 : memref<1x2048xf32, #tpu.memory_space<hbm>> -> memref<2048xf32, #tpu.memory_space<hbm>>
      %dma_start3A_134 = arith.constant 24576 : i32
      %dma_start3A_135 = tpu.memref_slice %arg5[%dma_start3A_134] : memref<32768xf32, #tpu.memory_space<vmem>> -> memref<2048xf32, #tpu.memory_space<vmem>>
      %dma_start3A_136 = tpu.memref_slice %arg2[%dma_start3A_129, %mul3A_21] : memref<16x1000012xf32, #tpu.memory_space<hbm>> -> memref<1x2048xf32, #tpu.memory_space<hbm>>
      %dma_start3A_137 = tpu.memref_squeeze %dma_start3A_136 : memref<1x2048xf32, #tpu.memory_space<hbm>> -> memref<2048xf32, #tpu.memory_space<hbm>>
      tpu.enqueue_dma source(%dma_start3A_137 : memref<2048xf32, #tpu.memory_space<hbm>>) target(%dma_start3A_135 : memref<2048xf32, #tpu.memory_space<vmem>>) target_semaphore(%arg6 : memref<!tpu.dma_semaphore, #tpu.memory_space<semaphore_mem>>)
      %dma_start3A_138 = arith.constant 13 : i32
      %dma_start3A_139 = arith.constant 26624 : i32
      %dma_start3A_140 = tpu.memref_slice %arg5[%dma_start3A_139] : memref<32768xf32, #tpu.memory_space<vmem>> -> memref<2048xf32, #tpu.memory_space<vmem>>
      %dma_start3A_141 = tpu.memref_slice %arg2[%dma_start3A_138, %mul3A_21] : memref<16x1000012xf32, #tpu.memory_space<hbm>> -> memref<1x2048xf32, #tpu.memory_space<hbm>>
      %dma_start3A_142 = tpu.memref_squeeze %dma_start3A_141 : memref<1x2048xf32, #tpu.memory_space<hbm>> -> memref<2048xf32, #tpu.memory_space<hbm>>
      %dma_start3A_143 = arith.constant 26624 : i32
      %dma_start3A_144 = tpu.memref_slice %arg5[%dma_start3A_143] : memref<32768xf32, #tpu.memory_space<vmem>> -> memref<2048xf32, #tpu.memory_space<vmem>>
      %dma_start3A_145 = tpu.memref_slice %arg2[%dma_start3A_138, %mul3A_21] : memref<16x1000012xf32, #tpu.memory_space<hbm>> -> memref<1x2048xf32, #tpu.memory_space<hbm>>
      %dma_start3A_146 = tpu.memref_squeeze %dma_start3A_145 : memref<1x2048xf32, #tpu.memory_space<hbm>> -> memref<2048xf32, #tpu.memory_space<hbm>>
      tpu.enqueue_dma source(%dma_start3A_146 : memref<2048xf32, #tpu.memory_space<hbm>>) target(%dma_start3A_144 : memref<2048xf32, #tpu.memory_space<vmem>>) target_semaphore(%arg6 : memref<!tpu.dma_semaphore, #tpu.memory_space<semaphore_mem>>)
      %dma_start3A_147 = arith.constant 14 : i32
      %dma_start3A_148 = arith.constant 28672 : i32
      %dma_start3A_149 = tpu.memref_slice %arg5[%dma_start3A_148] : memref<32768xf32, #tpu.memory_space<vmem>> -> memref<2048xf32, #tpu.memory_space<vmem>>
      %dma_start3A_150 = tpu.memref_slice %arg2[%dma_start3A_147, %mul3A_21] : memref<16x1000012xf32, #tpu.memory_space<hbm>> -> memref<1x2048xf32, #tpu.memory_space<hbm>>
      %dma_start3A_151 = tpu.memref_squeeze %dma_start3A_150 : memref<1x2048xf32, #tpu.memory_space<hbm>> -> memref<2048xf32, #tpu.memory_space<hbm>>
      %dma_start3A_152 = arith.constant 28672 : i32
      %dma_start3A_153 = tpu.memref_slice %arg5[%dma_start3A_152] : memref<32768xf32, #tpu.memory_space<vmem>> -> memref<2048xf32, #tpu.memory_space<vmem>>
      %dma_start3A_154 = tpu.memref_slice %arg2[%dma_start3A_147, %mul3A_21] : memref<16x1000012xf32, #tpu.memory_space<hbm>> -> memref<1x2048xf32, #tpu.memory_space<hbm>>
      %dma_start3A_155 = tpu.memref_squeeze %dma_start3A_154 : memref<1x2048xf32, #tpu.memory_space<hbm>> -> memref<2048xf32, #tpu.memory_space<hbm>>
      tpu.enqueue_dma source(%dma_start3A_155 : memref<2048xf32, #tpu.memory_space<hbm>>) target(%dma_start3A_153 : memref<2048xf32, #tpu.memory_space<vmem>>) target_semaphore(%arg6 : memref<!tpu.dma_semaphore, #tpu.memory_space<semaphore_mem>>)
      %dma_start3A_156 = arith.constant 15 : i32
      %dma_start3A_157 = arith.constant 30720 : i32
      %dma_start3A_158 = tpu.memref_slice %arg5[%dma_start3A_157] : memref<32768xf32, #tpu.memory_space<vmem>> -> memref<2048xf32, #tpu.memory_space<vmem>>
      %dma_start3A_159 = tpu.memref_slice %arg2[%dma_start3A_156, %mul3A_21] : memref<16x1000012xf32, #tpu.memory_space<hbm>> -> memref<1x2048xf32, #tpu.memory_space<hbm>>
      %dma_start3A_160 = tpu.memref_squeeze %dma_start3A_159 : memref<1x2048xf32, #tpu.memory_space<hbm>> -> memref<2048xf32, #tpu.memory_space<hbm>>
      %dma_start3A_161 = arith.constant 30720 : i32
      %dma_start3A_162 = tpu.memref_slice %arg5[%dma_start3A_161] : memref<32768xf32, #tpu.memory_space<vmem>> -> memref<2048xf32, #tpu.memory_space<vmem>>
      %dma_start3A_163 = tpu.memref_slice %arg2[%dma_start3A_156, %mul3A_21] : memref<16x1000012xf32, #tpu.memory_space<hbm>> -> memref<1x2048xf32, #tpu.memory_space<hbm>>
      %dma_start3A_164 = tpu.memref_squeeze %dma_start3A_163 : memref<1x2048xf32, #tpu.memory_space<hbm>> -> memref<2048xf32, #tpu.memory_space<hbm>>
      tpu.enqueue_dma source(%dma_start3A_164 : memref<2048xf32, #tpu.memory_space<hbm>>) target(%dma_start3A_162 : memref<2048xf32, #tpu.memory_space<vmem>>) target_semaphore(%arg6 : memref<!tpu.dma_semaphore, #tpu.memory_space<semaphore_mem>>)
      %dma_wait3A = arith.constant 0 : i32
      %dma_wait3A_165 = arith.constant 0 : i32
      %dma_wait3A_166 = tpu.memref_slice %arg5[%dma_wait3A_165] : memref<32768xf32, #tpu.memory_space<vmem>> -> memref<2048xf32, #tpu.memory_space<vmem>>
      %dma_wait3A_167 = tpu.memref_slice %arg2[%dma_wait3A, %mul3A_21] : memref<16x1000012xf32, #tpu.memory_space<hbm>> -> memref<1x2048xf32, #tpu.memory_space<hbm>>
      %dma_wait3A_168 = tpu.memref_squeeze %dma_wait3A_167 : memref<1x2048xf32, #tpu.memory_space<hbm>> -> memref<2048xf32, #tpu.memory_space<hbm>>
      %dma_wait3A_169 = arith.constant 0 : i32
      %dma_wait3A_170 = tpu.memref_slice %arg5[%dma_wait3A_169] : memref<32768xf32, #tpu.memory_space<vmem>> -> memref<2048xf32, #tpu.memory_space<vmem>>
      %dma_wait3A_171 = tpu.memref_slice %arg2[%dma_wait3A, %mul3A_21] : memref<16x1000012xf32, #tpu.memory_space<hbm>> -> memref<1x2048xf32, #tpu.memory_space<hbm>>
      %dma_wait3A_172 = tpu.memref_squeeze %dma_wait3A_171 : memref<1x2048xf32, #tpu.memory_space<hbm>> -> memref<2048xf32, #tpu.memory_space<hbm>>
      tpu.wait_dma2 semaphore(%arg6 : memref<!tpu.dma_semaphore, #tpu.memory_space<semaphore_mem>>) src(%dma_wait3A_172 : memref<2048xf32, #tpu.memory_space<hbm>>) dst(%dma_wait3A_170 : memref<2048xf32, #tpu.memory_space<vmem>>)
      %dma_wait3A_173 = arith.constant 1 : i32
      %dma_wait3A_174 = arith.constant 2048 : i32
      %dma_wait3A_175 = tpu.memref_slice %arg5[%dma_wait3A_174] : memref<32768xf32, #tpu.memory_space<vmem>> -> memref<2048xf32, #tpu.memory_space<vmem>>
      %dma_wait3A_176 = tpu.memref_slice %arg2[%dma_wait3A_173, %mul3A_21] : memref<16x1000012xf32, #tpu.memory_space<hbm>> -> memref<1x2048xf32, #tpu.memory_space<hbm>>
      %dma_wait3A_177 = tpu.memref_squeeze %dma_wait3A_176 : memref<1x2048xf32, #tpu.memory_space<hbm>> -> memref<2048xf32, #tpu.memory_space<hbm>>
      %dma_wait3A_178 = arith.constant 2048 : i32
      %dma_wait3A_179 = tpu.memref_slice %arg5[%dma_wait3A_178] : memref<32768xf32, #tpu.memory_space<vmem>> -> memref<2048xf32, #tpu.memory_space<vmem>>
      %dma_wait3A_180 = tpu.memref_slice %arg2[%dma_wait3A_173, %mul3A_21] : memref<16x1000012xf32, #tpu.memory_space<hbm>> -> memref<1x2048xf32, #tpu.memory_space<hbm>>
      %dma_wait3A_181 = tpu.memref_squeeze %dma_wait3A_180 : memref<1x2048xf32, #tpu.memory_space<hbm>> -> memref<2048xf32, #tpu.memory_space<hbm>>
      tpu.wait_dma2 semaphore(%arg6 : memref<!tpu.dma_semaphore, #tpu.memory_space<semaphore_mem>>) src(%dma_wait3A_181 : memref<2048xf32, #tpu.memory_space<hbm>>) dst(%dma_wait3A_179 : memref<2048xf32, #tpu.memory_space<vmem>>)
      %dma_wait3A_182 = arith.constant 2 : i32
      %dma_wait3A_183 = arith.constant 4096 : i32
      %dma_wait3A_184 = tpu.memref_slice %arg5[%dma_wait3A_183] : memref<32768xf32, #tpu.memory_space<vmem>> -> memref<2048xf32, #tpu.memory_space<vmem>>
      %dma_wait3A_185 = tpu.memref_slice %arg2[%dma_wait3A_182, %mul3A_21] : memref<16x1000012xf32, #tpu.memory_space<hbm>> -> memref<1x2048xf32, #tpu.memory_space<hbm>>
      %dma_wait3A_186 = tpu.memref_squeeze %dma_wait3A_185 : memref<1x2048xf32, #tpu.memory_space<hbm>> -> memref<2048xf32, #tpu.memory_space<hbm>>
      %dma_wait3A_187 = arith.constant 4096 : i32
      %dma_wait3A_188 = tpu.memref_slice %arg5[%dma_wait3A_187] : memref<32768xf32, #tpu.memory_space<vmem>> -> memref<2048xf32, #tpu.memory_space<vmem>>
      %dma_wait3A_189 = tpu.memref_slice %arg2[%dma_wait3A_182, %mul3A_21] : memref<16x1000012xf32, #tpu.memory_space<hbm>> -> memref<1x2048xf32, #tpu.memory_space<hbm>>
      %dma_wait3A_190 = tpu.memref_squeeze %dma_wait3A_189 : memref<1x2048xf32, #tpu.memory_space<hbm>> -> memref<2048xf32, #tpu.memory_space<hbm>>
      tpu.wait_dma2 semaphore(%arg6 : memref<!tpu.dma_semaphore, #tpu.memory_space<semaphore_mem>>) src(%dma_wait3A_190 : memref<2048xf32, #tpu.memory_space<hbm>>) dst(%dma_wait3A_188 : memref<2048xf32, #tpu.memory_space<vmem>>)
      %dma_wait3A_191 = arith.constant 3 : i32
      %dma_wait3A_192 = arith.constant 6144 : i32
      %dma_wait3A_193 = tpu.memref_slice %arg5[%dma_wait3A_192] : memref<32768xf32, #tpu.memory_space<vmem>> -> memref<2048xf32, #tpu.memory_space<vmem>>
      %dma_wait3A_194 = tpu.memref_slice %arg2[%dma_wait3A_191, %mul3A_21] : memref<16x1000012xf32, #tpu.memory_space<hbm>> -> memref<1x2048xf32, #tpu.memory_space<hbm>>
      %dma_wait3A_195 = tpu.memref_squeeze %dma_wait3A_194 : memref<1x2048xf32, #tpu.memory_space<hbm>> -> memref<2048xf32, #tpu.memory_space<hbm>>
      %dma_wait3A_196 = arith.constant 6144 : i32
      %dma_wait3A_197 = tpu.memref_slice %arg5[%dma_wait3A_196] : memref<32768xf32, #tpu.memory_space<vmem>> -> memref<2048xf32, #tpu.memory_space<vmem>>
      %dma_wait3A_198 = tpu.memref_slice %arg2[%dma_wait3A_191, %mul3A_21] : memref<16x1000012xf32, #tpu.memory_space<hbm>> -> memref<1x2048xf32, #tpu.memory_space<hbm>>
      %dma_wait3A_199 = tpu.memref_squeeze %dma_wait3A_198 : memref<1x2048xf32, #tpu.memory_space<hbm>> -> memref<2048xf32, #tpu.memory_space<hbm>>
      tpu.wait_dma2 semaphore(%arg6 : memref<!tpu.dma_semaphore, #tpu.memory_space<semaphore_mem>>) src(%dma_wait3A_199 : memref<2048xf32, #tpu.memory_space<hbm>>) dst(%dma_wait3A_197 : memref<2048xf32, #tpu.memory_space<vmem>>)
      %dma_wait3A_200 = arith.constant 4 : i32
      %dma_wait3A_201 = arith.constant 8192 : i32
      %dma_wait3A_202 = tpu.memref_slice %arg5[%dma_wait3A_201] : memref<32768xf32, #tpu.memory_space<vmem>> -> memref<2048xf32, #tpu.memory_space<vmem>>
      %dma_wait3A_203 = tpu.memref_slice %arg2[%dma_wait3A_200, %mul3A_21] : memref<16x1000012xf32, #tpu.memory_space<hbm>> -> memref<1x2048xf32, #tpu.memory_space<hbm>>
      %dma_wait3A_204 = tpu.memref_squeeze %dma_wait3A_203 : memref<1x2048xf32, #tpu.memory_space<hbm>> -> memref<2048xf32, #tpu.memory_space<hbm>>
      %dma_wait3A_205 = arith.constant 8192 : i32
      %dma_wait3A_206 = tpu.memref_slice %arg5[%dma_wait3A_205] : memref<32768xf32, #tpu.memory_space<vmem>> -> memref<2048xf32, #tpu.memory_space<vmem>>
      %dma_wait3A_207 = tpu.memref_slice %arg2[%dma_wait3A_200, %mul3A_21] : memref<16x1000012xf32, #tpu.memory_space<hbm>> -> memref<1x2048xf32, #tpu.memory_space<hbm>>
      %dma_wait3A_208 = tpu.memref_squeeze %dma_wait3A_207 : memref<1x2048xf32, #tpu.memory_space<hbm>> -> memref<2048xf32, #tpu.memory_space<hbm>>
      tpu.wait_dma2 semaphore(%arg6 : memref<!tpu.dma_semaphore, #tpu.memory_space<semaphore_mem>>) src(%dma_wait3A_208 : memref<2048xf32, #tpu.memory_space<hbm>>) dst(%dma_wait3A_206 : memref<2048xf32, #tpu.memory_space<vmem>>)
      %dma_wait3A_209 = arith.constant 5 : i32
      %dma_wait3A_210 = arith.constant 10240 : i32
      %dma_wait3A_211 = tpu.memref_slice %arg5[%dma_wait3A_210] : memref<32768xf32, #tpu.memory_space<vmem>> -> memref<2048xf32, #tpu.memory_space<vmem>>
      %dma_wait3A_212 = tpu.memref_slice %arg2[%dma_wait3A_209, %mul3A_21] : memref<16x1000012xf32, #tpu.memory_space<hbm>> -> memref<1x2048xf32, #tpu.memory_space<hbm>>
      %dma_wait3A_213 = tpu.memref_squeeze %dma_wait3A_212 : memref<1x2048xf32, #tpu.memory_space<hbm>> -> memref<2048xf32, #tpu.memory_space<hbm>>
      %dma_wait3A_214 = arith.constant 10240 : i32
      %dma_wait3A_215 = tpu.memref_slice %arg5[%dma_wait3A_214] : memref<32768xf32, #tpu.memory_space<vmem>> -> memref<2048xf32, #tpu.memory_space<vmem>>
      %dma_wait3A_216 = tpu.memref_slice %arg2[%dma_wait3A_209, %mul3A_21] : memref<16x1000012xf32, #tpu.memory_space<hbm>> -> memref<1x2048xf32, #tpu.memory_space<hbm>>
      %dma_wait3A_217 = tpu.memref_squeeze %dma_wait3A_216 : memref<1x2048xf32, #tpu.memory_space<hbm>> -> memref<2048xf32, #tpu.memory_space<hbm>>
      tpu.wait_dma2 semaphore(%arg6 : memref<!tpu.dma_semaphore, #tpu.memory_space<semaphore_mem>>) src(%dma_wait3A_217 : memref<2048xf32, #tpu.memory_space<hbm>>) dst(%dma_wait3A_215 : memref<2048xf32, #tpu.memory_space<vmem>>)
      %dma_wait3A_218 = arith.constant 6 : i32
      %dma_wait3A_219 = arith.constant 12288 : i32
      %dma_wait3A_220 = tpu.memref_slice %arg5[%dma_wait3A_219] : memref<32768xf32, #tpu.memory_space<vmem>> -> memref<2048xf32, #tpu.memory_space<vmem>>
      %dma_wait3A_221 = tpu.memref_slice %arg2[%dma_wait3A_218, %mul3A_21] : memref<16x1000012xf32, #tpu.memory_space<hbm>> -> memref<1x2048xf32, #tpu.memory_space<hbm>>
      %dma_wait3A_222 = tpu.memref_squeeze %dma_wait3A_221 : memref<1x2048xf32, #tpu.memory_space<hbm>> -> memref<2048xf32, #tpu.memory_space<hbm>>
      %dma_wait3A_223 = arith.constant 12288 : i32
      %dma_wait3A_224 = tpu.memref_slice %arg5[%dma_wait3A_223] : memref<32768xf32, #tpu.memory_space<vmem>> -> memref<2048xf32, #tpu.memory_space<vmem>>
      %dma_wait3A_225 = tpu.memref_slice %arg2[%dma_wait3A_218, %mul3A_21] : memref<16x1000012xf32, #tpu.memory_space<hbm>> -> memref<1x2048xf32, #tpu.memory_space<hbm>>
      %dma_wait3A_226 = tpu.memref_squeeze %dma_wait3A_225 : memref<1x2048xf32, #tpu.memory_space<hbm>> -> memref<2048xf32, #tpu.memory_space<hbm>>
      tpu.wait_dma2 semaphore(%arg6 : memref<!tpu.dma_semaphore, #tpu.memory_space<semaphore_mem>>) src(%dma_wait3A_226 : memref<2048xf32, #tpu.memory_space<hbm>>) dst(%dma_wait3A_224 : memref<2048xf32, #tpu.memory_space<vmem>>)
      %dma_wait3A_227 = arith.constant 7 : i32
      %dma_wait3A_228 = arith.constant 14336 : i32
      %dma_wait3A_229 = tpu.memref_slice %arg5[%dma_wait3A_228] : memref<32768xf32, #tpu.memory_space<vmem>> -> memref<2048xf32, #tpu.memory_space<vmem>>
      %dma_wait3A_230 = tpu.memref_slice %arg2[%dma_wait3A_227, %mul3A_21] : memref<16x1000012xf32, #tpu.memory_space<hbm>> -> memref<1x2048xf32, #tpu.memory_space<hbm>>
      %dma_wait3A_231 = tpu.memref_squeeze %dma_wait3A_230 : memref<1x2048xf32, #tpu.memory_space<hbm>> -> memref<2048xf32, #tpu.memory_space<hbm>>
      %dma_wait3A_232 = arith.constant 14336 : i32
      %dma_wait3A_233 = tpu.memref_slice %arg5[%dma_wait3A_232] : memref<32768xf32, #tpu.memory_space<vmem>> -> memref<2048xf32, #tpu.memory_space<vmem>>
      %dma_wait3A_234 = tpu.memref_slice %arg2[%dma_wait3A_227, %mul3A_21] : memref<16x1000012xf32, #tpu.memory_space<hbm>> -> memref<1x2048xf32, #tpu.memory_space<hbm>>
      %dma_wait3A_235 = tpu.memref_squeeze %dma_wait3A_234 : memref<1x2048xf32, #tpu.memory_space<hbm>> -> memref<2048xf32, #tpu.memory_space<hbm>>
      tpu.wait_dma2 semaphore(%arg6 : memref<!tpu.dma_semaphore, #tpu.memory_space<semaphore_mem>>) src(%dma_wait3A_235 : memref<2048xf32, #tpu.memory_space<hbm>>) dst(%dma_wait3A_233 : memref<2048xf32, #tpu.memory_space<vmem>>)
      %dma_wait3A_236 = arith.constant 8 : i32
      %dma_wait3A_237 = arith.constant 16384 : i32
      %dma_wait3A_238 = tpu.memref_slice %arg5[%dma_wait3A_237] : memref<32768xf32, #tpu.memory_space<vmem>> -> memref<2048xf32, #tpu.memory_space<vmem>>
      %dma_wait3A_239 = tpu.memref_slice %arg2[%dma_wait3A_236, %mul3A_21] : memref<16x1000012xf32, #tpu.memory_space<hbm>> -> memref<1x2048xf32, #tpu.memory_space<hbm>>
      %dma_wait3A_240 = tpu.memref_squeeze %dma_wait3A_239 : memref<1x2048xf32, #tpu.memory_space<hbm>> -> memref<2048xf32, #tpu.memory_space<hbm>>
      %dma_wait3A_241 = arith.constant 16384 : i32
      %dma_wait3A_242 = tpu.memref_slice %arg5[%dma_wait3A_241] : memref<32768xf32, #tpu.memory_space<vmem>> -> memref<2048xf32, #tpu.memory_space<vmem>>
      %dma_wait3A_243 = tpu.memref_slice %arg2[%dma_wait3A_236, %mul3A_21] : memref<16x1000012xf32, #tpu.memory_space<hbm>> -> memref<1x2048xf32, #tpu.memory_space<hbm>>
      %dma_wait3A_244 = tpu.memref_squeeze %dma_wait3A_243 : memref<1x2048xf32, #tpu.memory_space<hbm>> -> memref<2048xf32, #tpu.memory_space<hbm>>
      tpu.wait_dma2 semaphore(%arg6 : memref<!tpu.dma_semaphore, #tpu.memory_space<semaphore_mem>>) src(%dma_wait3A_244 : memref<2048xf32, #tpu.memory_space<hbm>>) dst(%dma_wait3A_242 : memref<2048xf32, #tpu.memory_space<vmem>>)
      %dma_wait3A_245 = arith.constant 9 : i32
      %dma_wait3A_246 = arith.constant 18432 : i32
      %dma_wait3A_247 = tpu.memref_slice %arg5[%dma_wait3A_246] : memref<32768xf32, #tpu.memory_space<vmem>> -> memref<2048xf32, #tpu.memory_space<vmem>>
      %dma_wait3A_248 = tpu.memref_slice %arg2[%dma_wait3A_245, %mul3A_21] : memref<16x1000012xf32, #tpu.memory_space<hbm>> -> memref<1x2048xf32, #tpu.memory_space<hbm>>
      %dma_wait3A_249 = tpu.memref_squeeze %dma_wait3A_248 : memref<1x2048xf32, #tpu.memory_space<hbm>> -> memref<2048xf32, #tpu.memory_space<hbm>>
      %dma_wait3A_250 = arith.constant 18432 : i32
      %dma_wait3A_251 = tpu.memref_slice %arg5[%dma_wait3A_250] : memref<32768xf32, #tpu.memory_space<vmem>> -> memref<2048xf32, #tpu.memory_space<vmem>>
      %dma_wait3A_252 = tpu.memref_slice %arg2[%dma_wait3A_245, %mul3A_21] : memref<16x1000012xf32, #tpu.memory_space<hbm>> -> memref<1x2048xf32, #tpu.memory_space<hbm>>
      %dma_wait3A_253 = tpu.memref_squeeze %dma_wait3A_252 : memref<1x2048xf32, #tpu.memory_space<hbm>> -> memref<2048xf32, #tpu.memory_space<hbm>>
      tpu.wait_dma2 semaphore(%arg6 : memref<!tpu.dma_semaphore, #tpu.memory_space<semaphore_mem>>) src(%dma_wait3A_253 : memref<2048xf32, #tpu.memory_space<hbm>>) dst(%dma_wait3A_251 : memref<2048xf32, #tpu.memory_space<vmem>>)
      %dma_wait3A_254 = arith.constant 10 : i32
      %dma_wait3A_255 = arith.constant 20480 : i32
      %dma_wait3A_256 = tpu.memref_slice %arg5[%dma_wait3A_255] : memref<32768xf32, #tpu.memory_space<vmem>> -> memref<2048xf32, #tpu.memory_space<vmem>>
      %dma_wait3A_257 = tpu.memref_slice %arg2[%dma_wait3A_254, %mul3A_21] : memref<16x1000012xf32, #tpu.memory_space<hbm>> -> memref<1x2048xf32, #tpu.memory_space<hbm>>
      %dma_wait3A_258 = tpu.memref_squeeze %dma_wait3A_257 : memref<1x2048xf32, #tpu.memory_space<hbm>> -> memref<2048xf32, #tpu.memory_space<hbm>>
      %dma_wait3A_259 = arith.constant 20480 : i32
      %dma_wait3A_260 = tpu.memref_slice %arg5[%dma_wait3A_259] : memref<32768xf32, #tpu.memory_space<vmem>> -> memref<2048xf32, #tpu.memory_space<vmem>>
      %dma_wait3A_261 = tpu.memref_slice %arg2[%dma_wait3A_254, %mul3A_21] : memref<16x1000012xf32, #tpu.memory_space<hbm>> -> memref<1x2048xf32, #tpu.memory_space<hbm>>
      %dma_wait3A_262 = tpu.memref_squeeze %dma_wait3A_261 : memref<1x2048xf32, #tpu.memory_space<hbm>> -> memref<2048xf32, #tpu.memory_space<hbm>>
      tpu.wait_dma2 semaphore(%arg6 : memref<!tpu.dma_semaphore, #tpu.memory_space<semaphore_mem>>) src(%dma_wait3A_262 : memref<2048xf32, #tpu.memory_space<hbm>>) dst(%dma_wait3A_260 : memref<2048xf32, #tpu.memory_space<vmem>>)
      %dma_wait3A_263 = arith.constant 11 : i32
      %dma_wait3A_264 = arith.constant 22528 : i32
      %dma_wait3A_265 = tpu.memref_slice %arg5[%dma_wait3A_264] : memref<32768xf32, #tpu.memory_space<vmem>> -> memref<2048xf32, #tpu.memory_space<vmem>>
      %dma_wait3A_266 = tpu.memref_slice %arg2[%dma_wait3A_263, %mul3A_21] : memref<16x1000012xf32, #tpu.memory_space<hbm>> -> memref<1x2048xf32, #tpu.memory_space<hbm>>
      %dma_wait3A_267 = tpu.memref_squeeze %dma_wait3A_266 : memref<1x2048xf32, #tpu.memory_space<hbm>> -> memref<2048xf32, #tpu.memory_space<hbm>>
      %dma_wait3A_268 = arith.constant 22528 : i32
      %dma_wait3A_269 = tpu.memref_slice %arg5[%dma_wait3A_268] : memref<32768xf32, #tpu.memory_space<vmem>> -> memref<2048xf32, #tpu.memory_space<vmem>>
      %dma_wait3A_270 = tpu.memref_slice %arg2[%dma_wait3A_263, %mul3A_21] : memref<16x1000012xf32, #tpu.memory_space<hbm>> -> memref<1x2048xf32, #tpu.memory_space<hbm>>
      %dma_wait3A_271 = tpu.memref_squeeze %dma_wait3A_270 : memref<1x2048xf32, #tpu.memory_space<hbm>> -> memref<2048xf32, #tpu.memory_space<hbm>>
      tpu.wait_dma2 semaphore(%arg6 : memref<!tpu.dma_semaphore, #tpu.memory_space<semaphore_mem>>) src(%dma_wait3A_271 : memref<2048xf32, #tpu.memory_space<hbm>>) dst(%dma_wait3A_269 : memref<2048xf32, #tpu.memory_space<vmem>>)
      %dma_wait3A_272 = arith.constant 12 : i32
      %dma_wait3A_273 = arith.constant 24576 : i32
      %dma_wait3A_274 = tpu.memref_slice %arg5[%dma_wait3A_273] : memref<32768xf32, #tpu.memory_space<vmem>> -> memref<2048xf32, #tpu.memory_space<vmem>>
      %dma_wait3A_275 = tpu.memref_slice %arg2[%dma_wait3A_272, %mul3A_21] : memref<16x1000012xf32, #tpu.memory_space<hbm>> -> memref<1x2048xf32, #tpu.memory_space<hbm>>
      %dma_wait3A_276 = tpu.memref_squeeze %dma_wait3A_275 : memref<1x2048xf32, #tpu.memory_space<hbm>> -> memref<2048xf32, #tpu.memory_space<hbm>>
      %dma_wait3A_277 = arith.constant 24576 : i32
      %dma_wait3A_278 = tpu.memref_slice %arg5[%dma_wait3A_277] : memref<32768xf32, #tpu.memory_space<vmem>> -> memref<2048xf32, #tpu.memory_space<vmem>>
      %dma_wait3A_279 = tpu.memref_slice %arg2[%dma_wait3A_272, %mul3A_21] : memref<16x1000012xf32, #tpu.memory_space<hbm>> -> memref<1x2048xf32, #tpu.memory_space<hbm>>
      %dma_wait3A_280 = tpu.memref_squeeze %dma_wait3A_279 : memref<1x2048xf32, #tpu.memory_space<hbm>> -> memref<2048xf32, #tpu.memory_space<hbm>>
      tpu.wait_dma2 semaphore(%arg6 : memref<!tpu.dma_semaphore, #tpu.memory_space<semaphore_mem>>) src(%dma_wait3A_280 : memref<2048xf32, #tpu.memory_space<hbm>>) dst(%dma_wait3A_278 : memref<2048xf32, #tpu.memory_space<vmem>>)
      %dma_wait3A_281 = arith.constant 13 : i32
      %dma_wait3A_282 = arith.constant 26624 : i32
      %dma_wait3A_283 = tpu.memref_slice %arg5[%dma_wait3A_282] : memref<32768xf32, #tpu.memory_space<vmem>> -> memref<2048xf32, #tpu.memory_space<vmem>>
      %dma_wait3A_284 = tpu.memref_slice %arg2[%dma_wait3A_281, %mul3A_21] : memref<16x1000012xf32, #tpu.memory_space<hbm>> -> memref<1x2048xf32, #tpu.memory_space<hbm>>
      %dma_wait3A_285 = tpu.memref_squeeze %dma_wait3A_284 : memref<1x2048xf32, #tpu.memory_space<hbm>> -> memref<2048xf32, #tpu.memory_space<hbm>>
      %dma_wait3A_286 = arith.constant 26624 : i32
      %dma_wait3A_287 = tpu.memref_slice %arg5[%dma_wait3A_286] : memref<32768xf32, #tpu.memory_space<vmem>> -> memref<2048xf32, #tpu.memory_space<vmem>>
      %dma_wait3A_288 = tpu.memref_slice %arg2[%dma_wait3A_281, %mul3A_21] : memref<16x1000012xf32, #tpu.memory_space<hbm>> -> memref<1x2048xf32, #tpu.memory_space<hbm>>
      %dma_wait3A_289 = tpu.memref_squeeze %dma_wait3A_288 : memref<1x2048xf32, #tpu.memory_space<hbm>> -> memref<2048xf32, #tpu.memory_space<hbm>>
      tpu.wait_dma2 semaphore(%arg6 : memref<!tpu.dma_semaphore, #tpu.memory_space<semaphore_mem>>) src(%dma_wait3A_289 : memref<2048xf32, #tpu.memory_space<hbm>>) dst(%dma_wait3A_287 : memref<2048xf32, #tpu.memory_space<vmem>>)
      %dma_wait3A_290 = arith.constant 14 : i32
      %dma_wait3A_291 = arith.constant 28672 : i32
      %dma_wait3A_292 = tpu.memref_slice %arg5[%dma_wait3A_291] : memref<32768xf32, #tpu.memory_space<vmem>> -> memref<2048xf32, #tpu.memory_space<vmem>>
      %dma_wait3A_293 = tpu.memref_slice %arg2[%dma_wait3A_290, %mul3A_21] : memref<16x1000012xf32, #tpu.memory_space<hbm>> -> memref<1x2048xf32, #tpu.memory_space<hbm>>
      %dma_wait3A_294 = tpu.memref_squeeze %dma_wait3A_293 : memref<1x2048xf32, #tpu.memory_space<hbm>> -> memref<2048xf32, #tpu.memory_space<hbm>>
      %dma_wait3A_295 = arith.constant 28672 : i32
      %dma_wait3A_296 = tpu.memref_slice %arg5[%dma_wait3A_295] : memref<32768xf32, #tpu.memory_space<vmem>> -> memref<2048xf32, #tpu.memory_space<vmem>>
      %dma_wait3A_297 = tpu.memref_slice %arg2[%dma_wait3A_290, %mul3A_21] : memref<16x1000012xf32, #tpu.memory_space<hbm>> -> memref<1x2048xf32, #tpu.memory_space<hbm>>
      %dma_wait3A_298 = tpu.memref_squeeze %dma_wait3A_297 : memref<1x2048xf32, #tpu.memory_space<hbm>> -> memref<2048xf32, #tpu.memory_space<hbm>>
      tpu.wait_dma2 semaphore(%arg6 : memref<!tpu.dma_semaphore, #tpu.memory_space<semaphore_mem>>) src(%dma_wait3A_298 : memref<2048xf32, #tpu.memory_space<hbm>>) dst(%dma_wait3A_296 : memref<2048xf32, #tpu.memory_space<vmem>>)
      %dma_wait3A_299 = arith.constant 15 : i32
      %dma_wait3A_300 = arith.constant 30720 : i32
      %dma_wait3A_301 = tpu.memref_slice %arg5[%dma_wait3A_300] : memref<32768xf32, #tpu.memory_space<vmem>> -> memref<2048xf32, #tpu.memory_space<vmem>>
      %dma_wait3A_302 = tpu.memref_slice %arg2[%dma_wait3A_299, %mul3A_21] : memref<16x1000012xf32, #tpu.memory_space<hbm>> -> memref<1x2048xf32, #tpu.memory_space<hbm>>
      %dma_wait3A_303 = tpu.memref_squeeze %dma_wait3A_302 : memref<1x2048xf32, #tpu.memory_space<hbm>> -> memref<2048xf32, #tpu.memory_space<hbm>>
      %dma_wait3A_304 = arith.constant 30720 : i32
      %dma_wait3A_305 = tpu.memref_slice %arg5[%dma_wait3A_304] : memref<32768xf32, #tpu.memory_space<vmem>> -> memref<2048xf32, #tpu.memory_space<vmem>>
      %dma_wait3A_306 = tpu.memref_slice %arg2[%dma_wait3A_299, %mul3A_21] : memref<16x1000012xf32, #tpu.memory_space<hbm>> -> memref<1x2048xf32, #tpu.memory_space<hbm>>
      %dma_wait3A_307 = tpu.memref_squeeze %dma_wait3A_306 : memref<1x2048xf32, #tpu.memory_space<hbm>> -> memref<2048xf32, #tpu.memory_space<hbm>>
      tpu.wait_dma2 semaphore(%arg6 : memref<!tpu.dma_semaphore, #tpu.memory_space<semaphore_mem>>) src(%dma_wait3A_307 : memref<2048xf32, #tpu.memory_space<hbm>>) dst(%dma_wait3A_305 : memref<2048xf32, #tpu.memory_space<vmem>>)
      %add3A_308 = arith.constant 0 : i32
      %add3A_309 = arith.addi %add3A_308, %mul3A_21 : i32
      %add3A_310 = arith.constant 1000016 : i32
      %add3A_311 = arith.addi %add3A_310, %mul3A_21 : i32
      %add3A_312 = arith.constant 2000032 : i32
      %add3A_313 = arith.addi %add3A_312, %mul3A_21 : i32
      %add3A_314 = arith.constant 3000048 : i32
      %add3A_315 = arith.addi %add3A_314, %mul3A_21 : i32
      %add3A_316 = arith.constant 4000064 : i32
      %add3A_317 = arith.addi %add3A_316, %mul3A_21 : i32
      %add3A_318 = arith.constant 5000080 : i32
      %add3A_319 = arith.addi %add3A_318, %mul3A_21 : i32
      %add3A_320 = arith.constant 6000096 : i32
      %add3A_321 = arith.addi %add3A_320, %mul3A_21 : i32
      %add3A_322 = arith.constant 7000112 : i32
      %add3A_323 = arith.addi %add3A_322, %mul3A_21 : i32
      %add3A_324 = arith.constant 8000128 : i32
      %add3A_325 = arith.addi %add3A_324, %mul3A_21 : i32
      %add3A_326 = arith.constant 9000144 : i32
      %add3A_327 = arith.addi %add3A_326, %mul3A_21 : i32
      %add3A_328 = arith.constant 10000160 : i32
      %add3A_329 = arith.addi %add3A_328, %mul3A_21 : i32
      %add3A_330 = arith.constant 11000176 : i32
      %add3A_331 = arith.addi %add3A_330, %mul3A_21 : i32
      %add3A_332 = arith.constant 12000192 : i32
      %add3A_333 = arith.addi %add3A_332, %mul3A_21 : i32
      %add3A_334 = arith.constant 13000208 : i32
      %add3A_335 = arith.addi %add3A_334, %mul3A_21 : i32
      %add3A_336 = arith.constant 14000224 : i32
      %add3A_337 = arith.addi %add3A_336, %mul3A_21 : i32
      %add3A_338 = arith.constant 15000240 : i32
      %add3A_339 = arith.addi %add3A_338, %mul3A_21 : i32
      %dma_start3A_340 = arith.constant 0 : i32
      %dma_start3A_341 = tpu.memref_slice %arg5[%dma_start3A_340] : memref<32768xf32, #tpu.memory_space<vmem>> -> memref<2048xf32, #tpu.memory_space<vmem>>
      %dma_start3A_342 = tpu.memref_slice %arg4[%add3A_309] : memref<16000256xf32, #tpu.memory_space<hbm>> -> memref<2048xf32, #tpu.memory_space<hbm>>
      %dma_start3A_343 = tpu.memref_slice %arg4[%add3A_309] : memref<16000256xf32, #tpu.memory_space<hbm>> -> memref<2048xf32, #tpu.memory_space<hbm>>
      %dma_start3A_344 = arith.constant 0 : i32
      %dma_start3A_345 = tpu.memref_slice %arg5[%dma_start3A_344] : memref<32768xf32, #tpu.memory_space<vmem>> -> memref<2048xf32, #tpu.memory_space<vmem>>
      tpu.enqueue_dma source(%dma_start3A_345 : memref<2048xf32, #tpu.memory_space<vmem>>) target(%dma_start3A_343 : memref<2048xf32, #tpu.memory_space<hbm>>) target_semaphore(%arg7 : memref<!tpu.dma_semaphore, #tpu.memory_space<semaphore_mem>>)
      %dma_start3A_346 = arith.constant 2048 : i32
      %dma_start3A_347 = tpu.memref_slice %arg5[%dma_start3A_346] : memref<32768xf32, #tpu.memory_space<vmem>> -> memref<2048xf32, #tpu.memory_space<vmem>>
      %dma_start3A_348 = tpu.memref_slice %arg4[%add3A_311] : memref<16000256xf32, #tpu.memory_space<hbm>> -> memref<2048xf32, #tpu.memory_space<hbm>>
      %dma_start3A_349 = tpu.memref_slice %arg4[%add3A_311] : memref<16000256xf32, #tpu.memory_space<hbm>> -> memref<2048xf32, #tpu.memory_space<hbm>>
      %dma_start3A_350 = arith.constant 2048 : i32
      %dma_start3A_351 = tpu.memref_slice %arg5[%dma_start3A_350] : memref<32768xf32, #tpu.memory_space<vmem>> -> memref<2048xf32, #tpu.memory_space<vmem>>
      tpu.enqueue_dma source(%dma_start3A_351 : memref<2048xf32, #tpu.memory_space<vmem>>) target(%dma_start3A_349 : memref<2048xf32, #tpu.memory_space<hbm>>) target_semaphore(%arg7 : memref<!tpu.dma_semaphore, #tpu.memory_space<semaphore_mem>>)
      %dma_start3A_352 = arith.constant 4096 : i32
      %dma_start3A_353 = tpu.memref_slice %arg5[%dma_start3A_352] : memref<32768xf32, #tpu.memory_space<vmem>> -> memref<2048xf32, #tpu.memory_space<vmem>>
      %dma_start3A_354 = tpu.memref_slice %arg4[%add3A_313] : memref<16000256xf32, #tpu.memory_space<hbm>> -> memref<2048xf32, #tpu.memory_space<hbm>>
      %dma_start3A_355 = tpu.memref_slice %arg4[%add3A_313] : memref<16000256xf32, #tpu.memory_space<hbm>> -> memref<2048xf32, #tpu.memory_space<hbm>>
      %dma_start3A_356 = arith.constant 4096 : i32
      %dma_start3A_357 = tpu.memref_slice %arg5[%dma_start3A_356] : memref<32768xf32, #tpu.memory_space<vmem>> -> memref<2048xf32, #tpu.memory_space<vmem>>
      tpu.enqueue_dma source(%dma_start3A_357 : memref<2048xf32, #tpu.memory_space<vmem>>) target(%dma_start3A_355 : memref<2048xf32, #tpu.memory_space<hbm>>) target_semaphore(%arg7 : memref<!tpu.dma_semaphore, #tpu.memory_space<semaphore_mem>>)
      %dma_start3A_358 = arith.constant 6144 : i32
      %dma_start3A_359 = tpu.memref_slice %arg5[%dma_start3A_358] : memref<32768xf32, #tpu.memory_space<vmem>> -> memref<2048xf32, #tpu.memory_space<vmem>>
      %dma_start3A_360 = tpu.memref_slice %arg4[%add3A_315] : memref<16000256xf32, #tpu.memory_space<hbm>> -> memref<2048xf32, #tpu.memory_space<hbm>>
      %dma_start3A_361 = tpu.memref_slice %arg4[%add3A_315] : memref<16000256xf32, #tpu.memory_space<hbm>> -> memref<2048xf32, #tpu.memory_space<hbm>>
      %dma_start3A_362 = arith.constant 6144 : i32
      %dma_start3A_363 = tpu.memref_slice %arg5[%dma_start3A_362] : memref<32768xf32, #tpu.memory_space<vmem>> -> memref<2048xf32, #tpu.memory_space<vmem>>
      tpu.enqueue_dma source(%dma_start3A_363 : memref<2048xf32, #tpu.memory_space<vmem>>) target(%dma_start3A_361 : memref<2048xf32, #tpu.memory_space<hbm>>) target_semaphore(%arg7 : memref<!tpu.dma_semaphore, #tpu.memory_space<semaphore_mem>>)
      %dma_start3A_364 = arith.constant 8192 : i32
      %dma_start3A_365 = tpu.memref_slice %arg5[%dma_start3A_364] : memref<32768xf32, #tpu.memory_space<vmem>> -> memref<2048xf32, #tpu.memory_space<vmem>>
      %dma_start3A_366 = tpu.memref_slice %arg4[%add3A_317] : memref<16000256xf32, #tpu.memory_space<hbm>> -> memref<2048xf32, #tpu.memory_space<hbm>>
      %dma_start3A_367 = tpu.memref_slice %arg4[%add3A_317] : memref<16000256xf32, #tpu.memory_space<hbm>> -> memref<2048xf32, #tpu.memory_space<hbm>>
      %dma_start3A_368 = arith.constant 8192 : i32
      %dma_start3A_369 = tpu.memref_slice %arg5[%dma_start3A_368] : memref<32768xf32, #tpu.memory_space<vmem>> -> memref<2048xf32, #tpu.memory_space<vmem>>
      tpu.enqueue_dma source(%dma_start3A_369 : memref<2048xf32, #tpu.memory_space<vmem>>) target(%dma_start3A_367 : memref<2048xf32, #tpu.memory_space<hbm>>) target_semaphore(%arg7 : memref<!tpu.dma_semaphore, #tpu.memory_space<semaphore_mem>>)
      %dma_start3A_370 = arith.constant 10240 : i32
      %dma_start3A_371 = tpu.memref_slice %arg5[%dma_start3A_370] : memref<32768xf32, #tpu.memory_space<vmem>> -> memref<2048xf32, #tpu.memory_space<vmem>>
      %dma_start3A_372 = tpu.memref_slice %arg4[%add3A_319] : memref<16000256xf32, #tpu.memory_space<hbm>> -> memref<2048xf32, #tpu.memory_space<hbm>>
      %dma_start3A_373 = tpu.memref_slice %arg4[%add3A_319] : memref<16000256xf32, #tpu.memory_space<hbm>> -> memref<2048xf32, #tpu.memory_space<hbm>>
      %dma_start3A_374 = arith.constant 10240 : i32
      %dma_start3A_375 = tpu.memref_slice %arg5[%dma_start3A_374] : memref<32768xf32, #tpu.memory_space<vmem>> -> memref<2048xf32, #tpu.memory_space<vmem>>
      tpu.enqueue_dma source(%dma_start3A_375 : memref<2048xf32, #tpu.memory_space<vmem>>) target(%dma_start3A_373 : memref<2048xf32, #tpu.memory_space<hbm>>) target_semaphore(%arg7 : memref<!tpu.dma_semaphore, #tpu.memory_space<semaphore_mem>>)
      %dma_start3A_376 = arith.constant 12288 : i32
      %dma_start3A_377 = tpu.memref_slice %arg5[%dma_start3A_376] : memref<32768xf32, #tpu.memory_space<vmem>> -> memref<2048xf32, #tpu.memory_space<vmem>>
      %dma_start3A_378 = tpu.memref_slice %arg4[%add3A_321] : memref<16000256xf32, #tpu.memory_space<hbm>> -> memref<2048xf32, #tpu.memory_space<hbm>>
      %dma_start3A_379 = tpu.memref_slice %arg4[%add3A_321] : memref<16000256xf32, #tpu.memory_space<hbm>> -> memref<2048xf32, #tpu.memory_space<hbm>>
      %dma_start3A_380 = arith.constant 12288 : i32
      %dma_start3A_381 = tpu.memref_slice %arg5[%dma_start3A_380] : memref<32768xf32, #tpu.memory_space<vmem>> -> memref<2048xf32, #tpu.memory_space<vmem>>
      tpu.enqueue_dma source(%dma_start3A_381 : memref<2048xf32, #tpu.memory_space<vmem>>) target(%dma_start3A_379 : memref<2048xf32, #tpu.memory_space<hbm>>) target_semaphore(%arg7 : memref<!tpu.dma_semaphore, #tpu.memory_space<semaphore_mem>>)
      %dma_start3A_382 = arith.constant 14336 : i32
      %dma_start3A_383 = tpu.memref_slice %arg5[%dma_start3A_382] : memref<32768xf32, #tpu.memory_space<vmem>> -> memref<2048xf32, #tpu.memory_space<vmem>>
      %dma_start3A_384 = tpu.memref_slice %arg4[%add3A_323] : memref<16000256xf32, #tpu.memory_space<hbm>> -> memref<2048xf32, #tpu.memory_space<hbm>>
      %dma_start3A_385 = tpu.memref_slice %arg4[%add3A_323] : memref<16000256xf32, #tpu.memory_space<hbm>> -> memref<2048xf32, #tpu.memory_space<hbm>>
      %dma_start3A_386 = arith.constant 14336 : i32
      %dma_start3A_387 = tpu.memref_slice %arg5[%dma_start3A_386] : memref<32768xf32, #tpu.memory_space<vmem>> -> memref<2048xf32, #tpu.memory_space<vmem>>
      tpu.enqueue_dma source(%dma_start3A_387 : memref<2048xf32, #tpu.memory_space<vmem>>) target(%dma_start3A_385 : memref<2048xf32, #tpu.memory_space<hbm>>) target_semaphore(%arg7 : memref<!tpu.dma_semaphore, #tpu.memory_space<semaphore_mem>>)
      %dma_start3A_388 = arith.constant 16384 : i32
      %dma_start3A_389 = tpu.memref_slice %arg5[%dma_start3A_388] : memref<32768xf32, #tpu.memory_space<vmem>> -> memref<2048xf32, #tpu.memory_space<vmem>>
      %dma_start3A_390 = tpu.memref_slice %arg4[%add3A_325] : memref<16000256xf32, #tpu.memory_space<hbm>> -> memref<2048xf32, #tpu.memory_space<hbm>>
      %dma_start3A_391 = tpu.memref_slice %arg4[%add3A_325] : memref<16000256xf32, #tpu.memory_space<hbm>> -> memref<2048xf32, #tpu.memory_space<hbm>>
      %dma_start3A_392 = arith.constant 16384 : i32
      %dma_start3A_393 = tpu.memref_slice %arg5[%dma_start3A_392] : memref<32768xf32, #tpu.memory_space<vmem>> -> memref<2048xf32, #tpu.memory_space<vmem>>
      tpu.enqueue_dma source(%dma_start3A_393 : memref<2048xf32, #tpu.memory_space<vmem>>) target(%dma_start3A_391 : memref<2048xf32, #tpu.memory_space<hbm>>) target_semaphore(%arg7 : memref<!tpu.dma_semaphore, #tpu.memory_space<semaphore_mem>>)
      %dma_start3A_394 = arith.constant 18432 : i32
      %dma_start3A_395 = tpu.memref_slice %arg5[%dma_start3A_394] : memref<32768xf32, #tpu.memory_space<vmem>> -> memref<2048xf32, #tpu.memory_space<vmem>>
      %dma_start3A_396 = tpu.memref_slice %arg4[%add3A_327] : memref<16000256xf32, #tpu.memory_space<hbm>> -> memref<2048xf32, #tpu.memory_space<hbm>>
      %dma_start3A_397 = tpu.memref_slice %arg4[%add3A_327] : memref<16000256xf32, #tpu.memory_space<hbm>> -> memref<2048xf32, #tpu.memory_space<hbm>>
      %dma_start3A_398 = arith.constant 18432 : i32
      %dma_start3A_399 = tpu.memref_slice %arg5[%dma_start3A_398] : memref<32768xf32, #tpu.memory_space<vmem>> -> memref<2048xf32, #tpu.memory_space<vmem>>
      tpu.enqueue_dma source(%dma_start3A_399 : memref<2048xf32, #tpu.memory_space<vmem>>) target(%dma_start3A_397 : memref<2048xf32, #tpu.memory_space<hbm>>) target_semaphore(%arg7 : memref<!tpu.dma_semaphore, #tpu.memory_space<semaphore_mem>>)
      %dma_start3A_400 = arith.constant 20480 : i32
      %dma_start3A_401 = tpu.memref_slice %arg5[%dma_start3A_400] : memref<32768xf32, #tpu.memory_space<vmem>> -> memref<2048xf32, #tpu.memory_space<vmem>>
      %dma_start3A_402 = tpu.memref_slice %arg4[%add3A_329] : memref<16000256xf32, #tpu.memory_space<hbm>> -> memref<2048xf32, #tpu.memory_space<hbm>>
      %dma_start3A_403 = tpu.memref_slice %arg4[%add3A_329] : memref<16000256xf32, #tpu.memory_space<hbm>> -> memref<2048xf32, #tpu.memory_space<hbm>>
      %dma_start3A_404 = arith.constant 20480 : i32
      %dma_start3A_405 = tpu.memref_slice %arg5[%dma_start3A_404] : memref<32768xf32, #tpu.memory_space<vmem>> -> memref<2048xf32, #tpu.memory_space<vmem>>
      tpu.enqueue_dma source(%dma_start3A_405 : memref<2048xf32, #tpu.memory_space<vmem>>) target(%dma_start3A_403 : memref<2048xf32, #tpu.memory_space<hbm>>) target_semaphore(%arg7 : memref<!tpu.dma_semaphore, #tpu.memory_space<semaphore_mem>>)
      %dma_start3A_406 = arith.constant 22528 : i32
      %dma_start3A_407 = tpu.memref_slice %arg5[%dma_start3A_406] : memref<32768xf32, #tpu.memory_space<vmem>> -> memref<2048xf32, #tpu.memory_space<vmem>>
      %dma_start3A_408 = tpu.memref_slice %arg4[%add3A_331] : memref<16000256xf32, #tpu.memory_space<hbm>> -> memref<2048xf32, #tpu.memory_space<hbm>>
      %dma_start3A_409 = tpu.memref_slice %arg4[%add3A_331] : memref<16000256xf32, #tpu.memory_space<hbm>> -> memref<2048xf32, #tpu.memory_space<hbm>>
      %dma_start3A_410 = arith.constant 22528 : i32
      %dma_start3A_411 = tpu.memref_slice %arg5[%dma_start3A_410] : memref<32768xf32, #tpu.memory_space<vmem>> -> memref<2048xf32, #tpu.memory_space<vmem>>
      tpu.enqueue_dma source(%dma_start3A_411 : memref<2048xf32, #tpu.memory_space<vmem>>) target(%dma_start3A_409 : memref<2048xf32, #tpu.memory_space<hbm>>) target_semaphore(%arg7 : memref<!tpu.dma_semaphore, #tpu.memory_space<semaphore_mem>>)
      %dma_start3A_412 = arith.constant 24576 : i32
      %dma_start3A_413 = tpu.memref_slice %arg5[%dma_start3A_412] : memref<32768xf32, #tpu.memory_space<vmem>> -> memref<2048xf32, #tpu.memory_space<vmem>>
      %dma_start3A_414 = tpu.memref_slice %arg4[%add3A_333] : memref<16000256xf32, #tpu.memory_space<hbm>> -> memref<2048xf32, #tpu.memory_space<hbm>>
      %dma_start3A_415 = tpu.memref_slice %arg4[%add3A_333] : memref<16000256xf32, #tpu.memory_space<hbm>> -> memref<2048xf32, #tpu.memory_space<hbm>>
      %dma_start3A_416 = arith.constant 24576 : i32
      %dma_start3A_417 = tpu.memref_slice %arg5[%dma_start3A_416] : memref<32768xf32, #tpu.memory_space<vmem>> -> memref<2048xf32, #tpu.memory_space<vmem>>
      tpu.enqueue_dma source(%dma_start3A_417 : memref<2048xf32, #tpu.memory_space<vmem>>) target(%dma_start3A_415 : memref<2048xf32, #tpu.memory_space<hbm>>) target_semaphore(%arg7 : memref<!tpu.dma_semaphore, #tpu.memory_space<semaphore_mem>>)
      %dma_start3A_418 = arith.constant 26624 : i32
      %dma_start3A_419 = tpu.memref_slice %arg5[%dma_start3A_418] : memref<32768xf32, #tpu.memory_space<vmem>> -> memref<2048xf32, #tpu.memory_space<vmem>>
      %dma_start3A_420 = tpu.memref_slice %arg4[%add3A_335] : memref<16000256xf32, #tpu.memory_space<hbm>> -> memref<2048xf32, #tpu.memory_space<hbm>>
      %dma_start3A_421 = tpu.memref_slice %arg4[%add3A_335] : memref<16000256xf32, #tpu.memory_space<hbm>> -> memref<2048xf32, #tpu.memory_space<hbm>>
      %dma_start3A_422 = arith.constant 26624 : i32
      %dma_start3A_423 = tpu.memref_slice %arg5[%dma_start3A_422] : memref<32768xf32, #tpu.memory_space<vmem>> -> memref<2048xf32, #tpu.memory_space<vmem>>
      tpu.enqueue_dma source(%dma_start3A_423 : memref<2048xf32, #tpu.memory_space<vmem>>) target(%dma_start3A_421 : memref<2048xf32, #tpu.memory_space<hbm>>) target_semaphore(%arg7 : memref<!tpu.dma_semaphore, #tpu.memory_space<semaphore_mem>>)
      %dma_start3A_424 = arith.constant 28672 : i32
      %dma_start3A_425 = tpu.memref_slice %arg5[%dma_start3A_424] : memref<32768xf32, #tpu.memory_space<vmem>> -> memref<2048xf32, #tpu.memory_space<vmem>>
      %dma_start3A_426 = tpu.memref_slice %arg4[%add3A_337] : memref<16000256xf32, #tpu.memory_space<hbm>> -> memref<2048xf32, #tpu.memory_space<hbm>>
      %dma_start3A_427 = tpu.memref_slice %arg4[%add3A_337] : memref<16000256xf32, #tpu.memory_space<hbm>> -> memref<2048xf32, #tpu.memory_space<hbm>>
      %dma_start3A_428 = arith.constant 28672 : i32
      %dma_start3A_429 = tpu.memref_slice %arg5[%dma_start3A_428] : memref<32768xf32, #tpu.memory_space<vmem>> -> memref<2048xf32, #tpu.memory_space<vmem>>
      tpu.enqueue_dma source(%dma_start3A_429 : memref<2048xf32, #tpu.memory_space<vmem>>) target(%dma_start3A_427 : memref<2048xf32, #tpu.memory_space<hbm>>) target_semaphore(%arg7 : memref<!tpu.dma_semaphore, #tpu.memory_space<semaphore_mem>>)
      %dma_start3A_430 = arith.constant 30720 : i32
      %dma_start3A_431 = tpu.memref_slice %arg5[%dma_start3A_430] : memref<32768xf32, #tpu.memory_space<vmem>> -> memref<2048xf32, #tpu.memory_space<vmem>>
      %dma_start3A_432 = tpu.memref_slice %arg4[%add3A_339] : memref<16000256xf32, #tpu.memory_space<hbm>> -> memref<2048xf32, #tpu.memory_space<hbm>>
      %dma_start3A_433 = tpu.memref_slice %arg4[%add3A_339] : memref<16000256xf32, #tpu.memory_space<hbm>> -> memref<2048xf32, #tpu.memory_space<hbm>>
      %dma_start3A_434 = arith.constant 30720 : i32
      %dma_start3A_435 = tpu.memref_slice %arg5[%dma_start3A_434] : memref<32768xf32, #tpu.memory_space<vmem>> -> memref<2048xf32, #tpu.memory_space<vmem>>
      tpu.enqueue_dma source(%dma_start3A_435 : memref<2048xf32, #tpu.memory_space<vmem>>) target(%dma_start3A_433 : memref<2048xf32, #tpu.memory_space<hbm>>) target_semaphore(%arg7 : memref<!tpu.dma_semaphore, #tpu.memory_space<semaphore_mem>>)
      %dma_wait3A_436 = arith.constant 0 : i32
      %dma_wait3A_437 = tpu.memref_slice %arg5[%dma_wait3A_436] : memref<32768xf32, #tpu.memory_space<vmem>> -> memref<2048xf32, #tpu.memory_space<vmem>>
      %dma_wait3A_438 = tpu.memref_slice %arg4[%add3A_309] : memref<16000256xf32, #tpu.memory_space<hbm>> -> memref<2048xf32, #tpu.memory_space<hbm>>
      %dma_wait3A_439 = tpu.memref_slice %arg4[%add3A_309] : memref<16000256xf32, #tpu.memory_space<hbm>> -> memref<2048xf32, #tpu.memory_space<hbm>>
      %dma_wait3A_440 = arith.constant 0 : i32
      %dma_wait3A_441 = tpu.memref_slice %arg5[%dma_wait3A_440] : memref<32768xf32, #tpu.memory_space<vmem>> -> memref<2048xf32, #tpu.memory_space<vmem>>
      tpu.wait_dma2 semaphore(%arg7 : memref<!tpu.dma_semaphore, #tpu.memory_space<semaphore_mem>>) src(%dma_wait3A_441 : memref<2048xf32, #tpu.memory_space<vmem>>) dst(%dma_wait3A_439 : memref<2048xf32, #tpu.memory_space<hbm>>)
      %dma_wait3A_442 = arith.constant 2048 : i32
      %dma_wait3A_443 = tpu.memref_slice %arg5[%dma_wait3A_442] : memref<32768xf32, #tpu.memory_space<vmem>> -> memref<2048xf32, #tpu.memory_space<vmem>>
      %dma_wait3A_444 = tpu.memref_slice %arg4[%add3A_311] : memref<16000256xf32, #tpu.memory_space<hbm>> -> memref<2048xf32, #tpu.memory_space<hbm>>
      %dma_wait3A_445 = tpu.memref_slice %arg4[%add3A_311] : memref<16000256xf32, #tpu.memory_space<hbm>> -> memref<2048xf32, #tpu.memory_space<hbm>>
      %dma_wait3A_446 = arith.constant 2048 : i32
      %dma_wait3A_447 = tpu.memref_slice %arg5[%dma_wait3A_446] : memref<32768xf32, #tpu.memory_space<vmem>> -> memref<2048xf32, #tpu.memory_space<vmem>>
      tpu.wait_dma2 semaphore(%arg7 : memref<!tpu.dma_semaphore, #tpu.memory_space<semaphore_mem>>) src(%dma_wait3A_447 : memref<2048xf32, #tpu.memory_space<vmem>>) dst(%dma_wait3A_445 : memref<2048xf32, #tpu.memory_space<hbm>>)
      %dma_wait3A_448 = arith.constant 4096 : i32
      %dma_wait3A_449 = tpu.memref_slice %arg5[%dma_wait3A_448] : memref<32768xf32, #tpu.memory_space<vmem>> -> memref<2048xf32, #tpu.memory_space<vmem>>
      %dma_wait3A_450 = tpu.memref_slice %arg4[%add3A_313] : memref<16000256xf32, #tpu.memory_space<hbm>> -> memref<2048xf32, #tpu.memory_space<hbm>>
      %dma_wait3A_451 = tpu.memref_slice %arg4[%add3A_313] : memref<16000256xf32, #tpu.memory_space<hbm>> -> memref<2048xf32, #tpu.memory_space<hbm>>
      %dma_wait3A_452 = arith.constant 4096 : i32
      %dma_wait3A_453 = tpu.memref_slice %arg5[%dma_wait3A_452] : memref<32768xf32, #tpu.memory_space<vmem>> -> memref<2048xf32, #tpu.memory_space<vmem>>
      tpu.wait_dma2 semaphore(%arg7 : memref<!tpu.dma_semaphore, #tpu.memory_space<semaphore_mem>>) src(%dma_wait3A_453 : memref<2048xf32, #tpu.memory_space<vmem>>) dst(%dma_wait3A_451 : memref<2048xf32, #tpu.memory_space<hbm>>)
      %dma_wait3A_454 = arith.constant 6144 : i32
      %dma_wait3A_455 = tpu.memref_slice %arg5[%dma_wait3A_454] : memref<32768xf32, #tpu.memory_space<vmem>> -> memref<2048xf32, #tpu.memory_space<vmem>>
      %dma_wait3A_456 = tpu.memref_slice %arg4[%add3A_315] : memref<16000256xf32, #tpu.memory_space<hbm>> -> memref<2048xf32, #tpu.memory_space<hbm>>
      %dma_wait3A_457 = tpu.memref_slice %arg4[%add3A_315] : memref<16000256xf32, #tpu.memory_space<hbm>> -> memref<2048xf32, #tpu.memory_space<hbm>>
      %dma_wait3A_458 = arith.constant 6144 : i32
      %dma_wait3A_459 = tpu.memref_slice %arg5[%dma_wait3A_458] : memref<32768xf32, #tpu.memory_space<vmem>> -> memref<2048xf32, #tpu.memory_space<vmem>>
      tpu.wait_dma2 semaphore(%arg7 : memref<!tpu.dma_semaphore, #tpu.memory_space<semaphore_mem>>) src(%dma_wait3A_459 : memref<2048xf32, #tpu.memory_space<vmem>>) dst(%dma_wait3A_457 : memref<2048xf32, #tpu.memory_space<hbm>>)
      %dma_wait3A_460 = arith.constant 8192 : i32
      %dma_wait3A_461 = tpu.memref_slice %arg5[%dma_wait3A_460] : memref<32768xf32, #tpu.memory_space<vmem>> -> memref<2048xf32, #tpu.memory_space<vmem>>
      %dma_wait3A_462 = tpu.memref_slice %arg4[%add3A_317] : memref<16000256xf32, #tpu.memory_space<hbm>> -> memref<2048xf32, #tpu.memory_space<hbm>>
      %dma_wait3A_463 = tpu.memref_slice %arg4[%add3A_317] : memref<16000256xf32, #tpu.memory_space<hbm>> -> memref<2048xf32, #tpu.memory_space<hbm>>
      %dma_wait3A_464 = arith.constant 8192 : i32
      %dma_wait3A_465 = tpu.memref_slice %arg5[%dma_wait3A_464] : memref<32768xf32, #tpu.memory_space<vmem>> -> memref<2048xf32, #tpu.memory_space<vmem>>
      tpu.wait_dma2 semaphore(%arg7 : memref<!tpu.dma_semaphore, #tpu.memory_space<semaphore_mem>>) src(%dma_wait3A_465 : memref<2048xf32, #tpu.memory_space<vmem>>) dst(%dma_wait3A_463 : memref<2048xf32, #tpu.memory_space<hbm>>)
      %dma_wait3A_466 = arith.constant 10240 : i32
      %dma_wait3A_467 = tpu.memref_slice %arg5[%dma_wait3A_466] : memref<32768xf32, #tpu.memory_space<vmem>> -> memref<2048xf32, #tpu.memory_space<vmem>>
      %dma_wait3A_468 = tpu.memref_slice %arg4[%add3A_319] : memref<16000256xf32, #tpu.memory_space<hbm>> -> memref<2048xf32, #tpu.memory_space<hbm>>
      %dma_wait3A_469 = tpu.memref_slice %arg4[%add3A_319] : memref<16000256xf32, #tpu.memory_space<hbm>> -> memref<2048xf32, #tpu.memory_space<hbm>>
      %dma_wait3A_470 = arith.constant 10240 : i32
      %dma_wait3A_471 = tpu.memref_slice %arg5[%dma_wait3A_470] : memref<32768xf32, #tpu.memory_space<vmem>> -> memref<2048xf32, #tpu.memory_space<vmem>>
      tpu.wait_dma2 semaphore(%arg7 : memref<!tpu.dma_semaphore, #tpu.memory_space<semaphore_mem>>) src(%dma_wait3A_471 : memref<2048xf32, #tpu.memory_space<vmem>>) dst(%dma_wait3A_469 : memref<2048xf32, #tpu.memory_space<hbm>>)
      %dma_wait3A_472 = arith.constant 12288 : i32
      %dma_wait3A_473 = tpu.memref_slice %arg5[%dma_wait3A_472] : memref<32768xf32, #tpu.memory_space<vmem>> -> memref<2048xf32, #tpu.memory_space<vmem>>
      %dma_wait3A_474 = tpu.memref_slice %arg4[%add3A_321] : memref<16000256xf32, #tpu.memory_space<hbm>> -> memref<2048xf32, #tpu.memory_space<hbm>>
      %dma_wait3A_475 = tpu.memref_slice %arg4[%add3A_321] : memref<16000256xf32, #tpu.memory_space<hbm>> -> memref<2048xf32, #tpu.memory_space<hbm>>
      %dma_wait3A_476 = arith.constant 12288 : i32
      %dma_wait3A_477 = tpu.memref_slice %arg5[%dma_wait3A_476] : memref<32768xf32, #tpu.memory_space<vmem>> -> memref<2048xf32, #tpu.memory_space<vmem>>
      tpu.wait_dma2 semaphore(%arg7 : memref<!tpu.dma_semaphore, #tpu.memory_space<semaphore_mem>>) src(%dma_wait3A_477 : memref<2048xf32, #tpu.memory_space<vmem>>) dst(%dma_wait3A_475 : memref<2048xf32, #tpu.memory_space<hbm>>)
      %dma_wait3A_478 = arith.constant 14336 : i32
      %dma_wait3A_479 = tpu.memref_slice %arg5[%dma_wait3A_478] : memref<32768xf32, #tpu.memory_space<vmem>> -> memref<2048xf32, #tpu.memory_space<vmem>>
      %dma_wait3A_480 = tpu.memref_slice %arg4[%add3A_323] : memref<16000256xf32, #tpu.memory_space<hbm>> -> memref<2048xf32, #tpu.memory_space<hbm>>
      %dma_wait3A_481 = tpu.memref_slice %arg4[%add3A_323] : memref<16000256xf32, #tpu.memory_space<hbm>> -> memref<2048xf32, #tpu.memory_space<hbm>>
      %dma_wait3A_482 = arith.constant 14336 : i32
      %dma_wait3A_483 = tpu.memref_slice %arg5[%dma_wait3A_482] : memref<32768xf32, #tpu.memory_space<vmem>> -> memref<2048xf32, #tpu.memory_space<vmem>>
      tpu.wait_dma2 semaphore(%arg7 : memref<!tpu.dma_semaphore, #tpu.memory_space<semaphore_mem>>) src(%dma_wait3A_483 : memref<2048xf32, #tpu.memory_space<vmem>>) dst(%dma_wait3A_481 : memref<2048xf32, #tpu.memory_space<hbm>>)
      %dma_wait3A_484 = arith.constant 16384 : i32
      %dma_wait3A_485 = tpu.memref_slice %arg5[%dma_wait3A_484] : memref<32768xf32, #tpu.memory_space<vmem>> -> memref<2048xf32, #tpu.memory_space<vmem>>
      %dma_wait3A_486 = tpu.memref_slice %arg4[%add3A_325] : memref<16000256xf32, #tpu.memory_space<hbm>> -> memref<2048xf32, #tpu.memory_space<hbm>>
      %dma_wait3A_487 = tpu.memref_slice %arg4[%add3A_325] : memref<16000256xf32, #tpu.memory_space<hbm>> -> memref<2048xf32, #tpu.memory_space<hbm>>
      %dma_wait3A_488 = arith.constant 16384 : i32
      %dma_wait3A_489 = tpu.memref_slice %arg5[%dma_wait3A_488] : memref<32768xf32, #tpu.memory_space<vmem>> -> memref<2048xf32, #tpu.memory_space<vmem>>
      tpu.wait_dma2 semaphore(%arg7 : memref<!tpu.dma_semaphore, #tpu.memory_space<semaphore_mem>>) src(%dma_wait3A_489 : memref<2048xf32, #tpu.memory_space<vmem>>) dst(%dma_wait3A_487 : memref<2048xf32, #tpu.memory_space<hbm>>)
      %dma_wait3A_490 = arith.constant 18432 : i32
      %dma_wait3A_491 = tpu.memref_slice %arg5[%dma_wait3A_490] : memref<32768xf32, #tpu.memory_space<vmem>> -> memref<2048xf32, #tpu.memory_space<vmem>>
      %dma_wait3A_492 = tpu.memref_slice %arg4[%add3A_327] : memref<16000256xf32, #tpu.memory_space<hbm>> -> memref<2048xf32, #tpu.memory_space<hbm>>
      %dma_wait3A_493 = tpu.memref_slice %arg4[%add3A_327] : memref<16000256xf32, #tpu.memory_space<hbm>> -> memref<2048xf32, #tpu.memory_space<hbm>>
      %dma_wait3A_494 = arith.constant 18432 : i32
      %dma_wait3A_495 = tpu.memref_slice %arg5[%dma_wait3A_494] : memref<32768xf32, #tpu.memory_space<vmem>> -> memref<2048xf32, #tpu.memory_space<vmem>>
      tpu.wait_dma2 semaphore(%arg7 : memref<!tpu.dma_semaphore, #tpu.memory_space<semaphore_mem>>) src(%dma_wait3A_495 : memref<2048xf32, #tpu.memory_space<vmem>>) dst(%dma_wait3A_493 : memref<2048xf32, #tpu.memory_space<hbm>>)
      %dma_wait3A_496 = arith.constant 20480 : i32
      %dma_wait3A_497 = tpu.memref_slice %arg5[%dma_wait3A_496] : memref<32768xf32, #tpu.memory_space<vmem>> -> memref<2048xf32, #tpu.memory_space<vmem>>
      %dma_wait3A_498 = tpu.memref_slice %arg4[%add3A_329] : memref<16000256xf32, #tpu.memory_space<hbm>> -> memref<2048xf32, #tpu.memory_space<hbm>>
      %dma_wait3A_499 = tpu.memref_slice %arg4[%add3A_329] : memref<16000256xf32, #tpu.memory_space<hbm>> -> memref<2048xf32, #tpu.memory_space<hbm>>
      %dma_wait3A_500 = arith.constant 20480 : i32
      %dma_wait3A_501 = tpu.memref_slice %arg5[%dma_wait3A_500] : memref<32768xf32, #tpu.memory_space<vmem>> -> memref<2048xf32, #tpu.memory_space<vmem>>
      tpu.wait_dma2 semaphore(%arg7 : memref<!tpu.dma_semaphore, #tpu.memory_space<semaphore_mem>>) src(%dma_wait3A_501 : memref<2048xf32, #tpu.memory_space<vmem>>) dst(%dma_wait3A_499 : memref<2048xf32, #tpu.memory_space<hbm>>)
      %dma_wait3A_502 = arith.constant 22528 : i32
      %dma_wait3A_503 = tpu.memref_slice %arg5[%dma_wait3A_502] : memref<32768xf32, #tpu.memory_space<vmem>> -> memref<2048xf32, #tpu.memory_space<vmem>>
      %dma_wait3A_504 = tpu.memref_slice %arg4[%add3A_331] : memref<16000256xf32, #tpu.memory_space<hbm>> -> memref<2048xf32, #tpu.memory_space<hbm>>
      %dma_wait3A_505 = tpu.memref_slice %arg4[%add3A_331] : memref<16000256xf32, #tpu.memory_space<hbm>> -> memref<2048xf32, #tpu.memory_space<hbm>>
      %dma_wait3A_506 = arith.constant 22528 : i32
      %dma_wait3A_507 = tpu.memref_slice %arg5[%dma_wait3A_506] : memref<32768xf32, #tpu.memory_space<vmem>> -> memref<2048xf32, #tpu.memory_space<vmem>>
      tpu.wait_dma2 semaphore(%arg7 : memref<!tpu.dma_semaphore, #tpu.memory_space<semaphore_mem>>) src(%dma_wait3A_507 : memref<2048xf32, #tpu.memory_space<vmem>>) dst(%dma_wait3A_505 : memref<2048xf32, #tpu.memory_space<hbm>>)
      %dma_wait3A_508 = arith.constant 24576 : i32
      %dma_wait3A_509 = tpu.memref_slice %arg5[%dma_wait3A_508] : memref<32768xf32, #tpu.memory_space<vmem>> -> memref<2048xf32, #tpu.memory_space<vmem>>
      %dma_wait3A_510 = tpu.memref_slice %arg4[%add3A_333] : memref<16000256xf32, #tpu.memory_space<hbm>> -> memref<2048xf32, #tpu.memory_space<hbm>>
      %dma_wait3A_511 = tpu.memref_slice %arg4[%add3A_333] : memref<16000256xf32, #tpu.memory_space<hbm>> -> memref<2048xf32, #tpu.memory_space<hbm>>
      %dma_wait3A_512 = arith.constant 24576 : i32
      %dma_wait3A_513 = tpu.memref_slice %arg5[%dma_wait3A_512] : memref<32768xf32, #tpu.memory_space<vmem>> -> memref<2048xf32, #tpu.memory_space<vmem>>
      tpu.wait_dma2 semaphore(%arg7 : memref<!tpu.dma_semaphore, #tpu.memory_space<semaphore_mem>>) src(%dma_wait3A_513 : memref<2048xf32, #tpu.memory_space<vmem>>) dst(%dma_wait3A_511 : memref<2048xf32, #tpu.memory_space<hbm>>)
      %dma_wait3A_514 = arith.constant 26624 : i32
      %dma_wait3A_515 = tpu.memref_slice %arg5[%dma_wait3A_514] : memref<32768xf32, #tpu.memory_space<vmem>> -> memref<2048xf32, #tpu.memory_space<vmem>>
      %dma_wait3A_516 = tpu.memref_slice %arg4[%add3A_335] : memref<16000256xf32, #tpu.memory_space<hbm>> -> memref<2048xf32, #tpu.memory_space<hbm>>
      %dma_wait3A_517 = tpu.memref_slice %arg4[%add3A_335] : memref<16000256xf32, #tpu.memory_space<hbm>> -> memref<2048xf32, #tpu.memory_space<hbm>>
      %dma_wait3A_518 = arith.constant 26624 : i32
      %dma_wait3A_519 = tpu.memref_slice %arg5[%dma_wait3A_518] : memref<32768xf32, #tpu.memory_space<vmem>> -> memref<2048xf32, #tpu.memory_space<vmem>>
      tpu.wait_dma2 semaphore(%arg7 : memref<!tpu.dma_semaphore, #tpu.memory_space<semaphore_mem>>) src(%dma_wait3A_519 : memref<2048xf32, #tpu.memory_space<vmem>>) dst(%dma_wait3A_517 : memref<2048xf32, #tpu.memory_space<hbm>>)
      %dma_wait3A_520 = arith.constant 28672 : i32
      %dma_wait3A_521 = tpu.memref_slice %arg5[%dma_wait3A_520] : memref<32768xf32, #tpu.memory_space<vmem>> -> memref<2048xf32, #tpu.memory_space<vmem>>
      %dma_wait3A_522 = tpu.memref_slice %arg4[%add3A_337] : memref<16000256xf32, #tpu.memory_space<hbm>> -> memref<2048xf32, #tpu.memory_space<hbm>>
      %dma_wait3A_523 = tpu.memref_slice %arg4[%add3A_337] : memref<16000256xf32, #tpu.memory_space<hbm>> -> memref<2048xf32, #tpu.memory_space<hbm>>
      %dma_wait3A_524 = arith.constant 28672 : i32
      %dma_wait3A_525 = tpu.memref_slice %arg5[%dma_wait3A_524] : memref<32768xf32, #tpu.memory_space<vmem>> -> memref<2048xf32, #tpu.memory_space<vmem>>
      tpu.wait_dma2 semaphore(%arg7 : memref<!tpu.dma_semaphore, #tpu.memory_space<semaphore_mem>>) src(%dma_wait3A_525 : memref<2048xf32, #tpu.memory_space<vmem>>) dst(%dma_wait3A_523 : memref<2048xf32, #tpu.memory_space<hbm>>)
      %dma_wait3A_526 = arith.constant 30720 : i32
      %dma_wait3A_527 = tpu.memref_slice %arg5[%dma_wait3A_526] : memref<32768xf32, #tpu.memory_space<vmem>> -> memref<2048xf32, #tpu.memory_space<vmem>>
      %dma_wait3A_528 = tpu.memref_slice %arg4[%add3A_339] : memref<16000256xf32, #tpu.memory_space<hbm>> -> memref<2048xf32, #tpu.memory_space<hbm>>
      %dma_wait3A_529 = tpu.memref_slice %arg4[%add3A_339] : memref<16000256xf32, #tpu.memory_space<hbm>> -> memref<2048xf32, #tpu.memory_space<hbm>>
      %dma_wait3A_530 = arith.constant 30720 : i32
      %dma_wait3A_531 = tpu.memref_slice %arg5[%dma_wait3A_530] : memref<32768xf32, #tpu.memory_space<vmem>> -> memref<2048xf32, #tpu.memory_space<vmem>>
      tpu.wait_dma2 semaphore(%arg7 : memref<!tpu.dma_semaphore, #tpu.memory_space<semaphore_mem>>) src(%dma_wait3A_531 : memref<2048xf32, #tpu.memory_space<vmem>>) dst(%dma_wait3A_529 : memref<2048xf32, #tpu.memory_space<hbm>>)
    }
    %eq3A = arith.constant 8 : i32
    %eq3A_14 = arith.cmpi eq, %add3A, %eq3A : i32
    %convert_element_type3A = arith.extui %eq3A_14 : i1 to i32
    %cond3A = arith.constant 0 : i32
    %cond3A_15 = arith.cmpi ne, %convert_element_type3A, %cond3A : i32
    scf.if %cond3A_15 {
      "tpu.region"() ({
        %run_scoped3A = tpu.sem_alloc : memref<!tpu.dma_semaphore, #tpu.memory_space<semaphore_mem>>
        %dma_start3A_270 = arith.constant 0 : i32
        %dma_start3A_271 = tpu.memref_slice %arg5[%dma_start3A_270] : memref<32768xf32, #tpu.memory_space<vmem>> -> memref<9472xf32, #tpu.memory_space<vmem>>
        %dma_start3A_272 = arith.constant 0 : i32
        %dma_start3A_273 = tpu.memref_slice %arg5[%dma_start3A_272] : memref<32768xf32, #tpu.memory_space<vmem>> -> memref<9472xf32, #tpu.memory_space<vmem>>
        tpu.enqueue_dma source(%arg3 : memref<9472xf32, #tpu.memory_space<hbm>>) target(%dma_start3A_273 : memref<9472xf32, #tpu.memory_space<vmem>>) target_semaphore(%run_scoped3A : memref<!tpu.dma_semaphore, #tpu.memory_space<semaphore_mem>>)
        %dma_wait3A_274 = arith.constant 0 : i32
        %dma_wait3A_275 = tpu.memref_slice %arg5[%dma_wait3A_274] : memref<32768xf32, #tpu.memory_space<vmem>> -> memref<9472xf32, #tpu.memory_space<vmem>>
        %dma_wait3A_276 = arith.constant 0 : i32
        %dma_wait3A_277 = tpu.memref_slice %arg5[%dma_wait3A_276] : memref<32768xf32, #tpu.memory_space<vmem>> -> memref<9472xf32, #tpu.memory_space<vmem>>
        tpu.wait_dma2 semaphore(%run_scoped3A : memref<!tpu.dma_semaphore, #tpu.memory_space<semaphore_mem>>) src(%arg3 : memref<9472xf32, #tpu.memory_space<hbm>>) dst(%dma_wait3A_277 : memref<9472xf32, #tpu.memory_space<vmem>>)
        tpu.yield
      }) : () -> ()
      %dma_start3A = arith.constant 0 : i32
      %dma_start3A_16 = tpu.memref_slice %arg5[%dma_start3A] : memref<32768xf32, #tpu.memory_space<vmem>> -> memref<592xf32, #tpu.memory_space<vmem>>
      %dma_start3A_17 = arith.constant 999424 : i32
      %dma_start3A_18 = tpu.memref_slice %arg4[%dma_start3A_17] : memref<16000256xf32, #tpu.memory_space<hbm>> -> memref<592xf32, #tpu.memory_space<hbm>>
      %dma_start3A_19 = arith.constant 999424 : i32
      %dma_start3A_20 = tpu.memref_slice %arg4[%dma_start3A_19] : memref<16000256xf32, #tpu.memory_space<hbm>> -> memref<592xf32, #tpu.memory_space<hbm>>
      %dma_start3A_21 = arith.constant 0 : i32
      %dma_start3A_22 = tpu.memref_slice %arg5[%dma_start3A_21] : memref<32768xf32, #tpu.memory_space<vmem>> -> memref<592xf32, #tpu.memory_space<vmem>>
      tpu.enqueue_dma source(%dma_start3A_22 : memref<592xf32, #tpu.memory_space<vmem>>) target(%dma_start3A_20 : memref<592xf32, #tpu.memory_space<hbm>>) target_semaphore(%arg7 : memref<!tpu.dma_semaphore, #tpu.memory_space<semaphore_mem>>)
      %dma_start3A_23 = arith.constant 592 : i32
      %dma_start3A_24 = tpu.memref_slice %arg5[%dma_start3A_23] : memref<32768xf32, #tpu.memory_space<vmem>> -> memref<592xf32, #tpu.memory_space<vmem>>
      %dma_start3A_25 = arith.constant 1999440 : i32
      %dma_start3A_26 = tpu.memref_slice %arg4[%dma_start3A_25] : memref<16000256xf32, #tpu.memory_space<hbm>> -> memref<592xf32, #tpu.memory_space<hbm>>
      %dma_start3A_27 = arith.constant 1999440 : i32
      %dma_start3A_28 = tpu.memref_slice %arg4[%dma_start3A_27] : memref<16000256xf32, #tpu.memory_space<hbm>> -> memref<592xf32, #tpu.memory_space<hbm>>
      %dma_start3A_29 = arith.constant 592 : i32
      %dma_start3A_30 = tpu.memref_slice %arg5[%dma_start3A_29] : memref<32768xf32, #tpu.memory_space<vmem>> -> memref<592xf32, #tpu.memory_space<vmem>>
      tpu.enqueue_dma source(%dma_start3A_30 : memref<592xf32, #tpu.memory_space<vmem>>) target(%dma_start3A_28 : memref<592xf32, #tpu.memory_space<hbm>>) target_semaphore(%arg7 : memref<!tpu.dma_semaphore, #tpu.memory_space<semaphore_mem>>)
      %dma_start3A_31 = arith.constant 1184 : i32
      %dma_start3A_32 = tpu.memref_slice %arg5[%dma_start3A_31] : memref<32768xf32, #tpu.memory_space<vmem>> -> memref<592xf32, #tpu.memory_space<vmem>>
      %dma_start3A_33 = arith.constant 2999456 : i32
      %dma_start3A_34 = tpu.memref_slice %arg4[%dma_start3A_33] : memref<16000256xf32, #tpu.memory_space<hbm>> -> memref<592xf32, #tpu.memory_space<hbm>>
      %dma_start3A_35 = arith.constant 2999456 : i32
      %dma_start3A_36 = tpu.memref_slice %arg4[%dma_start3A_35] : memref<16000256xf32, #tpu.memory_space<hbm>> -> memref<592xf32, #tpu.memory_space<hbm>>
      %dma_start3A_37 = arith.constant 1184 : i32
      %dma_start3A_38 = tpu.memref_slice %arg5[%dma_start3A_37] : memref<32768xf32, #tpu.memory_space<vmem>> -> memref<592xf32, #tpu.memory_space<vmem>>
      tpu.enqueue_dma source(%dma_start3A_38 : memref<592xf32, #tpu.memory_space<vmem>>) target(%dma_start3A_36 : memref<592xf32, #tpu.memory_space<hbm>>) target_semaphore(%arg7 : memref<!tpu.dma_semaphore, #tpu.memory_space<semaphore_mem>>)
      %dma_start3A_39 = arith.constant 1776 : i32
      %dma_start3A_40 = tpu.memref_slice %arg5[%dma_start3A_39] : memref<32768xf32, #tpu.memory_space<vmem>> -> memref<592xf32, #tpu.memory_space<vmem>>
      %dma_start3A_41 = arith.constant 3999472 : i32
      %dma_start3A_42 = tpu.memref_slice %arg4[%dma_start3A_41] : memref<16000256xf32, #tpu.memory_space<hbm>> -> memref<592xf32, #tpu.memory_space<hbm>>
      %dma_start3A_43 = arith.constant 3999472 : i32
      %dma_start3A_44 = tpu.memref_slice %arg4[%dma_start3A_43] : memref<16000256xf32, #tpu.memory_space<hbm>> -> memref<592xf32, #tpu.memory_space<hbm>>
      %dma_start3A_45 = arith.constant 1776 : i32
      %dma_start3A_46 = tpu.memref_slice %arg5[%dma_start3A_45] : memref<32768xf32, #tpu.memory_space<vmem>> -> memref<592xf32, #tpu.memory_space<vmem>>
      tpu.enqueue_dma source(%dma_start3A_46 : memref<592xf32, #tpu.memory_space<vmem>>) target(%dma_start3A_44 : memref<592xf32, #tpu.memory_space<hbm>>) target_semaphore(%arg7 : memref<!tpu.dma_semaphore, #tpu.memory_space<semaphore_mem>>)
      %dma_start3A_47 = arith.constant 2368 : i32
      %dma_start3A_48 = tpu.memref_slice %arg5[%dma_start3A_47] : memref<32768xf32, #tpu.memory_space<vmem>> -> memref<592xf32, #tpu.memory_space<vmem>>
      %dma_start3A_49 = arith.constant 4999488 : i32
      %dma_start3A_50 = tpu.memref_slice %arg4[%dma_start3A_49] : memref<16000256xf32, #tpu.memory_space<hbm>> -> memref<592xf32, #tpu.memory_space<hbm>>
      %dma_start3A_51 = arith.constant 4999488 : i32
      %dma_start3A_52 = tpu.memref_slice %arg4[%dma_start3A_51] : memref<16000256xf32, #tpu.memory_space<hbm>> -> memref<592xf32, #tpu.memory_space<hbm>>
      %dma_start3A_53 = arith.constant 2368 : i32
      %dma_start3A_54 = tpu.memref_slice %arg5[%dma_start3A_53] : memref<32768xf32, #tpu.memory_space<vmem>> -> memref<592xf32, #tpu.memory_space<vmem>>
      tpu.enqueue_dma source(%dma_start3A_54 : memref<592xf32, #tpu.memory_space<vmem>>) target(%dma_start3A_52 : memref<592xf32, #tpu.memory_space<hbm>>) target_semaphore(%arg7 : memref<!tpu.dma_semaphore, #tpu.memory_space<semaphore_mem>>)
      %dma_start3A_55 = arith.constant 2960 : i32
      %dma_start3A_56 = tpu.memref_slice %arg5[%dma_start3A_55] : memref<32768xf32, #tpu.memory_space<vmem>> -> memref<592xf32, #tpu.memory_space<vmem>>
      %dma_start3A_57 = arith.constant 5999504 : i32
      %dma_start3A_58 = tpu.memref_slice %arg4[%dma_start3A_57] : memref<16000256xf32, #tpu.memory_space<hbm>> -> memref<592xf32, #tpu.memory_space<hbm>>
      %dma_start3A_59 = arith.constant 5999504 : i32
      %dma_start3A_60 = tpu.memref_slice %arg4[%dma_start3A_59] : memref<16000256xf32, #tpu.memory_space<hbm>> -> memref<592xf32, #tpu.memory_space<hbm>>
      %dma_start3A_61 = arith.constant 2960 : i32
      %dma_start3A_62 = tpu.memref_slice %arg5[%dma_start3A_61] : memref<32768xf32, #tpu.memory_space<vmem>> -> memref<592xf32, #tpu.memory_space<vmem>>
      tpu.enqueue_dma source(%dma_start3A_62 : memref<592xf32, #tpu.memory_space<vmem>>) target(%dma_start3A_60 : memref<592xf32, #tpu.memory_space<hbm>>) target_semaphore(%arg7 : memref<!tpu.dma_semaphore, #tpu.memory_space<semaphore_mem>>)
      %dma_start3A_63 = arith.constant 3552 : i32
      %dma_start3A_64 = tpu.memref_slice %arg5[%dma_start3A_63] : memref<32768xf32, #tpu.memory_space<vmem>> -> memref<592xf32, #tpu.memory_space<vmem>>
      %dma_start3A_65 = arith.constant 6999520 : i32
      %dma_start3A_66 = tpu.memref_slice %arg4[%dma_start3A_65] : memref<16000256xf32, #tpu.memory_space<hbm>> -> memref<592xf32, #tpu.memory_space<hbm>>
      %dma_start3A_67 = arith.constant 6999520 : i32
      %dma_start3A_68 = tpu.memref_slice %arg4[%dma_start3A_67] : memref<16000256xf32, #tpu.memory_space<hbm>> -> memref<592xf32, #tpu.memory_space<hbm>>
      %dma_start3A_69 = arith.constant 3552 : i32
      %dma_start3A_70 = tpu.memref_slice %arg5[%dma_start3A_69] : memref<32768xf32, #tpu.memory_space<vmem>> -> memref<592xf32, #tpu.memory_space<vmem>>
      tpu.enqueue_dma source(%dma_start3A_70 : memref<592xf32, #tpu.memory_space<vmem>>) target(%dma_start3A_68 : memref<592xf32, #tpu.memory_space<hbm>>) target_semaphore(%arg7 : memref<!tpu.dma_semaphore, #tpu.memory_space<semaphore_mem>>)
      %dma_start3A_71 = arith.constant 4144 : i32
      %dma_start3A_72 = tpu.memref_slice %arg5[%dma_start3A_71] : memref<32768xf32, #tpu.memory_space<vmem>> -> memref<592xf32, #tpu.memory_space<vmem>>
      %dma_start3A_73 = arith.constant 7999536 : i32
      %dma_start3A_74 = tpu.memref_slice %arg4[%dma_start3A_73] : memref<16000256xf32, #tpu.memory_space<hbm>> -> memref<592xf32, #tpu.memory_space<hbm>>
      %dma_start3A_75 = arith.constant 7999536 : i32
      %dma_start3A_76 = tpu.memref_slice %arg4[%dma_start3A_75] : memref<16000256xf32, #tpu.memory_space<hbm>> -> memref<592xf32, #tpu.memory_space<hbm>>
      %dma_start3A_77 = arith.constant 4144 : i32
      %dma_start3A_78 = tpu.memref_slice %arg5[%dma_start3A_77] : memref<32768xf32, #tpu.memory_space<vmem>> -> memref<592xf32, #tpu.memory_space<vmem>>
      tpu.enqueue_dma source(%dma_start3A_78 : memref<592xf32, #tpu.memory_space<vmem>>) target(%dma_start3A_76 : memref<592xf32, #tpu.memory_space<hbm>>) target_semaphore(%arg7 : memref<!tpu.dma_semaphore, #tpu.memory_space<semaphore_mem>>)
      %dma_start3A_79 = arith.constant 4736 : i32
      %dma_start3A_80 = tpu.memref_slice %arg5[%dma_start3A_79] : memref<32768xf32, #tpu.memory_space<vmem>> -> memref<592xf32, #tpu.memory_space<vmem>>
      %dma_start3A_81 = arith.constant 8999552 : i32
      %dma_start3A_82 = tpu.memref_slice %arg4[%dma_start3A_81] : memref<16000256xf32, #tpu.memory_space<hbm>> -> memref<592xf32, #tpu.memory_space<hbm>>
      %dma_start3A_83 = arith.constant 8999552 : i32
      %dma_start3A_84 = tpu.memref_slice %arg4[%dma_start3A_83] : memref<16000256xf32, #tpu.memory_space<hbm>> -> memref<592xf32, #tpu.memory_space<hbm>>
      %dma_start3A_85 = arith.constant 4736 : i32
      %dma_start3A_86 = tpu.memref_slice %arg5[%dma_start3A_85] : memref<32768xf32, #tpu.memory_space<vmem>> -> memref<592xf32, #tpu.memory_space<vmem>>
      tpu.enqueue_dma source(%dma_start3A_86 : memref<592xf32, #tpu.memory_space<vmem>>) target(%dma_start3A_84 : memref<592xf32, #tpu.memory_space<hbm>>) target_semaphore(%arg7 : memref<!tpu.dma_semaphore, #tpu.memory_space<semaphore_mem>>)
      %dma_start3A_87 = arith.constant 5328 : i32
      %dma_start3A_88 = tpu.memref_slice %arg5[%dma_start3A_87] : memref<32768xf32, #tpu.memory_space<vmem>> -> memref<592xf32, #tpu.memory_space<vmem>>
      %dma_start3A_89 = arith.constant 9999568 : i32
      %dma_start3A_90 = tpu.memref_slice %arg4[%dma_start3A_89] : memref<16000256xf32, #tpu.memory_space<hbm>> -> memref<592xf32, #tpu.memory_space<hbm>>
      %dma_start3A_91 = arith.constant 9999568 : i32
      %dma_start3A_92 = tpu.memref_slice %arg4[%dma_start3A_91] : memref<16000256xf32, #tpu.memory_space<hbm>> -> memref<592xf32, #tpu.memory_space<hbm>>
      %dma_start3A_93 = arith.constant 5328 : i32
      %dma_start3A_94 = tpu.memref_slice %arg5[%dma_start3A_93] : memref<32768xf32, #tpu.memory_space<vmem>> -> memref<592xf32, #tpu.memory_space<vmem>>
      tpu.enqueue_dma source(%dma_start3A_94 : memref<592xf32, #tpu.memory_space<vmem>>) target(%dma_start3A_92 : memref<592xf32, #tpu.memory_space<hbm>>) target_semaphore(%arg7 : memref<!tpu.dma_semaphore, #tpu.memory_space<semaphore_mem>>)
      %dma_start3A_95 = arith.constant 5920 : i32
      %dma_start3A_96 = tpu.memref_slice %arg5[%dma_start3A_95] : memref<32768xf32, #tpu.memory_space<vmem>> -> memref<592xf32, #tpu.memory_space<vmem>>
      %dma_start3A_97 = arith.constant 10999584 : i32
      %dma_start3A_98 = tpu.memref_slice %arg4[%dma_start3A_97] : memref<16000256xf32, #tpu.memory_space<hbm>> -> memref<592xf32, #tpu.memory_space<hbm>>
      %dma_start3A_99 = arith.constant 10999584 : i32
      %dma_start3A_100 = tpu.memref_slice %arg4[%dma_start3A_99] : memref<16000256xf32, #tpu.memory_space<hbm>> -> memref<592xf32, #tpu.memory_space<hbm>>
      %dma_start3A_101 = arith.constant 5920 : i32
      %dma_start3A_102 = tpu.memref_slice %arg5[%dma_start3A_101] : memref<32768xf32, #tpu.memory_space<vmem>> -> memref<592xf32, #tpu.memory_space<vmem>>
      tpu.enqueue_dma source(%dma_start3A_102 : memref<592xf32, #tpu.memory_space<vmem>>) target(%dma_start3A_100 : memref<592xf32, #tpu.memory_space<hbm>>) target_semaphore(%arg7 : memref<!tpu.dma_semaphore, #tpu.memory_space<semaphore_mem>>)
      %dma_start3A_103 = arith.constant 6512 : i32
      %dma_start3A_104 = tpu.memref_slice %arg5[%dma_start3A_103] : memref<32768xf32, #tpu.memory_space<vmem>> -> memref<592xf32, #tpu.memory_space<vmem>>
      %dma_start3A_105 = arith.constant 11999600 : i32
      %dma_start3A_106 = tpu.memref_slice %arg4[%dma_start3A_105] : memref<16000256xf32, #tpu.memory_space<hbm>> -> memref<592xf32, #tpu.memory_space<hbm>>
      %dma_start3A_107 = arith.constant 11999600 : i32
      %dma_start3A_108 = tpu.memref_slice %arg4[%dma_start3A_107] : memref<16000256xf32, #tpu.memory_space<hbm>> -> memref<592xf32, #tpu.memory_space<hbm>>
      %dma_start3A_109 = arith.constant 6512 : i32
      %dma_start3A_110 = tpu.memref_slice %arg5[%dma_start3A_109] : memref<32768xf32, #tpu.memory_space<vmem>> -> memref<592xf32, #tpu.memory_space<vmem>>
      tpu.enqueue_dma source(%dma_start3A_110 : memref<592xf32, #tpu.memory_space<vmem>>) target(%dma_start3A_108 : memref<592xf32, #tpu.memory_space<hbm>>) target_semaphore(%arg7 : memref<!tpu.dma_semaphore, #tpu.memory_space<semaphore_mem>>)
      %dma_start3A_111 = arith.constant 7104 : i32
      %dma_start3A_112 = tpu.memref_slice %arg5[%dma_start3A_111] : memref<32768xf32, #tpu.memory_space<vmem>> -> memref<592xf32, #tpu.memory_space<vmem>>
      %dma_start3A_113 = arith.constant 12999616 : i32
      %dma_start3A_114 = tpu.memref_slice %arg4[%dma_start3A_113] : memref<16000256xf32, #tpu.memory_space<hbm>> -> memref<592xf32, #tpu.memory_space<hbm>>
      %dma_start3A_115 = arith.constant 12999616 : i32
      %dma_start3A_116 = tpu.memref_slice %arg4[%dma_start3A_115] : memref<16000256xf32, #tpu.memory_space<hbm>> -> memref<592xf32, #tpu.memory_space<hbm>>
      %dma_start3A_117 = arith.constant 7104 : i32
      %dma_start3A_118 = tpu.memref_slice %arg5[%dma_start3A_117] : memref<32768xf32, #tpu.memory_space<vmem>> -> memref<592xf32, #tpu.memory_space<vmem>>
      tpu.enqueue_dma source(%dma_start3A_118 : memref<592xf32, #tpu.memory_space<vmem>>) target(%dma_start3A_116 : memref<592xf32, #tpu.memory_space<hbm>>) target_semaphore(%arg7 : memref<!tpu.dma_semaphore, #tpu.memory_space<semaphore_mem>>)
      %dma_start3A_119 = arith.constant 7696 : i32
      %dma_start3A_120 = tpu.memref_slice %arg5[%dma_start3A_119] : memref<32768xf32, #tpu.memory_space<vmem>> -> memref<592xf32, #tpu.memory_space<vmem>>
      %dma_start3A_121 = arith.constant 13999632 : i32
      %dma_start3A_122 = tpu.memref_slice %arg4[%dma_start3A_121] : memref<16000256xf32, #tpu.memory_space<hbm>> -> memref<592xf32, #tpu.memory_space<hbm>>
      %dma_start3A_123 = arith.constant 13999632 : i32
      %dma_start3A_124 = tpu.memref_slice %arg4[%dma_start3A_123] : memref<16000256xf32, #tpu.memory_space<hbm>> -> memref<592xf32, #tpu.memory_space<hbm>>
      %dma_start3A_125 = arith.constant 7696 : i32
      %dma_start3A_126 = tpu.memref_slice %arg5[%dma_start3A_125] : memref<32768xf32, #tpu.memory_space<vmem>> -> memref<592xf32, #tpu.memory_space<vmem>>
      tpu.enqueue_dma source(%dma_start3A_126 : memref<592xf32, #tpu.memory_space<vmem>>) target(%dma_start3A_124 : memref<592xf32, #tpu.memory_space<hbm>>) target_semaphore(%arg7 : memref<!tpu.dma_semaphore, #tpu.memory_space<semaphore_mem>>)
      %dma_start3A_127 = arith.constant 8288 : i32
      %dma_start3A_128 = tpu.memref_slice %arg5[%dma_start3A_127] : memref<32768xf32, #tpu.memory_space<vmem>> -> memref<592xf32, #tpu.memory_space<vmem>>
      %dma_start3A_129 = arith.constant 14999648 : i32
      %dma_start3A_130 = tpu.memref_slice %arg4[%dma_start3A_129] : memref<16000256xf32, #tpu.memory_space<hbm>> -> memref<592xf32, #tpu.memory_space<hbm>>
      %dma_start3A_131 = arith.constant 14999648 : i32
      %dma_start3A_132 = tpu.memref_slice %arg4[%dma_start3A_131] : memref<16000256xf32, #tpu.memory_space<hbm>> -> memref<592xf32, #tpu.memory_space<hbm>>
      %dma_start3A_133 = arith.constant 8288 : i32
      %dma_start3A_134 = tpu.memref_slice %arg5[%dma_start3A_133] : memref<32768xf32, #tpu.memory_space<vmem>> -> memref<592xf32, #tpu.memory_space<vmem>>
      tpu.enqueue_dma source(%dma_start3A_134 : memref<592xf32, #tpu.memory_space<vmem>>) target(%dma_start3A_132 : memref<592xf32, #tpu.memory_space<hbm>>) target_semaphore(%arg7 : memref<!tpu.dma_semaphore, #tpu.memory_space<semaphore_mem>>)
      %dma_start3A_135 = arith.constant 8880 : i32
      %dma_start3A_136 = tpu.memref_slice %arg5[%dma_start3A_135] : memref<32768xf32, #tpu.memory_space<vmem>> -> memref<592xf32, #tpu.memory_space<vmem>>
      %dma_start3A_137 = arith.constant 15999664 : i32
      %dma_start3A_138 = tpu.memref_slice %arg4[%dma_start3A_137] : memref<16000256xf32, #tpu.memory_space<hbm>> -> memref<592xf32, #tpu.memory_space<hbm>>
      %dma_start3A_139 = arith.constant 15999664 : i32
      %dma_start3A_140 = tpu.memref_slice %arg4[%dma_start3A_139] : memref<16000256xf32, #tpu.memory_space<hbm>> -> memref<592xf32, #tpu.memory_space<hbm>>
      %dma_start3A_141 = arith.constant 8880 : i32
      %dma_start3A_142 = tpu.memref_slice %arg5[%dma_start3A_141] : memref<32768xf32, #tpu.memory_space<vmem>> -> memref<592xf32, #tpu.memory_space<vmem>>
      tpu.enqueue_dma source(%dma_start3A_142 : memref<592xf32, #tpu.memory_space<vmem>>) target(%dma_start3A_140 : memref<592xf32, #tpu.memory_space<hbm>>) target_semaphore(%arg7 : memref<!tpu.dma_semaphore, #tpu.memory_space<semaphore_mem>>)
      %dma_wait3A = arith.constant 0 : i32
      %dma_wait3A_143 = tpu.memref_slice %arg5[%dma_wait3A] : memref<32768xf32, #tpu.memory_space<vmem>> -> memref<592xf32, #tpu.memory_space<vmem>>
      %dma_wait3A_144 = arith.constant 999424 : i32
      %dma_wait3A_145 = tpu.memref_slice %arg4[%dma_wait3A_144] : memref<16000256xf32, #tpu.memory_space<hbm>> -> memref<592xf32, #tpu.memory_space<hbm>>
      %dma_wait3A_146 = arith.constant 999424 : i32
      %dma_wait3A_147 = tpu.memref_slice %arg4[%dma_wait3A_146] : memref<16000256xf32, #tpu.memory_space<hbm>> -> memref<592xf32, #tpu.memory_space<hbm>>
      %dma_wait3A_148 = arith.constant 0 : i32
      %dma_wait3A_149 = tpu.memref_slice %arg5[%dma_wait3A_148] : memref<32768xf32, #tpu.memory_space<vmem>> -> memref<592xf32, #tpu.memory_space<vmem>>
      tpu.wait_dma2 semaphore(%arg7 : memref<!tpu.dma_semaphore, #tpu.memory_space<semaphore_mem>>) src(%dma_wait3A_149 : memref<592xf32, #tpu.memory_space<vmem>>) dst(%dma_wait3A_147 : memref<592xf32, #tpu.memory_space<hbm>>)
      %dma_wait3A_150 = arith.constant 592 : i32
      %dma_wait3A_151 = tpu.memref_slice %arg5[%dma_wait3A_150] : memref<32768xf32, #tpu.memory_space<vmem>> -> memref<592xf32, #tpu.memory_space<vmem>>
      %dma_wait3A_152 = arith.constant 1999440 : i32
      %dma_wait3A_153 = tpu.memref_slice %arg4[%dma_wait3A_152] : memref<16000256xf32, #tpu.memory_space<hbm>> -> memref<592xf32, #tpu.memory_space<hbm>>
      %dma_wait3A_154 = arith.constant 1999440 : i32
      %dma_wait3A_155 = tpu.memref_slice %arg4[%dma_wait3A_154] : memref<16000256xf32, #tpu.memory_space<hbm>> -> memref<592xf32, #tpu.memory_space<hbm>>
      %dma_wait3A_156 = arith.constant 592 : i32
      %dma_wait3A_157 = tpu.memref_slice %arg5[%dma_wait3A_156] : memref<32768xf32, #tpu.memory_space<vmem>> -> memref<592xf32, #tpu.memory_space<vmem>>
      tpu.wait_dma2 semaphore(%arg7 : memref<!tpu.dma_semaphore, #tpu.memory_space<semaphore_mem>>) src(%dma_wait3A_157 : memref<592xf32, #tpu.memory_space<vmem>>) dst(%dma_wait3A_155 : memref<592xf32, #tpu.memory_space<hbm>>)
      %dma_wait3A_158 = arith.constant 1184 : i32
      %dma_wait3A_159 = tpu.memref_slice %arg5[%dma_wait3A_158] : memref<32768xf32, #tpu.memory_space<vmem>> -> memref<592xf32, #tpu.memory_space<vmem>>
      %dma_wait3A_160 = arith.constant 2999456 : i32
      %dma_wait3A_161 = tpu.memref_slice %arg4[%dma_wait3A_160] : memref<16000256xf32, #tpu.memory_space<hbm>> -> memref<592xf32, #tpu.memory_space<hbm>>
      %dma_wait3A_162 = arith.constant 2999456 : i32
      %dma_wait3A_163 = tpu.memref_slice %arg4[%dma_wait3A_162] : memref<16000256xf32, #tpu.memory_space<hbm>> -> memref<592xf32, #tpu.memory_space<hbm>>
      %dma_wait3A_164 = arith.constant 1184 : i32
      %dma_wait3A_165 = tpu.memref_slice %arg5[%dma_wait3A_164] : memref<32768xf32, #tpu.memory_space<vmem>> -> memref<592xf32, #tpu.memory_space<vmem>>
      tpu.wait_dma2 semaphore(%arg7 : memref<!tpu.dma_semaphore, #tpu.memory_space<semaphore_mem>>) src(%dma_wait3A_165 : memref<592xf32, #tpu.memory_space<vmem>>) dst(%dma_wait3A_163 : memref<592xf32, #tpu.memory_space<hbm>>)
      %dma_wait3A_166 = arith.constant 1776 : i32
      %dma_wait3A_167 = tpu.memref_slice %arg5[%dma_wait3A_166] : memref<32768xf32, #tpu.memory_space<vmem>> -> memref<592xf32, #tpu.memory_space<vmem>>
      %dma_wait3A_168 = arith.constant 3999472 : i32
      %dma_wait3A_169 = tpu.memref_slice %arg4[%dma_wait3A_168] : memref<16000256xf32, #tpu.memory_space<hbm>> -> memref<592xf32, #tpu.memory_space<hbm>>
      %dma_wait3A_170 = arith.constant 3999472 : i32
      %dma_wait3A_171 = tpu.memref_slice %arg4[%dma_wait3A_170] : memref<16000256xf32, #tpu.memory_space<hbm>> -> memref<592xf32, #tpu.memory_space<hbm>>
      %dma_wait3A_172 = arith.constant 1776 : i32
      %dma_wait3A_173 = tpu.memref_slice %arg5[%dma_wait3A_172] : memref<32768xf32, #tpu.memory_space<vmem>> -> memref<592xf32, #tpu.memory_space<vmem>>
      tpu.wait_dma2 semaphore(%arg7 : memref<!tpu.dma_semaphore, #tpu.memory_space<semaphore_mem>>) src(%dma_wait3A_173 : memref<592xf32, #tpu.memory_space<vmem>>) dst(%dma_wait3A_171 : memref<592xf32, #tpu.memory_space<hbm>>)
      %dma_wait3A_174 = arith.constant 2368 : i32
      %dma_wait3A_175 = tpu.memref_slice %arg5[%dma_wait3A_174] : memref<32768xf32, #tpu.memory_space<vmem>> -> memref<592xf32, #tpu.memory_space<vmem>>
      %dma_wait3A_176 = arith.constant 4999488 : i32
      %dma_wait3A_177 = tpu.memref_slice %arg4[%dma_wait3A_176] : memref<16000256xf32, #tpu.memory_space<hbm>> -> memref<592xf32, #tpu.memory_space<hbm>>
      %dma_wait3A_178 = arith.constant 4999488 : i32
      %dma_wait3A_179 = tpu.memref_slice %arg4[%dma_wait3A_178] : memref<16000256xf32, #tpu.memory_space<hbm>> -> memref<592xf32, #tpu.memory_space<hbm>>
      %dma_wait3A_180 = arith.constant 2368 : i32
      %dma_wait3A_181 = tpu.memref_slice %arg5[%dma_wait3A_180] : memref<32768xf32, #tpu.memory_space<vmem>> -> memref<592xf32, #tpu.memory_space<vmem>>
      tpu.wait_dma2 semaphore(%arg7 : memref<!tpu.dma_semaphore, #tpu.memory_space<semaphore_mem>>) src(%dma_wait3A_181 : memref<592xf32, #tpu.memory_space<vmem>>) dst(%dma_wait3A_179 : memref<592xf32, #tpu.memory_space<hbm>>)
      %dma_wait3A_182 = arith.constant 2960 : i32
      %dma_wait3A_183 = tpu.memref_slice %arg5[%dma_wait3A_182] : memref<32768xf32, #tpu.memory_space<vmem>> -> memref<592xf32, #tpu.memory_space<vmem>>
      %dma_wait3A_184 = arith.constant 5999504 : i32
      %dma_wait3A_185 = tpu.memref_slice %arg4[%dma_wait3A_184] : memref<16000256xf32, #tpu.memory_space<hbm>> -> memref<592xf32, #tpu.memory_space<hbm>>
      %dma_wait3A_186 = arith.constant 5999504 : i32
      %dma_wait3A_187 = tpu.memref_slice %arg4[%dma_wait3A_186] : memref<16000256xf32, #tpu.memory_space<hbm>> -> memref<592xf32, #tpu.memory_space<hbm>>
      %dma_wait3A_188 = arith.constant 2960 : i32
      %dma_wait3A_189 = tpu.memref_slice %arg5[%dma_wait3A_188] : memref<32768xf32, #tpu.memory_space<vmem>> -> memref<592xf32, #tpu.memory_space<vmem>>
      tpu.wait_dma2 semaphore(%arg7 : memref<!tpu.dma_semaphore, #tpu.memory_space<semaphore_mem>>) src(%dma_wait3A_189 : memref<592xf32, #tpu.memory_space<vmem>>) dst(%dma_wait3A_187 : memref<592xf32, #tpu.memory_space<hbm>>)
      %dma_wait3A_190 = arith.constant 3552 : i32
      %dma_wait3A_191 = tpu.memref_slice %arg5[%dma_wait3A_190] : memref<32768xf32, #tpu.memory_space<vmem>> -> memref<592xf32, #tpu.memory_space<vmem>>
      %dma_wait3A_192 = arith.constant 6999520 : i32
      %dma_wait3A_193 = tpu.memref_slice %arg4[%dma_wait3A_192] : memref<16000256xf32, #tpu.memory_space<hbm>> -> memref<592xf32, #tpu.memory_space<hbm>>
      %dma_wait3A_194 = arith.constant 6999520 : i32
      %dma_wait3A_195 = tpu.memref_slice %arg4[%dma_wait3A_194] : memref<16000256xf32, #tpu.memory_space<hbm>> -> memref<592xf32, #tpu.memory_space<hbm>>
      %dma_wait3A_196 = arith.constant 3552 : i32
      %dma_wait3A_197 = tpu.memref_slice %arg5[%dma_wait3A_196] : memref<32768xf32, #tpu.memory_space<vmem>> -> memref<592xf32, #tpu.memory_space<vmem>>
      tpu.wait_dma2 semaphore(%arg7 : memref<!tpu.dma_semaphore, #tpu.memory_space<semaphore_mem>>) src(%dma_wait3A_197 : memref<592xf32, #tpu.memory_space<vmem>>) dst(%dma_wait3A_195 : memref<592xf32, #tpu.memory_space<hbm>>)
      %dma_wait3A_198 = arith.constant 4144 : i32
      %dma_wait3A_199 = tpu.memref_slice %arg5[%dma_wait3A_198] : memref<32768xf32, #tpu.memory_space<vmem>> -> memref<592xf32, #tpu.memory_space<vmem>>
      %dma_wait3A_200 = arith.constant 7999536 : i32
      %dma_wait3A_201 = tpu.memref_slice %arg4[%dma_wait3A_200] : memref<16000256xf32, #tpu.memory_space<hbm>> -> memref<592xf32, #tpu.memory_space<hbm>>
      %dma_wait3A_202 = arith.constant 7999536 : i32
      %dma_wait3A_203 = tpu.memref_slice %arg4[%dma_wait3A_202] : memref<16000256xf32, #tpu.memory_space<hbm>> -> memref<592xf32, #tpu.memory_space<hbm>>
      %dma_wait3A_204 = arith.constant 4144 : i32
      %dma_wait3A_205 = tpu.memref_slice %arg5[%dma_wait3A_204] : memref<32768xf32, #tpu.memory_space<vmem>> -> memref<592xf32, #tpu.memory_space<vmem>>
      tpu.wait_dma2 semaphore(%arg7 : memref<!tpu.dma_semaphore, #tpu.memory_space<semaphore_mem>>) src(%dma_wait3A_205 : memref<592xf32, #tpu.memory_space<vmem>>) dst(%dma_wait3A_203 : memref<592xf32, #tpu.memory_space<hbm>>)
      %dma_wait3A_206 = arith.constant 4736 : i32
      %dma_wait3A_207 = tpu.memref_slice %arg5[%dma_wait3A_206] : memref<32768xf32, #tpu.memory_space<vmem>> -> memref<592xf32, #tpu.memory_space<vmem>>
      %dma_wait3A_208 = arith.constant 8999552 : i32
      %dma_wait3A_209 = tpu.memref_slice %arg4[%dma_wait3A_208] : memref<16000256xf32, #tpu.memory_space<hbm>> -> memref<592xf32, #tpu.memory_space<hbm>>
      %dma_wait3A_210 = arith.constant 8999552 : i32
      %dma_wait3A_211 = tpu.memref_slice %arg4[%dma_wait3A_210] : memref<16000256xf32, #tpu.memory_space<hbm>> -> memref<592xf32, #tpu.memory_space<hbm>>
      %dma_wait3A_212 = arith.constant 4736 : i32
      %dma_wait3A_213 = tpu.memref_slice %arg5[%dma_wait3A_212] : memref<32768xf32, #tpu.memory_space<vmem>> -> memref<592xf32, #tpu.memory_space<vmem>>
      tpu.wait_dma2 semaphore(%arg7 : memref<!tpu.dma_semaphore, #tpu.memory_space<semaphore_mem>>) src(%dma_wait3A_213 : memref<592xf32, #tpu.memory_space<vmem>>) dst(%dma_wait3A_211 : memref<592xf32, #tpu.memory_space<hbm>>)
      %dma_wait3A_214 = arith.constant 5328 : i32
      %dma_wait3A_215 = tpu.memref_slice %arg5[%dma_wait3A_214] : memref<32768xf32, #tpu.memory_space<vmem>> -> memref<592xf32, #tpu.memory_space<vmem>>
      %dma_wait3A_216 = arith.constant 9999568 : i32
      %dma_wait3A_217 = tpu.memref_slice %arg4[%dma_wait3A_216] : memref<16000256xf32, #tpu.memory_space<hbm>> -> memref<592xf32, #tpu.memory_space<hbm>>
      %dma_wait3A_218 = arith.constant 9999568 : i32
      %dma_wait3A_219 = tpu.memref_slice %arg4[%dma_wait3A_218] : memref<16000256xf32, #tpu.memory_space<hbm>> -> memref<592xf32, #tpu.memory_space<hbm>>
      %dma_wait3A_220 = arith.constant 5328 : i32
      %dma_wait3A_221 = tpu.memref_slice %arg5[%dma_wait3A_220] : memref<32768xf32, #tpu.memory_space<vmem>> -> memref<592xf32, #tpu.memory_space<vmem>>
      tpu.wait_dma2 semaphore(%arg7 : memref<!tpu.dma_semaphore, #tpu.memory_space<semaphore_mem>>) src(%dma_wait3A_221 : memref<592xf32, #tpu.memory_space<vmem>>) dst(%dma_wait3A_219 : memref<592xf32, #tpu.memory_space<hbm>>)
      %dma_wait3A_222 = arith.constant 5920 : i32
      %dma_wait3A_223 = tpu.memref_slice %arg5[%dma_wait3A_222] : memref<32768xf32, #tpu.memory_space<vmem>> -> memref<592xf32, #tpu.memory_space<vmem>>
      %dma_wait3A_224 = arith.constant 10999584 : i32
      %dma_wait3A_225 = tpu.memref_slice %arg4[%dma_wait3A_224] : memref<16000256xf32, #tpu.memory_space<hbm>> -> memref<592xf32, #tpu.memory_space<hbm>>
      %dma_wait3A_226 = arith.constant 10999584 : i32
      %dma_wait3A_227 = tpu.memref_slice %arg4[%dma_wait3A_226] : memref<16000256xf32, #tpu.memory_space<hbm>> -> memref<592xf32, #tpu.memory_space<hbm>>
      %dma_wait3A_228 = arith.constant 5920 : i32
      %dma_wait3A_229 = tpu.memref_slice %arg5[%dma_wait3A_228] : memref<32768xf32, #tpu.memory_space<vmem>> -> memref<592xf32, #tpu.memory_space<vmem>>
      tpu.wait_dma2 semaphore(%arg7 : memref<!tpu.dma_semaphore, #tpu.memory_space<semaphore_mem>>) src(%dma_wait3A_229 : memref<592xf32, #tpu.memory_space<vmem>>) dst(%dma_wait3A_227 : memref<592xf32, #tpu.memory_space<hbm>>)
      %dma_wait3A_230 = arith.constant 6512 : i32
      %dma_wait3A_231 = tpu.memref_slice %arg5[%dma_wait3A_230] : memref<32768xf32, #tpu.memory_space<vmem>> -> memref<592xf32, #tpu.memory_space<vmem>>
      %dma_wait3A_232 = arith.constant 11999600 : i32
      %dma_wait3A_233 = tpu.memref_slice %arg4[%dma_wait3A_232] : memref<16000256xf32, #tpu.memory_space<hbm>> -> memref<592xf32, #tpu.memory_space<hbm>>
      %dma_wait3A_234 = arith.constant 11999600 : i32
      %dma_wait3A_235 = tpu.memref_slice %arg4[%dma_wait3A_234] : memref<16000256xf32, #tpu.memory_space<hbm>> -> memref<592xf32, #tpu.memory_space<hbm>>
      %dma_wait3A_236 = arith.constant 6512 : i32
      %dma_wait3A_237 = tpu.memref_slice %arg5[%dma_wait3A_236] : memref<32768xf32, #tpu.memory_space<vmem>> -> memref<592xf32, #tpu.memory_space<vmem>>
      tpu.wait_dma2 semaphore(%arg7 : memref<!tpu.dma_semaphore, #tpu.memory_space<semaphore_mem>>) src(%dma_wait3A_237 : memref<592xf32, #tpu.memory_space<vmem>>) dst(%dma_wait3A_235 : memref<592xf32, #tpu.memory_space<hbm>>)
      %dma_wait3A_238 = arith.constant 7104 : i32
      %dma_wait3A_239 = tpu.memref_slice %arg5[%dma_wait3A_238] : memref<32768xf32, #tpu.memory_space<vmem>> -> memref<592xf32, #tpu.memory_space<vmem>>
      %dma_wait3A_240 = arith.constant 12999616 : i32
      %dma_wait3A_241 = tpu.memref_slice %arg4[%dma_wait3A_240] : memref<16000256xf32, #tpu.memory_space<hbm>> -> memref<592xf32, #tpu.memory_space<hbm>>
      %dma_wait3A_242 = arith.constant 12999616 : i32
      %dma_wait3A_243 = tpu.memref_slice %arg4[%dma_wait3A_242] : memref<16000256xf32, #tpu.memory_space<hbm>> -> memref<592xf32, #tpu.memory_space<hbm>>
      %dma_wait3A_244 = arith.constant 7104 : i32
      %dma_wait3A_245 = tpu.memref_slice %arg5[%dma_wait3A_244] : memref<32768xf32, #tpu.memory_space<vmem>> -> memref<592xf32, #tpu.memory_space<vmem>>
      tpu.wait_dma2 semaphore(%arg7 : memref<!tpu.dma_semaphore, #tpu.memory_space<semaphore_mem>>) src(%dma_wait3A_245 : memref<592xf32, #tpu.memory_space<vmem>>) dst(%dma_wait3A_243 : memref<592xf32, #tpu.memory_space<hbm>>)
      %dma_wait3A_246 = arith.constant 7696 : i32
      %dma_wait3A_247 = tpu.memref_slice %arg5[%dma_wait3A_246] : memref<32768xf32, #tpu.memory_space<vmem>> -> memref<592xf32, #tpu.memory_space<vmem>>
      %dma_wait3A_248 = arith.constant 13999632 : i32
      %dma_wait3A_249 = tpu.memref_slice %arg4[%dma_wait3A_248] : memref<16000256xf32, #tpu.memory_space<hbm>> -> memref<592xf32, #tpu.memory_space<hbm>>
      %dma_wait3A_250 = arith.constant 13999632 : i32
      %dma_wait3A_251 = tpu.memref_slice %arg4[%dma_wait3A_250] : memref<16000256xf32, #tpu.memory_space<hbm>> -> memref<592xf32, #tpu.memory_space<hbm>>
      %dma_wait3A_252 = arith.constant 7696 : i32
      %dma_wait3A_253 = tpu.memref_slice %arg5[%dma_wait3A_252] : memref<32768xf32, #tpu.memory_space<vmem>> -> memref<592xf32, #tpu.memory_space<vmem>>
      tpu.wait_dma2 semaphore(%arg7 : memref<!tpu.dma_semaphore, #tpu.memory_space<semaphore_mem>>) src(%dma_wait3A_253 : memref<592xf32, #tpu.memory_space<vmem>>) dst(%dma_wait3A_251 : memref<592xf32, #tpu.memory_space<hbm>>)
      %dma_wait3A_254 = arith.constant 8288 : i32
      %dma_wait3A_255 = tpu.memref_slice %arg5[%dma_wait3A_254] : memref<32768xf32, #tpu.memory_space<vmem>> -> memref<592xf32, #tpu.memory_space<vmem>>
      %dma_wait3A_256 = arith.constant 14999648 : i32
      %dma_wait3A_257 = tpu.memref_slice %arg4[%dma_wait3A_256] : memref<16000256xf32, #tpu.memory_space<hbm>> -> memref<592xf32, #tpu.memory_space<hbm>>
      %dma_wait3A_258 = arith.constant 14999648 : i32
      %dma_wait3A_259 = tpu.memref_slice %arg4[%dma_wait3A_258] : memref<16000256xf32, #tpu.memory_space<hbm>> -> memref<592xf32, #tpu.memory_space<hbm>>
      %dma_wait3A_260 = arith.constant 8288 : i32
      %dma_wait3A_261 = tpu.memref_slice %arg5[%dma_wait3A_260] : memref<32768xf32, #tpu.memory_space<vmem>> -> memref<592xf32, #tpu.memory_space<vmem>>
      tpu.wait_dma2 semaphore(%arg7 : memref<!tpu.dma_semaphore, #tpu.memory_space<semaphore_mem>>) src(%dma_wait3A_261 : memref<592xf32, #tpu.memory_space<vmem>>) dst(%dma_wait3A_259 : memref<592xf32, #tpu.memory_space<hbm>>)
      %dma_wait3A_262 = arith.constant 8880 : i32
      %dma_wait3A_263 = tpu.memref_slice %arg5[%dma_wait3A_262] : memref<32768xf32, #tpu.memory_space<vmem>> -> memref<592xf32, #tpu.memory_space<vmem>>
      %dma_wait3A_264 = arith.constant 15999664 : i32
      %dma_wait3A_265 = tpu.memref_slice %arg4[%dma_wait3A_264] : memref<16000256xf32, #tpu.memory_space<hbm>> -> memref<592xf32, #tpu.memory_space<hbm>>
      %dma_wait3A_266 = arith.constant 15999664 : i32
      %dma_wait3A_267 = tpu.memref_slice %arg4[%dma_wait3A_266] : memref<16000256xf32, #tpu.memory_space<hbm>> -> memref<592xf32, #tpu.memory_space<hbm>>
      %dma_wait3A_268 = arith.constant 8880 : i32
      %dma_wait3A_269 = tpu.memref_slice %arg5[%dma_wait3A_268] : memref<32768xf32, #tpu.memory_space<vmem>> -> memref<592xf32, #tpu.memory_space<vmem>>
      tpu.wait_dma2 semaphore(%arg7 : memref<!tpu.dma_semaphore, #tpu.memory_space<semaphore_mem>>) src(%dma_wait3A_269 : memref<592xf32, #tpu.memory_space<vmem>>) dst(%dma_wait3A_267 : memref<592xf32, #tpu.memory_space<hbm>>)
    } else {
    }
    return
  }
}

</mosaic_0001>

<sc_bundles>
// kernel: _sc_detile.3.cloned.1.call-start
scs
__scs_entry_jumppad:
0x0: {  	(pc) =	sbr.rel $0x88, $3  }
0x1: {  	(tag) =	ssettag $0x0;
	lr =	simm.s32 $0x1  }
0x2: {  	[smem:$0x3F9F] =	sst lr;
	_ =	strace $0xD0000000  }
0x3: {  	_ = 	snop  }
0x4: {  	_ = 	snop  }
0x5: {  	_ = 	snop  }
0x6: {  	_ = 	snop  }
0x7: {  	_ = 	snop  }
__scs_overlays_trampoline_lowered:
0x8: {  	[smem:$0x3FAE] =	sst s0  }
0x9: {  	[smem:$0x3FAF] =	sst s1  }
0xa: {  	[smem:$0x3FB0] =	sst s2  }
0xb: {  	[smem:$0x3FB1] =	sst s3  }
0xc: {  	[smem:$0x3FB2] =	sst s4  }
0xd: {  	[smem:$0x3FB3] =	sst s5  }
0xe: {  	[smem:$0x3FB4] =	sst s6  }
0xf: {  	[smem:$0x3FB5] =	sst s7  }
0x10: {  	[smem:$0x3FB6] =	sst s8  }
0x11: {  	[smem:$0x3FB7] =	sst s9;
	s0 =	simm.s32 @!p0 $0x0  }
0x12: {  	s1 =	sld [smem:$0x3F9D];
	s0 =	simm.s32 @p0 $0x1  }
0x13: {  	[smem:$0x3FB8] =	sst s0;
	s0 =	simm.s32 @!p1 $0x0  }
0x14: {  	s2 =	sld [smem:$0x3F9C];
	s0 =	simm.s32 @p1 $0x1  }
0x15: {  	[smem:$0x3FB9] =	sst s0;
	s0 =	simm.s32 @!p2 $0x0  }
0x16: {  	s3 =	sld [smem:$0x3FDB];
	s0 =	simm.s32 @p2 $0x1  }
0x17: {  	s4 =	simm.s32 $0x1BF5;
	[smem:$0x3FBB] =	sst s0  }
0x18: {  	s0 =	sld [smem:$0x3F9E];
	_ =	swait.ge [sflag:s4], $0x0  }
0x19: {  	s7 =	sld [smem:$0x3F9F]  }
0x1a: {  	s8 =	sadd.s32 $0xFFFFE003, lr  }
0x1b: {  	s9 =	sadd.s32 $0xFFFFFEF7, lr;
	s5 =	simm.s32 $0xFFFFFFFF;
	p2 =	slt.u32 s8, $0xFFFFF086  }
0x1c: {  	p1 =	slt.u32 s9, $0xF7A;
	s5 =	simm.s32 @!p2 $0x0  }
0x1d: {  	s5 =	simm.s32 @p1 $0x1;
	p0 =	seq.s32 s7, s2  }
0x1e: {  	s7 =	smul.u32 @!p0 $0xF7A, s2;
	p2 =	seq.s32 @!p0 s5, $0x0  }
0x1f: {  	s9 =	smul.u32 $0xF7A, s1;
	s8 =	simm.s32 @!p0 $0x1BF5;
	p2 =	por !p2, p0  }
0x20: {  	[sflag:s8] =	ssyncset.s32 @!p0 $0xFFFFF086;
	s6 =	sadd.s32 @!p0 s3, s7;
	s7 =	simm.s32 @!p0 $0x108  }
0x21: {  	s3 =	sadd.s32 s3, s9;
	s6 =	sadd.s32 @!p0 $0x88, s6;
	s7 =	simm.s32 @p2 $0x1082  }
0x22: {  	[simem:s7], [sflag:s8] =	dma.local @!p0 [hbm:s6], $0xF7A  }
0x23: {  	s9 =	sor.u32 $0xD0000000, s2;
	s6 =	simm.s32 $0x108;
	_ =	swait.ge @!p0 [sflag:s8], $0x0  }
0x24: {  	s3 =	sadd.s32 $0x88, s3;
	s6 =	simm.s32 @!p1 $0x1082;
	[sflag:s4] =	ssyncset.s32 $0xFFFFF086  }
0x25: {  	[simem:s6], [sflag:s4] =	dma.local [hbm:s3], $0xF7A  }
0x26: {  	[smem:$0x3F9F] =	sst s1;
	(tag) =	ssettag s2;
	_ =	strace s9  }
0x27: {  	s1 =	sld [smem:$0x3FAF]  }
0x28: {  	s2 =	sld [smem:$0x3FB0]  }
0x29: {  	s4 =	sld [smem:$0x3FB2]  }
0x2a: {  	p0 =	seq.s32 s5, $0x0;
	s5 =	sld [smem:$0x3FB3]  }
0x2b: {  	s6 =	sld [smem:$0x3FB4]  }
0x2c: {  	s7 =	sld [smem:$0x3FB5]  }
0x2d: {  	s3 =	simm.s32 $0x108;
	s8 =	sld [smem:$0x3FB6]  }
0x2e: {  	s3 =	simm.s32 @!p0 $0x1082;
	s9 =	sld [smem:$0x3FB7]  }
0x2f: {  	lr =	sadd.s32 s0, s3;
	s0 =	sld [smem:$0x3FAE]  }
0x30: {  	s3 =	sld [smem:$0x3FB1]  }
0x31: {  	[smem:$0x3FBA] =	sst s10  }
0x32: {  	s10 =	sld [smem:$0x3FB8];
	_ =	sdelay $0x3  }
0x33: {  	p0 =	seq.s32 s10, $0x1;
	s10 =	sld [smem:$0x3FBA];
	_ =	sdelay $0x3  }
0x34: {  	[smem:$0x3FBA] =	sst s10  }
0x35: {  	s10 =	sld [smem:$0x3FB9];
	_ =	sdelay $0x3  }
0x36: {  	p1 =	seq.s32 s10, $0x1;
	s10 =	sld [smem:$0x3FBA];
	_ =	sdelay $0x3  }
0x37: {  	[smem:$0x3FBA] =	sst s10  }
0x38: {  	s10 =	sld [smem:$0x3FBB]  }
0x39: {  	_ = 	snop;
	(pc) =	sbr.ind lr, $3  }
0x3a: {  	_ = 	snop  }
0x3b: {  	_ = 	snop  }
0x3c: {  	p2 =	seq.s32 s10, $0x1;
	s10 =	sld [smem:$0x3FBA]  }
0x3d: {  	_ =	shalt  }
0x3e: {  	_ =	shalt  }
0x3f: {  	_ =	shalt  }
0x40: {  	_ =	shalt  }
0x41: {  	_ =	shalt  }
0x42: {  	_ =	shalt  }
0x43: {  	_ =	shalt  }
0x44: {  	_ =	shalt  }
0x45: {  	_ =	shalt  }
0x46: {  	_ =	shalt  }
0x47: {  	_ =	shalt  }
0x48: {  	_ =	shalt  }
0x49: {  	_ =	shalt  }
0x4a: {  	_ =	shalt  }
0x4b: {  	_ =	shalt  }
0x4c: {  	_ =	shalt  }
0x4d: {  	_ =	shalt  }
0x4e: {  	_ =	shalt  }
0x4f: {  	_ =	shalt  }
0x50: {  	_ =	shalt  }
0x51: {  	_ =	shalt  }
0x52: {  	_ =	shalt  }
0x53: {  	_ =	shalt  }
0x54: {  	_ =	shalt  }
0x55: {  	_ =	shalt  }
0x56: {  	_ =	shalt  }
0x57: {  	_ =	shalt  }
0x58: {  	_ =	shalt  }
0x59: {  	_ =	shalt  }
0x5a: {  	_ =	shalt  }
0x5b: {  	_ =	shalt  }
0x5c: {  	_ =	shalt  }
0x5d: {  	_ =	shalt  }
0x5e: {  	_ =	shalt  }
0x5f: {  	_ =	shalt  }
0x60: {  	_ =	shalt  }
0x61: {  	_ =	shalt  }
0x62: {  	_ =	shalt  }
0x63: {  	_ =	shalt  }
0x64: {  	_ =	shalt  }
0x65: {  	_ =	shalt  }
0x66: {  	_ =	shalt  }
0x67: {  	_ =	shalt  }
0x68: {  	_ =	shalt  }
0x69: {  	_ =	shalt  }
0x6a: {  	_ =	shalt  }
0x6b: {  	_ =	shalt  }
0x6c: {  	_ =	shalt  }
0x6d: {  	_ =	shalt  }
0x6e: {  	_ =	shalt  }
0x6f: {  	_ =	shalt  }
0x70: {  	_ =	shalt  }
0x71: {  	_ =	shalt  }
0x72: {  	_ =	shalt  }
0x73: {  	_ =	shalt  }
0x74: {  	_ =	shalt  }
0x75: {  	_ =	shalt  }
0x76: {  	_ =	shalt  }
0x77: {  	_ =	shalt  }
0x78: {  	_ =	shalt  }
0x79: {  	_ =	shalt  }
0x7a: {  	_ =	shalt  }
0x7b: {  	_ =	shalt  }
0x7c: {  	_ =	shalt  }
0x7d: {  	_ =	shalt  }
0x7e: {  	_ =	shalt  }
0x7f: {  	_ =	shalt  }
0x80: {  	_ =	shalt  }
0x81: {  	_ =	shalt  }
0x82: {  	_ =	shalt  }
0x83: {  	_ =	shalt  }
0x84: {  	_ =	shalt  }
0x85: {  	_ =	shalt  }
0x86: {  	_ =	shalt  }
0x87: {  	_ =	shalt  }
.Lfunc_end0:
.L_simem_size_0:
called_computation_lowered:
.L_overlay_start_0:
0x88: {  	s2 =	sld [smem:$0x3FD9]  }
0x89: {  	s3 =	sld [smem:$0x3FFE];
	_ =	sdelay $0x1  }
0x8a: {  	s1 =	srdreg.scid  }
0x8b: {  	s0 =	sand.u32 $0x1, s1  }
0x8c: {  	s18 =	sshll.u32 s0, $0xA;
	s2 =	sadd.s32 s3, s2  }
0x8d: {  	s2 =	sadd.s32 s2, s18  }
0x8e: {  	[smem:$0x3FC6] =	sst s2  }
0x8f: {  	_ = 	snop  }
0x90: {  	s2 =	sld [smem:$0x3FC9]  }
0x91: {  	s19 =	sld [smem:$0x3FC8]  }
0x92: {  	s4 =	sld [smem:$0x3FD0];
	(tm) =	ssettm $0x1  }
0x93: {  	s5 =	sld [smem:$0x3FFB];
	_ =	sdelay $0x3  }
0x94: {  	_ =	strace s5  }
0x95: {  	s5 =	sld [smem:$0x3FFC];
	_ =	sdelay $0x3  }
0x96: {  	_ =	strace s5  }
0x97: {  	s5 =	sld [smem:$0x3FFD];
	_ =	sdelay $0x3  }
0x98: {  	_ =	strace s5  }
0x99: {  	_ =	strace $0x8FFFFFFF  }
0x9a: {  	s20 =	sld [smem:$0x3FDB];
	_ =	sdelay $0x1  }
0x9b: {  	s6 =	simm.s32 $_scs_section_size  }
0x9c: {  	s7 =	simm.s32 $_size__tile_overlayer_lowered;
	s8 =	simm.s32 $_tile_overlayer_lowered  }
0x9d: {  	s23 =	simm.s32 $0x1BFF;
	s22 =	sshll.u32 s8, $0x1;
	s5 =	sadd.s32 s6, s20  }
0x9e: {  	s9 =	simm.s32 $0x0;
	s21 =	sshll.u32 s7, $0x1;
	s7 =	sadd.s32 s22, s5  }
0x9f: {  	[timem:s9], [sflag:s23] =	dma.local [hbm:s7], s21  }
0xa0: {  	_ =	swait.ge [sflag:s23], s21  }
0xa1: {  	s6 =	ssub.s32 $0x0, s21;
	[sflag:s23] =	ssyncset.done $0x0  }
0xa2: {  	[sflag:s23] =	ssyncadd.s32 s6;
	_ =	sdelay $0x1  }
0xa3: {  	s24 =	simm.s32 $0x1B8B  }
0xa4: {  	_ =	swait.ge [sflag:s24], $0x1  }
0xa5: {  	[sflag:s24] =	ssyncset.done $0x0  }
0xa6: {  	s25 =	simm.s32 $0x1B8E;
	[sflag:s24] =	ssyncadd.s32 $0xFFFFFFFF  }
0xa7: {  	s26 =	simm.s32 $execute0_lowered;
	[smem:$0x3FD2] =	sst s25  }
0xa8: {  	s6 =	sshll.u32 s26, $0x1;
	_ =	strace $0x80000046;
	[dreg:$0x1] =	wrdreg $0xFFFFFFFF  }
0xa9: {  	s28 =	simm.s32 $_size_execute0_lowered;
	s5 =	sadd.s32 s5, s6;
	[dreg:$0x0] =	wrdreg $0x0  }
0xaa: {  	s6 =	sshll.u32 s28, $0x1;
	[dreg:$0x2] =	wrdreg s5  }
0xab: {  	[dreg:$0x3] =	wrdreg s6  }
0xac: {  	[dreg:$0x4] =	wrdreg $0xC0  }
0xad: {  	_ =	task [dreg:s9], $0x5FFFF  }
0xae: {  	[dreg:$0x1] =	wrdreg $0xFFFFFFFF  }
0xaf: {  	[dreg:$0x0] =	wrdreg $0x60  }
0xb0: {  	[dreg:$0x2] =	wrdreg s2  }
0xb1: {  	[dreg:$0x3] =	wrdreg s19  }
0xb2: {  	[dreg:$0x4] =	wrdreg s4  }
0xb3: {  	[dreg:$0x5] =	wrdreg $0x9  }
0xb4: {  	_ =	task.clear_ibuf [dreg:s9], $0x6FFFF;
	_ =	strace $0x90000046  }
0xb5: {  	s29 =	simm.s32 $0x9;
	_ =	strace $0x80000048  }
0xb6: {  	_ =	swait.ge [sflag:s29], $0x1  }
0xb7: {  	[sflag:s29] =	ssyncadd.s32 $0xFFFFFFFF  }
0xb8: {  	_ =	strace $0x90000048  }
0xb9: {  	_ =	sfence  }
0xba: {  	s30 =	sld [smem:$0x0];
	_ =	sdelay $0x2  }
0xbb: {  	s31 =	sshll.u32 s1, $0xD;
	s1 =	sshrl.u32 s1, $0x2  }
0xbc: {  	s3 =	sand.u32 $0x4000, s31;
	s1 =	sadd.s32 s1, s30  }
0xbd: {  	s0 =	sor.u32 s3, s0;
	s1 =	sshll.u32 s1, $0x11  }
0xbe: {  	s0 =	sor.u32 s1, s0  }
0xbf: {  	s0 =	sadd.s32 $0x8F2B, s0  }
0xc0: {  	[sflag:s0] =	ssyncadd.remote.s32 $0x1  }
0xc1: {  	_ =	sfence.sel $0xFFFF  }
0xc2: {  	[dreg:$0x0] =	wrdreg $0xFFFFFFFF;
	(pc) =	sbr.abs _section_cstart, $3  }
0xc3: {  	[dreg:$0x1] =	wrdreg $0xFFFFFFFF  }
0xc4: {  	_ =	task.clear_ibuf [dreg:s9], $0x2FFFF;
	_ =	strace $0x9FFFFFFF  }
0xc5: {  	(tm) =	ssettm $0x7FFFFFFF  }
tec
execute0_lowered:
.L_overlay_start_1:
0x0: {  	(tag) =	ssettag $0x1  }
0x1: {  	s1 =	rddreg [dreg:$0x0]  }
0x2: {  	s3 =	rddreg [dreg:$0x2];
	s5 =	simm.s32 $0x0  }
0x3: {  	[smem:$0x7FF] =	sst s5;
	s2 =	sadd.s32 $0x10, s1  }
0x4: {  	s19 =	sadd.s32 $0x20, s1;
	_ =	strace $0x80000047;
	[dreg:$0x4] =	wrdreg s2  }
0x5: {  	s20 =	sadd.s32 $0x30, s1;
	[dreg:$0x5] =	wrdreg s19  }
0x6: {  	s21 =	sadd.s32 $0x40, s1;
	[dreg:$0x6] =	wrdreg s20  }
0x7: {  	s22 =	sadd.s32 $0x50, s1;
	[dreg:$0x7] =	wrdreg s21  }
0x8: {  	s24 =	sadd.s32 $0x1E800, s3;
	[dreg:$0x8] =	wrdreg s22  }
0x9: {  	s25 =	sadd.s32 $0x3D04A, s3;
	[dreg:$0xb] =	wrdreg s24  }
0xa: {  	s26 =	sadd.s32 $0x5B894, s3;
	[dreg:$0xc] =	wrdreg s25  }
0xb: {  	s9 =	sadd.s32 $0x7A0DE, s3;
	[dreg:$0xd] =	wrdreg s26  }
0xc: {  	s10 =	sadd.s32 $0x98928, s3;
	[dreg:$0xe] =	wrdreg s9  }
0xd: {  	s0 =	srdreg.scid;
	s11 =	sadd.s32 $0xB7172, s3;
	[dreg:$0xf] =	wrdreg s10  }
0xe: {  	s8 =	stileid.u32;
	s12 =	sadd.s32 $0xD59BC, s3;
	[dreg:$0x10] =	wrdreg s11  }
0xf: {  	s28 =	simm.s32 $0x400;
	s13 =	sadd.s32 $0xF4206, s3;
	[dreg:$0x11] =	wrdreg s12  }
0x10: {  	s29 =	simm.s32 $0x800;
	s15 =	sadd.s32 $0x13129A, s3;
	[dreg:$0x12] =	wrdreg s13  }
0x11: {  	s30 =	simm.s32 $0x1000;
	s14 =	sadd.s32 $0x60, s1;
	[dreg:$0x14] =	wrdreg s15  }
0x12: {  	s31 =	simm.s32 $0x1800;
	s16 =	sadd.s32 $0x14FAE4, s3;
	[dreg:$0x9] =	wrdreg s14  }
0x13: {  	s0 =	sand.u32 $0x1, s0;
	s17 =	sadd.s32 $0x16E32E, s3;
	[dreg:$0x15] =	wrdreg s16  }
0x14: {  	s7 =	sshll.u32 s8, $0x1;
	s23 =	sadd.s32 $0x70, s1;
	[dreg:$0x16] =	wrdreg s17  }
0x15: {  	s18 =	sadd.s32 $0x18CB78, s3;
	s4 =	ssub.s32 $0x2, s0;
	[dreg:$0xa] =	wrdreg s23  }
0x16: {  	s9 =	sadd.s32 $0x112A50, s3;
	[dreg:$0x17] =	wrdreg s18;
	s19 =	sadd.s32 $0x1AB3C2, s3  }
0x17: {  	s20 =	sadd.s32 $0x1C9C0C, s3;
	s21 =	sshll.u32 s8, $0xC;
	s22 =	sshll.u32 s0, $0xB  }
0x18: {  	s23 =	sshll.u32 s8, $0xF;
	s25 =	sadd.s32 $0x1E8456, s3;
	s8 =	simm.s32 $0x4800  }
0x19: {  	s10 =	simm.s32 $0x5800;
	s11 =	simm.s32 $0x6000;
	s12 =	simm.s32 $0x6800  }
0x1a: {  	s13 =	simm.s32 $0x7000;
	s14 =	simm.s32 $0x7800;
	[dreg:$0x13] =	wrdreg s9  }
0x1b: {  	s15 =	simm.s32 $0x1;
	s16 =	simm.s32 $0x2;
	[dreg:$0x18] =	wrdreg s19  }
0x1c: {  	s6 =	sshrl.u32 s4, $0x1;
	[dreg:$0x19] =	wrdreg s20;
	s2 =	sor.u32 s22, s21  }
0x1d: {  	[dreg:$0x1a] =	wrdreg s25;
	s9 =	simm.s32 $0x5000;
	s22 =	simm.s32 $0x0  }
0x1e: {  	s4 =	ssub.s32 s4, s6;
	s6 =	sor.u32 s0, s7;
	s0 =	sshll.u32 s0, $0xE  }
0x1f: {  	s19 =	sadd.s32 $0x7A1280, s2;
	s2 =	simm.s32 $0x3000;
	s7 =	simm.s32 $0x4000  }
.Ltmp0:
0x20: {  	s0 =	sor.u32 s0, s23;
	s24 =	ssub.s32 $0x1E7, s6;
	(pc) =	sbr.rel .LBB2_1-.Ltmp0, $4  }
0x21: {  	p0 =	sne.s32 s6, $0x8;
	s4 =	smax.u32 s4, $0x1;
	s6 =	simm.s32 $0x3800  }
0x22: {  	[dreg:$0x1b] =	wrdreg s4;
	s26 =	sshrl.u32 s24, $0x5;
	s0 =	sadd.s32 $0x7A1780, s0  }
0x23: {  	s4 =	sxor.u32 $0xFFFFFFFF, s26;
	[dreg:$0x1d] =	wrdreg s0;
	s26 =	simm.s32 $0x80  }
0x24: {  	s0 =	simm.s32 $0x2000;
	[dreg:$0x1c] =	wrdreg s4;
	s4 =	simm.s32 $0x2800  }
.LBB2_9:
0x25: {  	s22 =	sadd.s32 $0x1, s22;
	s17 =	rddreg [dreg:$0x1b]  }
0x26: {  	p1 =	sne.s32 s22, s17  }
.Ltmp1:
0x27: {  	_ = 	snop;
	(pc) =	sbr.rel @!p1 .LBB2_10-.Ltmp1, $1  }
0x28: {  	_ =	sdelay $0x3  }
.LBB2_1:
0x29: {  	s17 =	rddreg [dreg:$0x1c]  }
0x2a: {  	s17 =	sadd.s32 $0x1, s17  }
0x2b: {  	p2 =	seq.s32 s17, $0x0  }
.Ltmp2:
0x2c: {  	_ = 	snop;
	(pc) =	sbr.rel @p2 .LBB2_2-.Ltmp2, $2  }
0x2d: {  	_ =	sdelay $0x2  }
0x2e: {  	s21 =	sadd.s32 $0xFF85ED80, s19;
	p1 =	por $0x0, $0x0  }
0x2f: {  	[dreg:$0x1e] =	wrdreg s22  }
0x30: {  	s24 =	sand.u32 $0x1FFFF800, s21;
	s25 =	rddreg [dreg:$0x4]  }
0x31: {  	s18 =	rddreg [dreg:$0x5];
	s23 =	sadd.s32 s1, s24  }
0x32: {  	[tilespmem:s5], [sflag:$0x1] =	stream.strided.gather [hbm4b:s23+s26], $0x800, s28, s26, $0x38;
	[tilespmem:$0x8000] =	vst v63  }
0x33: {  	s20 =	rddreg [dreg:$0x6];
	s25 =	sadd.s32 s24, s25  }
0x34: {  	[tilespmem:s29], [sflag:$0x1] =	stream.strided.gather [hbm4b:s25+s26], $0x800, s28, s26, $0x38;
	[tilespmem:$0x8000] =	vst v63  }
0x35: {  	s22 =	sadd.s32 s24, s18;
	s18 =	rddreg [dreg:$0x8]  }
0x36: {  	[tilespmem:s30], [sflag:$0x1] =	stream.strided.gather [hbm4b:s22+s26], $0x800, s28, s26, $0x38;
	[tilespmem:$0x8000] =	vst v63  }
0x37: {  	s23 =	rddreg [dreg:$0x7];
	s25 =	sadd.s32 s24, s20  }
0x38: {  	[tilespmem:s31], [sflag:$0x1] =	stream.strided.gather [hbm4b:s25+s26], $0x800, s28, s26, $0x38;
	[tilespmem:$0x8000] =	vst v63  }
0x39: {  	s20 =	rddreg [dreg:$0x9];
	s22 =	sadd.s32 s24, s23  }
0x3a: {  	[tilespmem:s0], [sflag:$0x1] =	stream.strided.gather [hbm4b:s22+s26], $0x800, s28, s26, $0x38;
	[tilespmem:$0x8000] =	vst v63  }
0x3b: {  	s25 =	sadd.s32 s24, s18;
	s18 =	rddreg [dreg:$0x1d]  }
0x3c: {  	[tilespmem:s4], [sflag:$0x1] =	stream.strided.gather [hbm4b:s25+s26], $0x800, s28, s26, $0x38;
	[tilespmem:$0x8000] =	vst v63  }
0x3d: {  	s23 =	rddreg [dreg:$0xa];
	s22 =	sadd.s32 s24, s20;
	s25 =	sadd.s32 $0xFFFFFC80, s18  }
0x3e: {  	[tilespmem:s2], [sflag:$0x1] =	stream.strided.gather [hbm4b:s22+s26], $0x800, s28, s26, $0x38;
	[tilespmem:$0x8000] =	vst v63  }
0x3f: {  	s24 =	sadd.s32 s24, s23;
	s23 =	sadd.s32 $0xFFFFFD00, s18;
	s20 =	sshrl.u32 s25, $0x3  }
0x40: {  	[tilespmem:s6], [sflag:$0x1] =	stream.strided.gather [hbm4b:s24+s26], $0x800, s28, s26, $0x38;
	[tilespmem:$0x8000] =	vst v63  }
0x41: {  	s25 =	sshrl.u32 s23, $0x3;
	s22 =	sadd.s32 s1, s20;
	s20 =	sadd.s32 $0xFFFFFD80, s18  }
0x42: {  	[tilespmem:s7], [sflag:$0x1] =	stream.strided.gather [hbm4b:s22+s26], $0x800, s28, s26, $0x38;
	[tilespmem:$0x8000] =	vst v63  }
0x43: {  	s23 =	sadd.s32 $0xFFFFFE00, s18;
	s24 =	sshrl.u32 s20, $0x3;
	s22 =	sadd.s32 s1, s25  }
0x44: {  	[tilespmem:s8], [sflag:$0x1] =	stream.strided.gather [hbm4b:s22+s26], $0x800, s28, s26, $0x38;
	[tilespmem:$0x8000] =	vst v63  }
0x45: {  	s24 =	sadd.s32 s1, s24;
	s25 =	sadd.s32 $0xFFFFFE80, s18;
	s22 =	sshrl.u32 s23, $0x3  }
0x46: {  	[tilespmem:s9], [sflag:$0x1] =	stream.strided.gather [hbm4b:s24+s26], $0x800, s28, s26, $0x38;
	[tilespmem:$0x8000] =	vst v63  }
0x47: {  	s20 =	sadd.s32 $0xFFFFFF00, s18;
	s22 =	sadd.s32 s1, s22;
	s24 =	sshrl.u32 s25, $0x3  }
0x48: {  	[tilespmem:s10], [sflag:$0x1] =	stream.strided.gather [hbm4b:s22+s26], $0x800, s28, s26, $0x38;
	[tilespmem:$0x8000] =	vst v63  }
0x49: {  	s23 =	sadd.s32 $0xFFFFFF80, s18;
	s24 =	sadd.s32 s1, s24;
	s22 =	sshrl.u32 s20, $0x3  }
0x4a: {  	[tilespmem:s11], [sflag:$0x1] =	stream.strided.gather [hbm4b:s24+s26], $0x800, s28, s26, $0x38;
	[tilespmem:$0x8000] =	vst v63  }
0x4b: {  	s22 =	sadd.s32 s1, s22;
	s24 =	sshrl.u32 s23, $0x3  }
0x4c: {  	[tilespmem:s12], [sflag:$0x1] =	stream.strided.gather [hbm4b:s22+s26], $0x800, s28, s26, $0x38;
	[tilespmem:$0x8000] =	vst v63  }
0x4d: {  	s20 =	sshrl.u32 s18, $0x3;
	s25 =	sadd.s32 s1, s24  }
0x4e: {  	[tilespmem:s13], [sflag:$0x1] =	stream.strided.gather [hbm4b:s25+s26], $0x800, s28, s26, $0x38;
	[tilespmem:$0x8000] =	vst v63  }
0x4f: {  	s23 =	sadd.s32 s1, s20  }
0x50: {  	[tilespmem:s14], [sflag:$0x1] =	stream.strided.gather [hbm4b:s23+s26], $0x800, s28, s26, $0x38;
	[tilespmem:$0x8000] =	vst v63  }
0x51: {  	_ =	swait.ge [sflag:s15], $0x800  }
0x52: {  	[sflag:s15] =	ssyncset.done $0x0  }
0x53: {  	[sflag:s15] =	ssyncadd.s32 $0xFFFFF800  }
0x54: {  	_ =	swait.ge [sflag:s15], $0x800  }
0x55: {  	[sflag:s15] =	ssyncset.done $0x0  }
0x56: {  	[sflag:s15] =	ssyncadd.s32 $0xFFFFF800  }
0x57: {  	_ =	swait.ge [sflag:s15], $0x800  }
0x58: {  	[sflag:s15] =	ssyncset.done $0x0  }
0x59: {  	[sflag:s15] =	ssyncadd.s32 $0xFFFFF800  }
0x5a: {  	_ =	swait.ge [sflag:s15], $0x800  }
0x5b: {  	[sflag:s15] =	ssyncset.done $0x0  }
0x5c: {  	[sflag:s15] =	ssyncadd.s32 $0xFFFFF800  }
0x5d: {  	_ =	swait.ge [sflag:s15], $0x800  }
0x5e: {  	[sflag:s15] =	ssyncset.done $0x0  }
0x5f: {  	[sflag:s15] =	ssyncadd.s32 $0xFFFFF800  }
0x60: {  	_ =	swait.ge [sflag:s15], $0x800  }
0x61: {  	[sflag:s15] =	ssyncset.done $0x0  }
0x62: {  	[sflag:s15] =	ssyncadd.s32 $0xFFFFF800  }
0x63: {  	_ =	swait.ge [sflag:s15], $0x800  }
0x64: {  	[sflag:s15] =	ssyncset.done $0x0  }
0x65: {  	[sflag:s15] =	ssyncadd.s32 $0xFFFFF800  }
0x66: {  	_ =	swait.ge [sflag:s15], $0x800  }
0x67: {  	[sflag:s15] =	ssyncset.done $0x0  }
0x68: {  	[sflag:s15] =	ssyncadd.s32 $0xFFFFF800  }
0x69: {  	_ =	swait.ge [sflag:s15], $0x800  }
0x6a: {  	[sflag:s15] =	ssyncset.done $0x0  }
0x6b: {  	[sflag:s15] =	ssyncadd.s32 $0xFFFFF800  }
0x6c: {  	_ =	swait.ge [sflag:s15], $0x800  }
0x6d: {  	[sflag:s15] =	ssyncset.done $0x0  }
0x6e: {  	[sflag:s15] =	ssyncadd.s32 $0xFFFFF800  }
0x6f: {  	_ =	swait.ge [sflag:s15], $0x800  }
0x70: {  	[sflag:s15] =	ssyncset.done $0x0  }
0x71: {  	[sflag:s15] =	ssyncadd.s32 $0xFFFFF800  }
0x72: {  	_ =	swait.ge [sflag:s15], $0x800  }
0x73: {  	[sflag:s15] =	ssyncset.done $0x0  }
0x74: {  	[sflag:s15] =	ssyncadd.s32 $0xFFFFF800  }
0x75: {  	_ =	swait.ge [sflag:s15], $0x800  }
0x76: {  	[sflag:s15] =	ssyncset.done $0x0  }
0x77: {  	[sflag:s15] =	ssyncadd.s32 $0xFFFFF800  }
0x78: {  	_ =	swait.ge [sflag:s15], $0x800  }
0x79: {  	[sflag:s15] =	ssyncset.done $0x0  }
0x7a: {  	[sflag:s15] =	ssyncadd.s32 $0xFFFFF800  }
0x7b: {  	_ =	swait.ge [sflag:s15], $0x800  }
0x7c: {  	[sflag:s15] =	ssyncset.done $0x0  }
0x7d: {  	[sflag:s15] =	ssyncadd.s32 $0xFFFFF800  }
0x7e: {  	s20 =	sadd.s32 $0xFFA47220, s19;
	_ =	swait.ge [sflag:s15], $0x800  }
0x7f: {  	s24 =	sshrl.u32 s21, $0x3;
	s25 =	sadd.s32 $0xFF952FD0, s19;
	[sflag:s15] =	ssyncset.done $0x0  }
0x80: {  	s21 =	sadd.s32 s3, s24;
	s22 =	sshrl.u32 s25, $0x3;
	[sflag:s15] =	ssyncadd.s32 $0xFFFFF800  }
0x81: {  	[hbm4b:s21+s5] =	stream.linear.scatter [tilespmem:s5], [sflag:$0x2], $0x800, $0x38;
	[tilespmem:$0x8000] =	vst v63  }
0x82: {  	s24 =	sshrl.u32 s20, $0x3;
	s23 =	sadd.s32 $0xFFB3B470, s19;
	s22 =	sadd.s32 s3, s22  }
0x83: {  	[hbm4b:s22+s5] =	stream.linear.scatter [tilespmem:s29], [sflag:$0x2], $0x800, $0x38;
	[tilespmem:$0x8000] =	vst v63  }
0x84: {  	s24 =	sadd.s32 s3, s24;
	s25 =	sadd.s32 $0xFFC2F6C0, s19;
	s21 =	sshrl.u32 s23, $0x3  }
0x85: {  	[hbm4b:s24+s5] =	stream.linear.scatter [tilespmem:s30], [sflag:$0x2], $0x800, $0x38;
	[tilespmem:$0x8000] =	vst v63  }
0x86: {  	s20 =	sadd.s32 $0xFFD23910, s19;
	s21 =	sadd.s32 s3, s21;
	s22 =	sshrl.u32 s25, $0x3  }
0x87: {  	[hbm4b:s21+s5] =	stream.linear.scatter [tilespmem:s31], [sflag:$0x2], $0x800, $0x38;
	[tilespmem:$0x8000] =	vst v63  }
0x88: {  	s23 =	sadd.s32 $0xFFE17B60, s19;
	s22 =	sadd.s32 s3, s22;
	s24 =	sshrl.u32 s20, $0x3  }
0x89: {  	[hbm4b:s22+s5] =	stream.linear.scatter [tilespmem:s0], [sflag:$0x2], $0x800, $0x38;
	[tilespmem:$0x8000] =	vst v63  }
0x8a: {  	s25 =	sadd.s32 $0xFFF0BDB0, s19;
	s24 =	sadd.s32 s3, s24;
	s21 =	sshrl.u32 s23, $0x3  }
0x8b: {  	[hbm4b:s24+s5] =	stream.linear.scatter [tilespmem:s4], [sflag:$0x2], $0x800, $0x38;
	[tilespmem:$0x8000] =	vst v63  }
0x8c: {  	s21 =	sadd.s32 s3, s21;
	s22 =	sshrl.u32 s25, $0x3  }
0x8d: {  	[hbm4b:s21+s5] =	stream.linear.scatter [tilespmem:s2], [sflag:$0x2], $0x800, $0x38;
	[tilespmem:$0x8000] =	vst v63  }
0x8e: {  	s20 =	sadd.s32 $0xF4250, s19;
	s23 =	sshrl.u32 s19, $0x3;
	s22 =	sadd.s32 s3, s22  }
0x8f: {  	[hbm4b:s22+s5] =	stream.linear.scatter [tilespmem:s6], [sflag:$0x2], $0x800, $0x38;
	[tilespmem:$0x8000] =	vst v63  }
0x90: {  	s25 =	sadd.s32 $0x1E84A0, s19;
	s24 =	sadd.s32 s3, s23;
	s21 =	sshrl.u32 s20, $0x3  }
0x91: {  	[hbm4b:s24+s5] =	stream.linear.scatter [tilespmem:s7], [sflag:$0x2], $0x800, $0x38;
	[tilespmem:$0x8000] =	vst v63  }
0x92: {  	s20 =	sadd.s32 $0x2DC6F0, s19;
	s21 =	sadd.s32 s3, s21;
	s22 =	sshrl.u32 s25, $0x3  }
0x93: {  	[hbm4b:s21+s5] =	stream.linear.scatter [tilespmem:s8], [sflag:$0x2], $0x800, $0x38;
	[tilespmem:$0x8000] =	vst v63  }
0x94: {  	s23 =	sadd.s32 $0x3D0940, s19;
	s22 =	sadd.s32 s3, s22;
	s24 =	sshrl.u32 s20, $0x3  }
0x95: {  	[hbm4b:s22+s5] =	stream.linear.scatter [tilespmem:s9], [sflag:$0x2], $0x800, $0x38;
	[tilespmem:$0x8000] =	vst v63  }
0x96: {  	s25 =	sadd.s32 $0x4C4B90, s19;
	s24 =	sadd.s32 s3, s24;
	s21 =	sshrl.u32 s23, $0x3  }
0x97: {  	[hbm4b:s24+s5] =	stream.linear.scatter [tilespmem:s10], [sflag:$0x2], $0x800, $0x38;
	[tilespmem:$0x8000] =	vst v63  }
0x98: {  	s20 =	sadd.s32 $0x5B8DE0, s19;
	s21 =	sadd.s32 s3, s21;
	s22 =	sshrl.u32 s25, $0x3  }
0x99: {  	[hbm4b:s21+s5] =	stream.linear.scatter [tilespmem:s11], [sflag:$0x2], $0x800, $0x38;
	[tilespmem:$0x8000] =	vst v63  }
0x9a: {  	s23 =	sadd.s32 $0x6AD030, s19;
	s22 =	sadd.s32 s3, s22;
	s24 =	sshrl.u32 s20, $0x3  }
0x9b: {  	[hbm4b:s22+s5] =	stream.linear.scatter [tilespmem:s12], [sflag:$0x2], $0x800, $0x38;
	[tilespmem:$0x8000] =	vst v63  }
0x9c: {  	s25 =	sadd.s32 s3, s24;
	s21 =	sshrl.u32 s23, $0x3  }
0x9d: {  	[hbm4b:s25+s5] =	stream.linear.scatter [tilespmem:s13], [sflag:$0x2], $0x800, $0x38;
	[tilespmem:$0x8000] =	vst v63  }
0x9e: {  	s21 =	sadd.s32 s3, s21  }
0x9f: {  	[hbm4b:s21+s5] =	stream.linear.scatter [tilespmem:s14], [sflag:$0x2], $0x800, $0x38;
	[tilespmem:$0x8000] =	vst v63  }
0xa0: {  	_ =	swait.ge [sflag:s16], $0x800  }
0xa1: {  	[sflag:s16] =	ssyncset.done $0x0  }
0xa2: {  	[sflag:s16] =	ssyncadd.s32 $0xFFFFF800  }
0xa3: {  	_ =	swait.ge [sflag:s16], $0x800  }
0xa4: {  	[sflag:s16] =	ssyncset.done $0x0  }
0xa5: {  	[sflag:s16] =	ssyncadd.s32 $0xFFFFF800  }
0xa6: {  	_ =	swait.ge [sflag:s16], $0x800  }
0xa7: {  	[sflag:s16] =	ssyncset.done $0x0  }
0xa8: {  	[sflag:s16] =	ssyncadd.s32 $0xFFFFF800  }
0xa9: {  	_ =	swait.ge [sflag:s16], $0x800  }
0xaa: {  	[sflag:s16] =	ssyncset.done $0x0  }
0xab: {  	[sflag:s16] =	ssyncadd.s32 $0xFFFFF800  }
0xac: {  	_ =	swait.ge [sflag:s16], $0x800  }
0xad: {  	[sflag:s16] =	ssyncset.done $0x0  }
0xae: {  	[sflag:s16] =	ssyncadd.s32 $0xFFFFF800  }
0xaf: {  	_ =	swait.ge [sflag:s16], $0x800  }
0xb0: {  	[sflag:s16] =	ssyncset.done $0x0  }
0xb1: {  	[sflag:s16] =	ssyncadd.s32 $0xFFFFF800  }
0xb2: {  	_ =	swait.ge [sflag:s16], $0x800  }
0xb3: {  	[sflag:s16] =	ssyncset.done $0x0  }
0xb4: {  	[sflag:s16] =	ssyncadd.s32 $0xFFFFF800  }
0xb5: {  	_ =	swait.ge [sflag:s16], $0x800  }
0xb6: {  	[sflag:s16] =	ssyncset.done $0x0  }
0xb7: {  	[sflag:s16] =	ssyncadd.s32 $0xFFFFF800  }
0xb8: {  	_ =	swait.ge [sflag:s16], $0x800  }
0xb9: {  	[sflag:s16] =	ssyncset.done $0x0  }
0xba: {  	[sflag:s16] =	ssyncadd.s32 $0xFFFFF800  }
0xbb: {  	_ =	swait.ge [sflag:s16], $0x800  }
0xbc: {  	[sflag:s16] =	ssyncset.done $0x0  }
0xbd: {  	[sflag:s16] =	ssyncadd.s32 $0xFFFFF800  }
0xbe: {  	_ =	swait.ge [sflag:s16], $0x800  }
0xbf: {  	[sflag:s16] =	ssyncset.done $0x0  }
0xc0: {  	[sflag:s16] =	ssyncadd.s32 $0xFFFFF800  }
0xc1: {  	_ =	swait.ge [sflag:s16], $0x800  }
0xc2: {  	[sflag:s16] =	ssyncset.done $0x0  }
0xc3: {  	[sflag:s16] =	ssyncadd.s32 $0xFFFFF800  }
0xc4: {  	_ =	swait.ge [sflag:s16], $0x800  }
0xc5: {  	[sflag:s16] =	ssyncset.done $0x0  }
0xc6: {  	[sflag:s16] =	ssyncadd.s32 $0xFFFFF800  }
0xc7: {  	s17 =	sadd.s32 $0x1, s17;
	_ =	swait.ge [sflag:s16], $0x800  }
0xc8: {  	p2 =	seq.s32 s17, $0x0;
	[sflag:s16] =	ssyncset.done $0x0  }
.Ltmp3:
0xc9: {  	[sflag:s16] =	ssyncadd.s32 $0xFFFFF800;
	(pc) =	sbr.rel @p2 .LBB2_4-.Ltmp3, $4  }
0xca: {  	_ =	swait.ge [sflag:s16], $0x800  }
0xcb: {  	[sflag:s16] =	ssyncset.done $0x0  }
0xcc: {  	p1 =	por $0x1, $0x1;
	s24 =	sadd.s32 $0x10000, s19;
	[sflag:s16] =	ssyncadd.s32 $0xFFFFF800  }
0xcd: {  	s25 =	sadd.s32 $0x80000, s18;
	s21 =	sadd.s32 $0xFF85ED80, s24;
	_ =	swait.ge [sflag:s16], $0x800  }
.LBB2_5:
0xce: {  	s22 =	sand.u32 $0x1FFFF800, s21;
	[sflag:s16] =	ssyncset.done $0x0  }
0xcf: {  	s23 =	rddreg [dreg:$0x4];
	s18 =	sadd.s32 s1, s22;
	[sflag:s16] =	ssyncadd.s32 $0xFFFFF800  }
0xd0: {  	[tilespmem:s5], [sflag:$0x1] =	stream.strided.gather [hbm4b:s18+s26], $0x800, s28, s26, $0x38;
	[tilespmem:$0x8000] =	vst v63  }
0xd1: {  	s20 =	rddreg [dreg:$0x5];
	s18 =	sadd.s32 s22, s23  }
0xd2: {  	[tilespmem:s29], [sflag:$0x1] =	stream.strided.gather [hbm4b:s18+s26], $0x800, s28, s26, $0x38;
	[tilespmem:$0x8000] =	vst v63  }
0xd3: {  	s23 =	rddreg [dreg:$0x6];
	s18 =	sadd.s32 s22, s20  }
0xd4: {  	[tilespmem:s30], [sflag:$0x1] =	stream.strided.gather [hbm4b:s18+s26], $0x800, s28, s26, $0x38;
	[tilespmem:$0x8000] =	vst v63  }
0xd5: {  	s20 =	rddreg [dreg:$0x7];
	s18 =	sadd.s32 s22, s23  }
0xd6: {  	[tilespmem:s31], [sflag:$0x1] =	stream.strided.gather [hbm4b:s18+s26], $0x800, s28, s26, $0x38;
	[tilespmem:$0x8000] =	vst v63  }
0xd7: {  	s23 =	rddreg [dreg:$0x8];
	s18 =	sadd.s32 s22, s20  }
0xd8: {  	[tilespmem:s0], [sflag:$0x1] =	stream.strided.gather [hbm4b:s18+s26], $0x800, s28, s26, $0x38;
	[tilespmem:$0x8000] =	vst v63  }
0xd9: {  	s20 =	rddreg [dreg:$0x9];
	s18 =	sadd.s32 s22, s23  }
0xda: {  	[tilespmem:s4], [sflag:$0x1] =	stream.strided.gather [hbm4b:s18+s26], $0x800, s28, s26, $0x38;
	[tilespmem:$0x8000] =	vst v63  }
0xdb: {  	s20 =	sadd.s32 s22, s20;
	s23 =	rddreg [dreg:$0xa]  }
0xdc: {  	[tilespmem:s2], [sflag:$0x1] =	stream.strided.gather [hbm4b:s20+s26], $0x800, s28, s26, $0x38;
	[tilespmem:$0x8000] =	vst v63  }
0xdd: {  	s22 =	sadd.s32 s22, s23;
	s23 =	sadd.s32 $0xFFFFFC80, s25  }
0xde: {  	[tilespmem:s6], [sflag:$0x1] =	stream.strided.gather [hbm4b:s22+s26], $0x800, s28, s26, $0x38;
	[tilespmem:$0x8000] =	vst v63  }
0xdf: {  	s20 =	sshrl.u32 s23, $0x3;
	s22 =	sadd.s32 $0xFFFFFD00, s25  }
0xe0: {  	s23 =	sadd.s32 $0xFFFFFD80, s25;
	s18 =	sadd.s32 s1, s20;
	s20 =	sshrl.u32 s22, $0x3  }
0xe1: {  	[tilespmem:s7], [sflag:$0x1] =	stream.strided.gather [hbm4b:s18+s26], $0x800, s28, s26, $0x38;
	[tilespmem:$0x8000] =	vst v63  }
0xe2: {  	s22 =	sshrl.u32 s23, $0x3;
	s23 =	sadd.s32 $0xFFFFFE00, s25;
	s20 =	sadd.s32 s1, s20  }
0xe3: {  	[tilespmem:s8], [sflag:$0x1] =	stream.strided.gather [hbm4b:s20+s26], $0x800, s28, s26, $0x38;
	[tilespmem:$0x8000] =	vst v63  }
0xe4: {  	s20 =	sadd.s32 s1, s22;
	s22 =	sshrl.u32 s23, $0x3;
	s23 =	sadd.s32 $0xFFFFFE80, s25  }
0xe5: {  	[tilespmem:s9], [sflag:$0x1] =	stream.strided.gather [hbm4b:s20+s26], $0x800, s28, s26, $0x38;
	[tilespmem:$0x8000] =	vst v63  }
0xe6: {  	s20 =	sadd.s32 s1, s22;
	s22 =	sshrl.u32 s23, $0x3;
	s23 =	sadd.s32 $0xFFFFFF00, s25  }
0xe7: {  	[tilespmem:s10], [sflag:$0x1] =	stream.strided.gather [hbm4b:s20+s26], $0x800, s28, s26, $0x38;
	[tilespmem:$0x8000] =	vst v63  }
0xe8: {  	s20 =	sadd.s32 s1, s22;
	s22 =	sshrl.u32 s23, $0x3;
	s23 =	sadd.s32 $0xFFFFFF80, s25  }
0xe9: {  	[tilespmem:s11], [sflag:$0x1] =	stream.strided.gather [hbm4b:s20+s26], $0x800, s28, s26, $0x38;
	[tilespmem:$0x8000] =	vst v63  }
0xea: {  	s23 =	sshrl.u32 s23, $0x3;
	s20 =	sadd.s32 s1, s22  }
0xeb: {  	[tilespmem:s12], [sflag:$0x1] =	stream.strided.gather [hbm4b:s20+s26], $0x800, s28, s26, $0x38;
	[tilespmem:$0x8000] =	vst v63  }
0xec: {  	s22 =	sshrl.u32 s25, $0x3;
	s20 =	sadd.s32 s1, s23  }
0xed: {  	[tilespmem:s13], [sflag:$0x1] =	stream.strided.gather [hbm4b:s20+s26], $0x800, s28, s26, $0x38;
	[tilespmem:$0x8000] =	vst v63  }
0xee: {  	s23 =	sadd.s32 s1, s22  }
0xef: {  	[tilespmem:s14], [sflag:$0x1] =	stream.strided.gather [hbm4b:s23+s26], $0x800, s28, s26, $0x38;
	[tilespmem:$0x8000] =	vst v63  }
0xf0: {  	_ =	swait.ge [sflag:s15], $0x800  }
0xf1: {  	[sflag:s15] =	ssyncset.done $0x0  }
0xf2: {  	[sflag:s15] =	ssyncadd.s32 $0xFFFFF800  }
0xf3: {  	_ =	swait.ge [sflag:s15], $0x800  }
0xf4: {  	[sflag:s15] =	ssyncset.done $0x0  }
0xf5: {  	[sflag:s15] =	ssyncadd.s32 $0xFFFFF800  }
0xf6: {  	_ =	swait.ge [sflag:s15], $0x800  }
0xf7: {  	[sflag:s15] =	ssyncset.done $0x0  }
0xf8: {  	[sflag:s15] =	ssyncadd.s32 $0xFFFFF800  }
0xf9: {  	_ =	swait.ge [sflag:s15], $0x800  }
0xfa: {  	[sflag:s15] =	ssyncset.done $0x0  }
0xfb: {  	[sflag:s15] =	ssyncadd.s32 $0xFFFFF800  }
0xfc: {  	_ =	swait.ge [sflag:s15], $0x800  }
0xfd: {  	[sflag:s15] =	ssyncset.done $0x0  }
0xfe: {  	[sflag:s15] =	ssyncadd.s32 $0xFFFFF800  }
0xff: {  	_ =	swait.ge [sflag:s15], $0x800  }
0x100: {  	[sflag:s15] =	ssyncset.done $0x0  }
0x101: {  	[sflag:s15] =	ssyncadd.s32 $0xFFFFF800  }
0x102: {  	_ =	swait.ge [sflag:s15], $0x800  }
0x103: {  	[sflag:s15] =	ssyncset.done $0x0  }
0x104: {  	[sflag:s15] =	ssyncadd.s32 $0xFFFFF800  }
0x105: {  	_ =	swait.ge [sflag:s15], $0x800  }
0x106: {  	[sflag:s15] =	ssyncset.done $0x0  }
0x107: {  	[sflag:s15] =	ssyncadd.s32 $0xFFFFF800  }
0x108: {  	_ =	swait.ge [sflag:s15], $0x800  }
0x109: {  	[sflag:s15] =	ssyncset.done $0x0  }
0x10a: {  	[sflag:s15] =	ssyncadd.s32 $0xFFFFF800  }
0x10b: {  	_ =	swait.ge [sflag:s15], $0x800  }
0x10c: {  	[sflag:s15] =	ssyncset.done $0x0  }
0x10d: {  	[sflag:s15] =	ssyncadd.s32 $0xFFFFF800  }
0x10e: {  	_ =	swait.ge [sflag:s15], $0x800  }
0x10f: {  	[sflag:s15] =	ssyncset.done $0x0  }
0x110: {  	[sflag:s15] =	ssyncadd.s32 $0xFFFFF800  }
0x111: {  	_ =	swait.ge [sflag:s15], $0x800  }
0x112: {  	[sflag:s15] =	ssyncset.done $0x0  }
0x113: {  	[sflag:s15] =	ssyncadd.s32 $0xFFFFF800  }
0x114: {  	_ =	swait.ge [sflag:s15], $0x800  }
0x115: {  	[sflag:s15] =	ssyncset.done $0x0  }
0x116: {  	[sflag:s15] =	ssyncadd.s32 $0xFFFFF800  }
0x117: {  	_ =	swait.ge [sflag:s15], $0x800  }
0x118: {  	[sflag:s15] =	ssyncset.done $0x0  }
0x119: {  	[sflag:s15] =	ssyncadd.s32 $0xFFFFF800  }
0x11a: {  	_ =	swait.ge [sflag:s15], $0x800  }
0x11b: {  	[sflag:s15] =	ssyncset.done $0x0  }
0x11c: {  	[sflag:s15] =	ssyncadd.s32 $0xFFFFF800  }
0x11d: {  	s22 =	sadd.s32 $0xFFA47220, s24;
	_ =	swait.ge [sflag:s15], $0x800  }
0x11e: {  	s20 =	sshrl.u32 s21, $0x3;
	s21 =	sadd.s32 $0xFF952FD0, s24;
	[sflag:s15] =	ssyncset.done $0x0  }
0x11f: {  	s18 =	sadd.s32 s3, s20;
	s20 =	sshrl.u32 s21, $0x3;
	[sflag:s15] =	ssyncadd.s32 $0xFFFFF800  }
0x120: {  	[hbm4b:s18+s5] =	stream.linear.scatter [tilespmem:s5], [sflag:$0x2], $0x800, $0x38;
	[tilespmem:$0x8000] =	vst v63  }
0x121: {  	s21 =	sshrl.u32 s22, $0x3;
	s23 =	sadd.s32 $0xFFB3B470, s24;
	s20 =	sadd.s32 s3, s20  }
0x122: {  	[hbm4b:s20+s5] =	stream.linear.scatter [tilespmem:s29], [sflag:$0x2], $0x800, $0x38;
	[tilespmem:$0x8000] =	vst v63  }
0x123: {  	s22 =	sadd.s32 $0xFFC2F6C0, s24;
	s21 =	sadd.s32 s3, s21;
	s18 =	sshrl.u32 s23, $0x3  }
0x124: {  	[hbm4b:s21+s5] =	stream.linear.scatter [tilespmem:s30], [sflag:$0x2], $0x800, $0x38;
	[tilespmem:$0x8000] =	vst v63  }
0x125: {  	s23 =	sadd.s32 $0xFFD23910, s24;
	s18 =	sadd.s32 s3, s18;
	s20 =	sshrl.u32 s22, $0x3  }
0x126: {  	[hbm4b:s18+s5] =	stream.linear.scatter [tilespmem:s31], [sflag:$0x2], $0x800, $0x38;
	[tilespmem:$0x8000] =	vst v63  }
0x127: {  	s22 =	sadd.s32 $0xFFE17B60, s24;
	s20 =	sadd.s32 s3, s20;
	s21 =	sshrl.u32 s23, $0x3  }
0x128: {  	[hbm4b:s20+s5] =	stream.linear.scatter [tilespmem:s0], [sflag:$0x2], $0x800, $0x38;
	[tilespmem:$0x8000] =	vst v63  }
0x129: {  	s23 =	sadd.s32 $0xFFF0BDB0, s24;
	s21 =	sadd.s32 s3, s21;
	s18 =	sshrl.u32 s22, $0x3  }
0x12a: {  	[hbm4b:s21+s5] =	stream.linear.scatter [tilespmem:s4], [sflag:$0x2], $0x800, $0x38;
	[tilespmem:$0x8000] =	vst v63  }
0x12b: {  	s18 =	sadd.s32 s3, s18;
	s20 =	sshrl.u32 s23, $0x3  }
0x12c: {  	[hbm4b:s18+s5] =	stream.linear.scatter [tilespmem:s2], [sflag:$0x2], $0x800, $0x38;
	[tilespmem:$0x8000] =	vst v63  }
0x12d: {  	s22 =	sshrl.u32 s24, $0x3;
	s20 =	sadd.s32 s3, s20;
	s18 =	sadd.s32 $0xF4250, s24  }
0x12e: {  	[hbm4b:s20+s5] =	stream.linear.scatter [tilespmem:s6], [sflag:$0x2], $0x800, $0x38;
	[tilespmem:$0x8000] =	vst v63  }
0x12f: {  	s23 =	sadd.s32 $0x1E84A0, s24;
	s21 =	sadd.s32 s3, s22;
	s18 =	sshrl.u32 s18, $0x3  }
0x130: {  	[hbm4b:s21+s5] =	stream.linear.scatter [tilespmem:s7], [sflag:$0x2], $0x800, $0x38;
	[tilespmem:$0x8000] =	vst v63  }
0x131: {  	s22 =	sadd.s32 $0x2DC6F0, s24;
	s18 =	sadd.s32 s3, s18;
	s20 =	sshrl.u32 s23, $0x3  }
0x132: {  	[hbm4b:s18+s5] =	stream.linear.scatter [tilespmem:s8], [sflag:$0x2], $0x800, $0x38;
	[tilespmem:$0x8000] =	vst v63  }
0x133: {  	s23 =	sadd.s32 $0x3D0940, s24;
	s20 =	sadd.s32 s3, s20;
	s21 =	sshrl.u32 s22, $0x3  }
0x134: {  	[hbm4b:s20+s5] =	stream.linear.scatter [tilespmem:s9], [sflag:$0x2], $0x800, $0x38;
	[tilespmem:$0x8000] =	vst v63  }
0x135: {  	s22 =	sadd.s32 $0x4C4B90, s24;
	s21 =	sadd.s32 s3, s21;
	s18 =	sshrl.u32 s23, $0x3  }
0x136: {  	[hbm4b:s21+s5] =	stream.linear.scatter [tilespmem:s10], [sflag:$0x2], $0x800, $0x38;
	[tilespmem:$0x8000] =	vst v63  }
0x137: {  	s23 =	sadd.s32 $0x5B8DE0, s24;
	s18 =	sadd.s32 s3, s18;
	s20 =	sshrl.u32 s22, $0x3  }
0x138: {  	[hbm4b:s18+s5] =	stream.linear.scatter [tilespmem:s11], [sflag:$0x2], $0x800, $0x38;
	[tilespmem:$0x8000] =	vst v63  }
0x139: {  	s22 =	sadd.s32 $0x6AD030, s24;
	s20 =	sadd.s32 s3, s20;
	s21 =	sshrl.u32 s23, $0x3  }
0x13a: {  	[hbm4b:s20+s5] =	stream.linear.scatter [tilespmem:s12], [sflag:$0x2], $0x800, $0x38;
	[tilespmem:$0x8000] =	vst v63  }
0x13b: {  	s23 =	sadd.s32 s3, s21;
	s18 =	sshrl.u32 s22, $0x3  }
0x13c: {  	[hbm4b:s23+s5] =	stream.linear.scatter [tilespmem:s13], [sflag:$0x2], $0x800, $0x38;
	[tilespmem:$0x8000] =	vst v63  }
0x13d: {  	s18 =	sadd.s32 s3, s18  }
0x13e: {  	[hbm4b:s18+s5] =	stream.linear.scatter [tilespmem:s14], [sflag:$0x2], $0x800, $0x38;
	[tilespmem:$0x8000] =	vst v63  }
0x13f: {  	_ =	swait.ge [sflag:s16], $0x800  }
0x140: {  	[sflag:s16] =	ssyncset.done $0x0  }
0x141: {  	[sflag:s16] =	ssyncadd.s32 $0xFFFFF800  }
0x142: {  	_ =	swait.ge [sflag:s16], $0x800  }
0x143: {  	[sflag:s16] =	ssyncset.done $0x0  }
0x144: {  	[sflag:s16] =	ssyncadd.s32 $0xFFFFF800  }
0x145: {  	_ =	swait.ge [sflag:s16], $0x800  }
0x146: {  	[sflag:s16] =	ssyncset.done $0x0  }
0x147: {  	[sflag:s16] =	ssyncadd.s32 $0xFFFFF800  }
0x148: {  	_ =	swait.ge [sflag:s16], $0x800  }
0x149: {  	[sflag:s16] =	ssyncset.done $0x0  }
0x14a: {  	[sflag:s16] =	ssyncadd.s32 $0xFFFFF800  }
0x14b: {  	_ =	swait.ge [sflag:s16], $0x800  }
0x14c: {  	[sflag:s16] =	ssyncset.done $0x0  }
0x14d: {  	[sflag:s16] =	ssyncadd.s32 $0xFFFFF800  }
0x14e: {  	_ =	swait.ge [sflag:s16], $0x800  }
0x14f: {  	[sflag:s16] =	ssyncset.done $0x0  }
0x150: {  	[sflag:s16] =	ssyncadd.s32 $0xFFFFF800  }
0x151: {  	_ =	swait.ge [sflag:s16], $0x800  }
0x152: {  	[sflag:s16] =	ssyncset.done $0x0  }
0x153: {  	[sflag:s16] =	ssyncadd.s32 $0xFFFFF800  }
0x154: {  	_ =	swait.ge [sflag:s16], $0x800  }
0x155: {  	[sflag:s16] =	ssyncset.done $0x0  }
0x156: {  	[sflag:s16] =	ssyncadd.s32 $0xFFFFF800  }
0x157: {  	_ =	swait.ge [sflag:s16], $0x800  }
0x158: {  	[sflag:s16] =	ssyncset.done $0x0  }
0x159: {  	[sflag:s16] =	ssyncadd.s32 $0xFFFFF800  }
0x15a: {  	_ =	swait.ge [sflag:s16], $0x800  }
0x15b: {  	[sflag:s16] =	ssyncset.done $0x0  }
0x15c: {  	[sflag:s16] =	ssyncadd.s32 $0xFFFFF800  }
0x15d: {  	_ =	swait.ge [sflag:s16], $0x800  }
0x15e: {  	[sflag:s16] =	ssyncset.done $0x0  }
0x15f: {  	[sflag:s16] =	ssyncadd.s32 $0xFFFFF800  }
0x160: {  	_ =	swait.ge [sflag:s16], $0x800  }
0x161: {  	[sflag:s16] =	ssyncset.done $0x0  }
0x162: {  	[sflag:s16] =	ssyncadd.s32 $0xFFFFF800  }
0x163: {  	_ =	swait.ge [sflag:s16], $0x800  }
0x164: {  	[sflag:s16] =	ssyncset.done $0x0  }
0x165: {  	[sflag:s16] =	ssyncadd.s32 $0xFFFFF800  }
0x166: {  	s17 =	sadd.s32 $0x1, s17;
	_ =	swait.ge [sflag:s16], $0x800  }
0x167: {  	p2 =	seq.s32 s17, $0x0;
	[sflag:s16] =	ssyncset.done $0x0  }
.Ltmp4:
0x168: {  	[sflag:s16] =	ssyncadd.s32 $0xFFFFF800;
	(pc) =	sbr.rel @!p2 .LBB2_5-.Ltmp4, $4  }
0x169: {  	_ =	swait.ge [sflag:s16], $0x800  }
0x16a: {  	[sflag:s16] =	ssyncset.done $0x0  }
0x16b: {  	s24 =	sadd.s32 $0x10000, s24;
	[sflag:s16] =	ssyncadd.s32 $0xFFFFF800  }
0x16c: {  	s25 =	sadd.s32 $0x80000, s25;
	s21 =	sadd.s32 $0xFF85ED80, s24;
	_ =	swait.ge [sflag:s16], $0x800  }
0x16d: {  	s22 =	rddreg [dreg:$0x1e]  }
.LBB2_7:
0x16e: {  	s17 =	sand.u32 $0x1FFFF800, s21;
	[sflag:s16] =	ssyncset.done @p1 $0x0  }
0x16f: {  	s18 =	rddreg [dreg:$0x4];
	s20 =	sadd.s32 s1, s17;
	[sflag:s16] =	ssyncadd.s32 @p1 $0xFFFFF800  }
0x170: {  	[tilespmem:s5], [sflag:$0x1] =	stream.strided.gather [hbm4b:s20+s26], $0x800, s28, s26, $0x38;
	[tilespmem:$0x8000] =	vst v63  }
0x171: {  	s18 =	sadd.s32 s17, s18;
	s20 =	rddreg [dreg:$0x5]  }
0x172: {  	[tilespmem:s29], [sflag:$0x1] =	stream.strided.gather [hbm4b:s18+s26], $0x800, s28, s26, $0x38;
	[tilespmem:$0x8000] =	vst v63  }
0x173: {  	s23 =	rddreg [dreg:$0x6];
	s20 =	sadd.s32 s17, s20  }
0x174: {  	[tilespmem:s30], [sflag:$0x1] =	stream.strided.gather [hbm4b:s20+s26], $0x800, s28, s26, $0x38;
	[tilespmem:$0x8000] =	vst v63  }
0x175: {  	s18 =	sadd.s32 s17, s23;
	s20 =	rddreg [dreg:$0x7]  }
0x176: {  	[tilespmem:s31], [sflag:$0x1] =	stream.strided.gather [hbm4b:s18+s26], $0x800, s28, s26, $0x38;
	[tilespmem:$0x8000] =	vst v63  }
0x177: {  	s23 =	rddreg [dreg:$0x8];
	s20 =	sadd.s32 s17, s20  }
0x178: {  	[tilespmem:s0], [sflag:$0x1] =	stream.strided.gather [hbm4b:s20+s26], $0x800, s28, s26, $0x38;
	[tilespmem:$0x8000] =	vst v63  }
0x179: {  	s18 =	sadd.s32 s17, s23;
	s20 =	rddreg [dreg:$0x9]  }
0x17a: {  	[tilespmem:s4], [sflag:$0x1] =	stream.strided.gather [hbm4b:s18+s26], $0x800, s28, s26, $0x38;
	[tilespmem:$0x8000] =	vst v63  }
0x17b: {  	s23 =	rddreg [dreg:$0xa];
	s20 =	sadd.s32 s17, s20  }
0x17c: {  	[tilespmem:s2], [sflag:$0x1] =	stream.strided.gather [hbm4b:s20+s26], $0x800, s28, s26, $0x38;
	[tilespmem:$0x8000] =	vst v63  }
0x17d: {  	s17 =	sadd.s32 s17, s23;
	s20 =	sadd.s32 $0xFFFFFC80, s25  }
0x17e: {  	[tilespmem:s6], [sflag:$0x1] =	stream.strided.gather [hbm4b:s17+s26], $0x800, s28, s26, $0x38;
	[tilespmem:$0x8000] =	vst v63  }
0x17f: {  	s17 =	sshrl.u32 s20, $0x3  }
0x180: {  	s23 =	sadd.s32 $0xFFFFFD00, s25;
	s17 =	sadd.s32 s1, s17  }
0x181: {  	[tilespmem:s7], [sflag:$0x1] =	stream.strided.gather [hbm4b:s17+s26], $0x800, s28, s26, $0x38;
	[tilespmem:$0x8000] =	vst v63  }
0x182: {  	s17 =	sshrl.u32 s23, $0x3  }
0x183: {  	s18 =	sadd.s32 $0xFFFFFD80, s25;
	s17 =	sadd.s32 s1, s17  }
0x184: {  	[tilespmem:s8], [sflag:$0x1] =	stream.strided.gather [hbm4b:s17+s26], $0x800, s28, s26, $0x38;
	[tilespmem:$0x8000] =	vst v63  }
0x185: {  	s17 =	sshrl.u32 s18, $0x3  }
0x186: {  	s20 =	sadd.s32 $0xFFFFFE00, s25;
	s17 =	sadd.s32 s1, s17  }
0x187: {  	[tilespmem:s9], [sflag:$0x1] =	stream.strided.gather [hbm4b:s17+s26], $0x800, s28, s26, $0x38;
	[tilespmem:$0x8000] =	vst v63  }
0x188: {  	s17 =	sshrl.u32 s20, $0x3  }
0x189: {  	s23 =	sadd.s32 $0xFFFFFE80, s25;
	s17 =	sadd.s32 s1, s17  }
0x18a: {  	[tilespmem:s10], [sflag:$0x1] =	stream.strided.gather [hbm4b:s17+s26], $0x800, s28, s26, $0x38;
	[tilespmem:$0x8000] =	vst v63  }
0x18b: {  	s17 =	sshrl.u32 s23, $0x3  }
0x18c: {  	s18 =	sadd.s32 $0xFFFFFF00, s25;
	s17 =	sadd.s32 s1, s17  }
0x18d: {  	[tilespmem:s11], [sflag:$0x1] =	stream.strided.gather [hbm4b:s17+s26], $0x800, s28, s26, $0x38;
	[tilespmem:$0x8000] =	vst v63  }
0x18e: {  	s17 =	sshrl.u32 s18, $0x3  }
0x18f: {  	s20 =	sadd.s32 $0xFFFFFF80, s25;
	s17 =	sadd.s32 s1, s17  }
0x190: {  	[tilespmem:s12], [sflag:$0x1] =	stream.strided.gather [hbm4b:s17+s26], $0x800, s28, s26, $0x38;
	[tilespmem:$0x8000] =	vst v63  }
0x191: {  	s17 =	sshrl.u32 s20, $0x3  }
0x192: {  	s23 =	sshrl.u32 s25, $0x3;
	s17 =	sadd.s32 s1, s17  }
0x193: {  	[tilespmem:s13], [sflag:$0x1] =	stream.strided.gather [hbm4b:s17+s26], $0x800, s28, s26, $0x38;
	[tilespmem:$0x8000] =	vst v63  }
0x194: {  	s17 =	sadd.s32 s1, s23  }
0x195: {  	[tilespmem:s14], [sflag:$0x1] =	stream.strided.gather [hbm4b:s17+s26], $0x800, s28, s26, $0x38;
	[tilespmem:$0x8000] =	vst v63  }
0x196: {  	_ =	swait.ge [sflag:s15], $0x800  }
0x197: {  	[sflag:s15] =	ssyncset.done $0x0  }
0x198: {  	[sflag:s15] =	ssyncadd.s32 $0xFFFFF800  }
0x199: {  	_ =	swait.ge [sflag:s15], $0x800  }
0x19a: {  	[sflag:s15] =	ssyncset.done $0x0  }
0x19b: {  	[sflag:s15] =	ssyncadd.s32 $0xFFFFF800  }
0x19c: {  	_ =	swait.ge [sflag:s15], $0x800  }
0x19d: {  	[sflag:s15] =	ssyncset.done $0x0  }
0x19e: {  	[sflag:s15] =	ssyncadd.s32 $0xFFFFF800  }
0x19f: {  	_ =	swait.ge [sflag:s15], $0x800  }
0x1a0: {  	[sflag:s15] =	ssyncset.done $0x0  }
0x1a1: {  	[sflag:s15] =	ssyncadd.s32 $0xFFFFF800  }
0x1a2: {  	_ =	swait.ge [sflag:s15], $0x800  }
0x1a3: {  	[sflag:s15] =	ssyncset.done $0x0  }
0x1a4: {  	[sflag:s15] =	ssyncadd.s32 $0xFFFFF800  }
0x1a5: {  	_ =	swait.ge [sflag:s15], $0x800  }
0x1a6: {  	[sflag:s15] =	ssyncset.done $0x0  }
0x1a7: {  	[sflag:s15] =	ssyncadd.s32 $0xFFFFF800  }
0x1a8: {  	_ =	swait.ge [sflag:s15], $0x800  }
0x1a9: {  	[sflag:s15] =	ssyncset.done $0x0  }
0x1aa: {  	[sflag:s15] =	ssyncadd.s32 $0xFFFFF800  }
0x1ab: {  	_ =	swait.ge [sflag:s15], $0x800  }
0x1ac: {  	[sflag:s15] =	ssyncset.done $0x0  }
0x1ad: {  	[sflag:s15] =	ssyncadd.s32 $0xFFFFF800  }
0x1ae: {  	_ =	swait.ge [sflag:s15], $0x800  }
0x1af: {  	[sflag:s15] =	ssyncset.done $0x0  }
0x1b0: {  	[sflag:s15] =	ssyncadd.s32 $0xFFFFF800  }
0x1b1: {  	_ =	swait.ge [sflag:s15], $0x800  }
0x1b2: {  	[sflag:s15] =	ssyncset.done $0x0  }
0x1b3: {  	[sflag:s15] =	ssyncadd.s32 $0xFFFFF800  }
0x1b4: {  	_ =	swait.ge [sflag:s15], $0x800  }
0x1b5: {  	[sflag:s15] =	ssyncset.done $0x0  }
0x1b6: {  	[sflag:s15] =	ssyncadd.s32 $0xFFFFF800  }
0x1b7: {  	_ =	swait.ge [sflag:s15], $0x800  }
0x1b8: {  	[sflag:s15] =	ssyncset.done $0x0  }
0x1b9: {  	[sflag:s15] =	ssyncadd.s32 $0xFFFFF800  }
0x1ba: {  	_ =	swait.ge [sflag:s15], $0x800  }
0x1bb: {  	[sflag:s15] =	ssyncset.done $0x0  }
0x1bc: {  	[sflag:s15] =	ssyncadd.s32 $0xFFFFF800  }
0x1bd: {  	_ =	swait.ge [sflag:s15], $0x800  }
0x1be: {  	[sflag:s15] =	ssyncset.done $0x0  }
0x1bf: {  	[sflag:s15] =	ssyncadd.s32 $0xFFFFF800  }
0x1c0: {  	_ =	swait.ge [sflag:s15], $0x800  }
0x1c1: {  	[sflag:s15] =	ssyncset.done $0x0  }
0x1c2: {  	[sflag:s15] =	ssyncadd.s32 $0xFFFFF800  }
0x1c3: {  	_ =	swait.ge [sflag:s15], $0x800  }
0x1c4: {  	s25 =	sshrl.u32 s21, $0x3;
	[sflag:s15] =	ssyncset.done $0x0  }
0x1c5: {  	s18 =	sadd.s32 $0xFF952FD0, s24;
	s17 =	sadd.s32 s3, s25;
	[sflag:s15] =	ssyncadd.s32 $0xFFFFF800  }
0x1c6: {  	[hbm4b:s17+s5] =	stream.linear.scatter [tilespmem:s5], [sflag:$0x2], $0x800, $0x38;
	[tilespmem:$0x8000] =	vst v63  }
0x1c7: {  	s17 =	sshrl.u32 s18, $0x3  }
0x1c8: {  	s20 =	sadd.s32 $0xFFA47220, s24;
	s17 =	sadd.s32 s3, s17  }
0x1c9: {  	[hbm4b:s17+s5] =	stream.linear.scatter [tilespmem:s29], [sflag:$0x2], $0x800, $0x38;
	[tilespmem:$0x8000] =	vst v63  }
0x1ca: {  	s17 =	sshrl.u32 s20, $0x3  }
0x1cb: {  	s21 =	sadd.s32 $0xFFB3B470, s24;
	s17 =	sadd.s32 s3, s17  }
0x1cc: {  	[hbm4b:s17+s5] =	stream.linear.scatter [tilespmem:s30], [sflag:$0x2], $0x800, $0x38;
	[tilespmem:$0x8000] =	vst v63  }
0x1cd: {  	s17 =	sshrl.u32 s21, $0x3  }
0x1ce: {  	s23 =	sadd.s32 $0xFFC2F6C0, s24;
	s17 =	sadd.s32 s3, s17  }
0x1cf: {  	[hbm4b:s17+s5] =	stream.linear.scatter [tilespmem:s31], [sflag:$0x2], $0x800, $0x38;
	[tilespmem:$0x8000] =	vst v63  }
0x1d0: {  	s17 =	sshrl.u32 s23, $0x3  }
0x1d1: {  	s25 =	sadd.s32 $0xFFD23910, s24;
	s17 =	sadd.s32 s3, s17  }
0x1d2: {  	[hbm4b:s17+s5] =	stream.linear.scatter [tilespmem:s0], [sflag:$0x2], $0x800, $0x38;
	[tilespmem:$0x8000] =	vst v63  }
0x1d3: {  	s17 =	sshrl.u32 s25, $0x3  }
0x1d4: {  	s18 =	sadd.s32 $0xFFE17B60, s24;
	s17 =	sadd.s32 s3, s17  }
0x1d5: {  	[hbm4b:s17+s5] =	stream.linear.scatter [tilespmem:s4], [sflag:$0x2], $0x800, $0x38;
	[tilespmem:$0x8000] =	vst v63  }
0x1d6: {  	s17 =	sshrl.u32 s18, $0x3  }
0x1d7: {  	s20 =	sadd.s32 $0xFFF0BDB0, s24;
	s17 =	sadd.s32 s3, s17  }
0x1d8: {  	[hbm4b:s17+s5] =	stream.linear.scatter [tilespmem:s2], [sflag:$0x2], $0x800, $0x38;
	[tilespmem:$0x8000] =	vst v63  }
0x1d9: {  	s17 =	sshrl.u32 s20, $0x3  }
0x1da: {  	s21 =	sshrl.u32 s24, $0x3;
	s17 =	sadd.s32 s3, s17  }
0x1db: {  	[hbm4b:s17+s5] =	stream.linear.scatter [tilespmem:s6], [sflag:$0x2], $0x800, $0x38;
	[tilespmem:$0x8000] =	vst v63  }
0x1dc: {  	s23 =	sadd.s32 $0xF4250, s24;
	s17 =	sadd.s32 s3, s21  }
0x1dd: {  	[hbm4b:s17+s5] =	stream.linear.scatter [tilespmem:s7], [sflag:$0x2], $0x800, $0x38;
	[tilespmem:$0x8000] =	vst v63  }
0x1de: {  	s17 =	sshrl.u32 s23, $0x3  }
0x1df: {  	s25 =	sadd.s32 $0x1E84A0, s24;
	s17 =	sadd.s32 s3, s17  }
0x1e0: {  	[hbm4b:s17+s5] =	stream.linear.scatter [tilespmem:s8], [sflag:$0x2], $0x800, $0x38;
	[tilespmem:$0x8000] =	vst v63  }
0x1e1: {  	s17 =	sshrl.u32 s25, $0x3  }
0x1e2: {  	s18 =	sadd.s32 $0x2DC6F0, s24;
	s17 =	sadd.s32 s3, s17  }
0x1e3: {  	[hbm4b:s17+s5] =	stream.linear.scatter [tilespmem:s9], [sflag:$0x2], $0x800, $0x38;
	[tilespmem:$0x8000] =	vst v63  }
0x1e4: {  	s17 =	sshrl.u32 s18, $0x3  }
0x1e5: {  	s20 =	sadd.s32 $0x3D0940, s24;
	s17 =	sadd.s32 s3, s17  }
0x1e6: {  	[hbm4b:s17+s5] =	stream.linear.scatter [tilespmem:s10], [sflag:$0x2], $0x800, $0x38;
	[tilespmem:$0x8000] =	vst v63  }
0x1e7: {  	s17 =	sshrl.u32 s20, $0x3  }
0x1e8: {  	s21 =	sadd.s32 $0x4C4B90, s24;
	s17 =	sadd.s32 s3, s17  }
0x1e9: {  	[hbm4b:s17+s5] =	stream.linear.scatter [tilespmem:s11], [sflag:$0x2], $0x800, $0x38;
	[tilespmem:$0x8000] =	vst v63  }
0x1ea: {  	s17 =	sshrl.u32 s21, $0x3  }
0x1eb: {  	s23 =	sadd.s32 $0x5B8DE0, s24;
	s17 =	sadd.s32 s3, s17  }
0x1ec: {  	[hbm4b:s17+s5] =	stream.linear.scatter [tilespmem:s12], [sflag:$0x2], $0x800, $0x38;
	[tilespmem:$0x8000] =	vst v63  }
0x1ed: {  	s17 =	sshrl.u32 s23, $0x3  }
0x1ee: {  	s25 =	sadd.s32 $0x6AD030, s24;
	s17 =	sadd.s32 s3, s17  }
0x1ef: {  	[hbm4b:s17+s5] =	stream.linear.scatter [tilespmem:s13], [sflag:$0x2], $0x800, $0x38;
	[tilespmem:$0x8000] =	vst v63  }
0x1f0: {  	s17 =	sshrl.u32 s25, $0x3  }
0x1f1: {  	s17 =	sadd.s32 s3, s17  }
0x1f2: {  	[hbm4b:s17+s5] =	stream.linear.scatter [tilespmem:s14], [sflag:$0x2], $0x800, $0x38;
	[tilespmem:$0x8000] =	vst v63  }
0x1f3: {  	_ =	swait.ge [sflag:s16], $0x800  }
0x1f4: {  	[sflag:s16] =	ssyncset.done $0x0  }
0x1f5: {  	[sflag:s16] =	ssyncadd.s32 $0xFFFFF800  }
0x1f6: {  	_ =	swait.ge [sflag:s16], $0x800  }
0x1f7: {  	[sflag:s16] =	ssyncset.done $0x0  }
0x1f8: {  	[sflag:s16] =	ssyncadd.s32 $0xFFFFF800  }
0x1f9: {  	_ =	swait.ge [sflag:s16], $0x800  }
0x1fa: {  	[sflag:s16] =	ssyncset.done $0x0  }
0x1fb: {  	[sflag:s16] =	ssyncadd.s32 $0xFFFFF800  }
0x1fc: {  	_ =	swait.ge [sflag:s16], $0x800  }
0x1fd: {  	[sflag:s16] =	ssyncset.done $0x0  }
0x1fe: {  	[sflag:s16] =	ssyncadd.s32 $0xFFFFF800  }
0x1ff: {  	_ =	swait.ge [sflag:s16], $0x800  }
0x200: {  	[sflag:s16] =	ssyncset.done $0x0  }
0x201: {  	[sflag:s16] =	ssyncadd.s32 $0xFFFFF800  }
0x202: {  	_ =	swait.ge [sflag:s16], $0x800  }
0x203: {  	[sflag:s16] =	ssyncset.done $0x0  }
0x204: {  	[sflag:s16] =	ssyncadd.s32 $0xFFFFF800  }
0x205: {  	_ =	swait.ge [sflag:s16], $0x800  }
0x206: {  	[sflag:s16] =	ssyncset.done $0x0  }
0x207: {  	[sflag:s16] =	ssyncadd.s32 $0xFFFFF800  }
0x208: {  	_ =	swait.ge [sflag:s16], $0x800  }
0x209: {  	[sflag:s16] =	ssyncset.done $0x0  }
0x20a: {  	[sflag:s16] =	ssyncadd.s32 $0xFFFFF800  }
0x20b: {  	_ =	swait.ge [sflag:s16], $0x800  }
0x20c: {  	[sflag:s16] =	ssyncset.done $0x0  }
0x20d: {  	[sflag:s16] =	ssyncadd.s32 $0xFFFFF800  }
0x20e: {  	_ =	swait.ge [sflag:s16], $0x800  }
0x20f: {  	[sflag:s16] =	ssyncset.done $0x0  }
0x210: {  	[sflag:s16] =	ssyncadd.s32 $0xFFFFF800  }
0x211: {  	_ =	swait.ge [sflag:s16], $0x800  }
0x212: {  	[sflag:s16] =	ssyncset.done $0x0  }
0x213: {  	[sflag:s16] =	ssyncadd.s32 $0xFFFFF800  }
0x214: {  	_ =	swait.ge [sflag:s16], $0x800  }
0x215: {  	[sflag:s16] =	ssyncset.done $0x0  }
0x216: {  	[sflag:s16] =	ssyncadd.s32 $0xFFFFF800  }
0x217: {  	_ =	swait.ge [sflag:s16], $0x800  }
0x218: {  	[sflag:s16] =	ssyncset.done $0x0  }
0x219: {  	[sflag:s16] =	ssyncadd.s32 $0xFFFFF800  }
0x21a: {  	_ =	swait.ge [sflag:s16], $0x800  }
0x21b: {  	[sflag:s16] =	ssyncset.done $0x0  }
0x21c: {  	[sflag:s16] =	ssyncadd.s32 $0xFFFFF800  }
0x21d: {  	_ =	swait.ge [sflag:s16], $0x800  }
.Ltmp5:
0x21e: {  	[sflag:s16] =	ssyncset.done $0x0;
	(pc) =	sbr.rel @p0 .LBB2_9-.Ltmp5, $4  }
0x21f: {  	[sflag:s16] =	ssyncadd.s32 $0xFFFFF800  }
0x220: {  	_ =	swait.ge [sflag:s16], $0x800  }
0x221: {  	[sflag:s16] =	ssyncset.done $0x0  }
0x222: {  	[sflag:s16] =	ssyncadd.s32 $0xFFFFF800  }
0x223: {  	s17 =	rddreg [dreg:$0x1];
	s25 =	simm.s32 $0x3  }
0x224: {  	[tilespmem:s5], [sflag:$0x3] =	stream.linear.gather [hbm4b:s17+s5], $0x2500, $0x38;
	[tilespmem:$0x8000] =	vst v63  }
0x225: {  	_ =	swait.ge [sflag:s25], $0x2500  }
0x226: {  	[sflag:s25] =	ssyncset.done $0x0  }
0x227: {  	s18 =	rddreg [dreg:$0xb];
	[sflag:s25] =	ssyncadd.s32 $0xFFFFDB00  }
0x228: {  	[hbm4b:s18+s5] =	stream.linear.scatter [tilespmem:s5], [sflag:$0x2], $0x250, $0x38;
	[tilespmem:$0x8000] =	vst v63  }
0x229: {  	s20 =	rddreg [dreg:$0xc];
	s18 =	simm.s32 $0x250  }
0x22a: {  	[hbm4b:s20+s5] =	stream.linear.scatter [tilespmem:s18], [sflag:$0x2], $0x250, $0x38;
	[tilespmem:$0x8000] =	vst v63  }
0x22b: {  	s23 =	simm.s32 $0x4A0;
	s21 =	rddreg [dreg:$0xd]  }
0x22c: {  	[hbm4b:s21+s5] =	stream.linear.scatter [tilespmem:s23], [sflag:$0x2], $0x250, $0x38;
	[tilespmem:$0x8000] =	vst v63  }
0x22d: {  	s24 =	rddreg [dreg:$0xe];
	s25 =	simm.s32 $0x6F0  }
0x22e: {  	[hbm4b:s24+s5] =	stream.linear.scatter [tilespmem:s25], [sflag:$0x2], $0x250, $0x38;
	[tilespmem:$0x8000] =	vst v63  }
0x22f: {  	s18 =	rddreg [dreg:$0xf];
	s20 =	simm.s32 $0x940  }
0x230: {  	[hbm4b:s18+s5] =	stream.linear.scatter [tilespmem:s20], [sflag:$0x2], $0x250, $0x38;
	[tilespmem:$0x8000] =	vst v63  }
0x231: {  	s21 =	rddreg [dreg:$0x10];
	s23 =	simm.s32 $0xB90  }
0x232: {  	[hbm4b:s21+s5] =	stream.linear.scatter [tilespmem:s23], [sflag:$0x2], $0x250, $0x38;
	[tilespmem:$0x8000] =	vst v63  }
0x233: {  	s24 =	rddreg [dreg:$0x11];
	s25 =	simm.s32 $0xDE0  }
0x234: {  	[hbm4b:s24+s5] =	stream.linear.scatter [tilespmem:s25], [sflag:$0x2], $0x250, $0x38;
	[tilespmem:$0x8000] =	vst v63  }
0x235: {  	s18 =	rddreg [dreg:$0x12];
	s20 =	simm.s32 $0x1030  }
0x236: {  	[hbm4b:s18+s5] =	stream.linear.scatter [tilespmem:s20], [sflag:$0x2], $0x250, $0x38;
	[tilespmem:$0x8000] =	vst v63  }
0x237: {  	s21 =	rddreg [dreg:$0x13];
	s23 =	simm.s32 $0x1280  }
0x238: {  	[hbm4b:s21+s5] =	stream.linear.scatter [tilespmem:s23], [sflag:$0x2], $0x250, $0x38;
	[tilespmem:$0x8000] =	vst v63  }
0x239: {  	s24 =	rddreg [dreg:$0x14];
	s25 =	simm.s32 $0x14D0  }
0x23a: {  	[hbm4b:s24+s5] =	stream.linear.scatter [tilespmem:s25], [sflag:$0x2], $0x250, $0x38;
	[tilespmem:$0x8000] =	vst v63  }
0x23b: {  	s18 =	rddreg [dreg:$0x15];
	s20 =	simm.s32 $0x1720  }
0x23c: {  	[hbm4b:s18+s5] =	stream.linear.scatter [tilespmem:s20], [sflag:$0x2], $0x250, $0x38;
	[tilespmem:$0x8000] =	vst v63  }
0x23d: {  	s21 =	rddreg [dreg:$0x16];
	s23 =	simm.s32 $0x1970  }
0x23e: {  	[hbm4b:s21+s5] =	stream.linear.scatter [tilespmem:s23], [sflag:$0x2], $0x250, $0x38;
	[tilespmem:$0x8000] =	vst v63  }
0x23f: {  	s24 =	rddreg [dreg:$0x17];
	s25 =	simm.s32 $0x1BC0  }
0x240: {  	[hbm4b:s24+s5] =	stream.linear.scatter [tilespmem:s25], [sflag:$0x2], $0x250, $0x38;
	[tilespmem:$0x8000] =	vst v63  }
0x241: {  	s18 =	rddreg [dreg:$0x18];
	s20 =	simm.s32 $0x1E10  }
0x242: {  	[hbm4b:s18+s5] =	stream.linear.scatter [tilespmem:s20], [sflag:$0x2], $0x250, $0x38;
	[tilespmem:$0x8000] =	vst v63  }
0x243: {  	s21 =	rddreg [dreg:$0x19];
	s23 =	simm.s32 $0x2060  }
0x244: {  	[hbm4b:s21+s5] =	stream.linear.scatter [tilespmem:s23], [sflag:$0x2], $0x250, $0x38;
	[tilespmem:$0x8000] =	vst v63  }
0x245: {  	s24 =	rddreg [dreg:$0x1a];
	s25 =	simm.s32 $0x22B0  }
0x246: {  	[hbm4b:s24+s5] =	stream.linear.scatter [tilespmem:s25], [sflag:$0x2], $0x250, $0x38;
	[tilespmem:$0x8000] =	vst v63  }
0x247: {  	_ =	swait.ge [sflag:s16], $0x250  }
0x248: {  	[sflag:s16] =	ssyncset.done $0x0  }
0x249: {  	[sflag:s16] =	ssyncadd.s32 $0xFFFFFDB0  }
0x24a: {  	_ =	swait.ge [sflag:s16], $0x250  }
0x24b: {  	[sflag:s16] =	ssyncset.done $0x0  }
0x24c: {  	[sflag:s16] =	ssyncadd.s32 $0xFFFFFDB0  }
0x24d: {  	_ =	swait.ge [sflag:s16], $0x250  }
0x24e: {  	[sflag:s16] =	ssyncset.done $0x0  }
0x24f: {  	[sflag:s16] =	ssyncadd.s32 $0xFFFFFDB0  }
0x250: {  	_ =	swait.ge [sflag:s16], $0x250  }
0x251: {  	[sflag:s16] =	ssyncset.done $0x0  }
0x252: {  	[sflag:s16] =	ssyncadd.s32 $0xFFFFFDB0  }
0x253: {  	_ =	swait.ge [sflag:s16], $0x250  }
0x254: {  	[sflag:s16] =	ssyncset.done $0x0  }
0x255: {  	[sflag:s16] =	ssyncadd.s32 $0xFFFFFDB0  }
0x256: {  	_ =	swait.ge [sflag:s16], $0x250  }
0x257: {  	[sflag:s16] =	ssyncset.done $0x0  }
0x258: {  	[sflag:s16] =	ssyncadd.s32 $0xFFFFFDB0  }
0x259: {  	_ =	swait.ge [sflag:s16], $0x250  }
0x25a: {  	[sflag:s16] =	ssyncset.done $0x0  }
0x25b: {  	[sflag:s16] =	ssyncadd.s32 $0xFFFFFDB0  }
0x25c: {  	_ =	swait.ge [sflag:s16], $0x250  }
0x25d: {  	[sflag:s16] =	ssyncset.done $0x0  }
0x25e: {  	[sflag:s16] =	ssyncadd.s32 $0xFFFFFDB0  }
0x25f: {  	_ =	swait.ge [sflag:s16], $0x250  }
0x260: {  	[sflag:s16] =	ssyncset.done $0x0  }
0x261: {  	[sflag:s16] =	ssyncadd.s32 $0xFFFFFDB0  }
0x262: {  	_ =	swait.ge [sflag:s16], $0x250  }
0x263: {  	[sflag:s16] =	ssyncset.done $0x0  }
0x264: {  	[sflag:s16] =	ssyncadd.s32 $0xFFFFFDB0  }
0x265: {  	_ =	swait.ge [sflag:s16], $0x250  }
0x266: {  	[sflag:s16] =	ssyncset.done $0x0  }
0x267: {  	[sflag:s16] =	ssyncadd.s32 $0xFFFFFDB0  }
0x268: {  	_ =	swait.ge [sflag:s16], $0x250  }
0x269: {  	[sflag:s16] =	ssyncset.done $0x0  }
0x26a: {  	[sflag:s16] =	ssyncadd.s32 $0xFFFFFDB0  }
0x26b: {  	_ =	swait.ge [sflag:s16], $0x250  }
0x26c: {  	[sflag:s16] =	ssyncset.done $0x0  }
0x26d: {  	[sflag:s16] =	ssyncadd.s32 $0xFFFFFDB0  }
0x26e: {  	_ =	swait.ge [sflag:s16], $0x250  }
0x26f: {  	[sflag:s16] =	ssyncset.done $0x0  }
0x270: {  	[sflag:s16] =	ssyncadd.s32 $0xFFFFFDB0  }
0x271: {  	_ =	swait.ge [sflag:s16], $0x250  }
.Ltmp6:
0x272: {  	[sflag:s16] =	ssyncset.done $0x0;
	(pc) =	sbr.rel .LBB2_9-.Ltmp6, $4  }
0x273: {  	[sflag:s16] =	ssyncadd.s32 $0xFFFFFDB0  }
0x274: {  	_ =	swait.ge [sflag:s16], $0x250  }
0x275: {  	[sflag:s16] =	ssyncset.done $0x0  }
0x276: {  	[sflag:s16] =	ssyncadd.s32 $0xFFFFFDB0  }
.LBB2_2:
.Ltmp7:
0x277: {  	(pc) =	sbr.rel .LBB2_7-.Ltmp7, $2  }
0x278: {  	_ =	sdelay $0x2  }
0x279: {  	s25 =	rddreg [dreg:$0x1d];
	s24 =	smov.u32 s19  }
.LBB2_4:
.Ltmp8:
0x27a: {  	(pc) =	sbr.rel .LBB2_7-.Ltmp8, $2  }
0x27b: {  	_ =	sdelay $0x2  }
0x27c: {  	s22 =	rddreg [dreg:$0x1e]  }
.LBB2_10:
0x27d: {  	_ =	sfence.sel $0x180000  }
0x27e: {  	[bflag:$0x0] =	sbarrier.arrive $0xFFFF  }
0x27f: {  	_ =	strace $0x90000047  }
0x280: {  	s0 =	stileid.u32;
	[bflag:$0x2] =	sbarrier.arrive $0xFFFF  }
0x281: {  	p0 =	sne.s32 s0, $0x0;
	s0 =	rddreg [dreg:$0x3]  }
0x282: {  	s0 =	sadd.s32 @!p0 $0x100000, s0  }
0x283: {  	[sflag:s0] =	ssyncadd.tile.s32 @!p0 $0x1;
	_ =	shalt  }
.Lfunc_end2:
_tile_overlayer_lowered:
.L_overlay_start_2:
0x284: {  	(tag) =	ssettag $0x2  }
0x285: {  	s0 =	rddreg [dreg:$0x0];
	s2 =	stileid.u32  }
0x286: {  	s1 =	rddreg [dreg:$0x1];
	p0 =	sne.s32 s2, $0x0  }
0x287: {  	s3 =	rddreg [dreg:$0x2];
	[bflag:$0x3] =	sbarrier.arrive $0xFFFF;
	s2 =	simm.s32 @!p0 $0x1C03  }
0x288: {  	[timem:s3], [sflag:s2] =	dma.local @!p0 [hbm:s0], s1  }
0x289: {  	s0 =	simm.s32 @!p0 $0x3  }
0x28a: {  	_ =	swait.ge @!p0 [sflag:s0], s1  }
0x28b: {  	s1 =	ssub.s32 @!p0 $0x0, s1;
	[sflag:s0] =	ssyncset.done @!p0 $0x0  }
0x28c: {  	[sflag:s0] =	ssyncadd.s32 @!p0 s1  }
0x28d: {  	[bflag:$0x3] =	sbarrier.arrive $0xFFFF  }
0x28e: {  	_ =	shalt  }

</sc_bundles>
